<compile_context>
chip_gen: v7x
topology: tpu7x:2x2x1
jax: 0.10.2.dev20260603
libtpu: 0.0.44.dev20260713+nightly
codegen_flags: <defaults>
</compile_context>

<pallas_src>
import functools

import jax
import jax.numpy as jnp
from jax import lax
from jax.experimental import pallas as pl
from jax.experimental.pallas import tpu as pltpu
from jax.experimental.pallas import tpu_sc as plsc

N_NODES = 10000
N_EDGES = 320000
D = 128
ALPHA = 0.5

NS = 16
CHUNK = 128
NCHUNK = 160
EDGES_PAD = NS * NCHUNK * CHUNK
PAD_ROWS = 240
N_PAD = N_NODES + PAD_ROWS
INIT_ROWS_PER_TILE = N_PAD // NS
ROWS_PER_TILE = 624
ROWS_TAIL = N_NODES - NS * ROWS_PER_TILE
HIST_W = 16

_mesh = plsc.VectorSubcoreMesh(core_axis_name="c", subcore_axis_name="s")
_sc_params = pltpu.CompilerParams(use_tc_tiling_on_sc=False)


def _init_tile_rows(tile, fn):
    base = tile * INIT_ROWS_PER_TILE

    @pl.loop(0, INIT_ROWS_PER_TILE // CHUNK)
    def _(c):
        fn(base + c * CHUNK, CHUNK)


def _out_tile_rows(tile, fn):
    base = tile * ROWS_PER_TILE
    n_full = ROWS_PER_TILE // CHUNK
    rem = ROWS_PER_TILE % CHUNK

    @pl.loop(0, n_full)
    def _(c):
        fn(base + c * CHUNK, CHUNK)

    if rem:
        fn(base + n_full * CHUNK, rem)

    @pl.when(tile == NS - 1)
    def _():
        fn(NS * ROWS_PER_TILE, ROWS_TAIL)


def _fill_rows(buf, width, value):

    @pl.loop(0, CHUNK)
    def _(i):
        for j in range(width // 16):
            buf[i, pl.ds(j * 16, 16)] = jnp.full((16,), value, jnp.float32)


@functools.partial(
    pl.kernel,
    out_type=(
        jax.ShapeDtypeStruct((N_PAD, HIST_W), jnp.float32),
        jax.ShapeDtypeStruct((N_PAD, HIST_W), jnp.float32),
    ),
    mesh=_mesh,
    scratch_types=[
        pltpu.VMEM((NCHUNK, CHUNK), jnp.int32),
        pltpu.VMEM((CHUNK, HIST_W), jnp.float32),
        pltpu.VMEM((CHUNK, HIST_W), jnp.float32),
        pltpu.VMEM_SHARED((N_PAD, HIST_W), jnp.float32),
        pltpu.SemaphoreType.DMA,
    ],
    compiler_params=_sc_params,
)
def _degree_sc(row_hbm, col_hbm, degf_hbm, degb_hbm, idx_v, ones_v, zero_v,
               hist, sem):
    core = lax.axis_index("c")
    tile = lax.axis_index("s")

    _fill_rows(ones_v, HIST_W, 1.0)
    _fill_rows(zero_v, HIST_W, 0.0)
    _init_tile_rows(
        tile,
        lambda off, sz: pltpu.sync_copy(zero_v.at[pl.ds(0, sz)],
                                        hist.at[pl.ds(off, sz)]))

    @pl.when(core == 0)
    def _():
        pltpu.sync_copy(row_hbm.at[tile], idx_v)

    @pl.when(core == 1)
    def _():
        pltpu.sync_copy(col_hbm.at[tile], idx_v)

    plsc.subcore_barrier()

    DEPTH = 4
    for k in range(DEPTH):
        pltpu.async_copy(ones_v, hist.at[idx_v.at[k]], sem, add=True)

    @pl.loop(0, NCHUNK)
    def _(c):
        @pl.when(c + DEPTH < NCHUNK)
        def _():
            pltpu.async_copy(ones_v, hist.at[idx_v.at[c + DEPTH]], sem,
                             add=True)

        pltpu.make_async_copy(ones_v, hist.at[idx_v.at[c]], sem).wait()

    plsc.subcore_barrier()

    def _writeout(out_hbm):
        def fn(off, sz):
            pltpu.sync_copy(hist.at[pl.ds(off, sz)], zero_v.at[pl.ds(0, sz)])
            pltpu.sync_copy(zero_v.at[pl.ds(0, sz)], out_hbm.at[pl.ds(off, sz)])

        _init_tile_rows(tile, fn)

    @pl.when(core == 0)
    def _():
        _writeout(degf_hbm)

    @pl.when(core == 1)
    def _():
        _writeout(degb_hbm)


DH = D // 2


@functools.partial(
    pl.kernel,
    out_type=(
        jax.ShapeDtypeStruct((N_NODES, DH), jnp.float32),
        jax.ShapeDtypeStruct((N_NODES, DH), jnp.float32),
        jax.ShapeDtypeStruct((N_NODES, DH), jnp.float32),
        jax.ShapeDtypeStruct((N_NODES, DH), jnp.float32),
    ),
    mesh=_mesh,
    scratch_types=[
        pltpu.VMEM((NCHUNK, CHUNK), jnp.int32),
        pltpu.VMEM((NCHUNK, CHUNK), jnp.int32),
        pltpu.VMEM((CHUNK, DH), jnp.float32),
        pltpu.VMEM((CHUNK, DH), jnp.float32),
        pltpu.VMEM_SHARED((N_PAD, DH), jnp.float32),
        pltpu.SemaphoreType.DMA,
        pltpu.SemaphoreType.DMA,
    ],
    compiler_params=_sc_params,
)
def _spmm_sc(row_hbm, col_hbm, xsl_hbm, xsh_hbm, xdl_hbm, xdh_hbm,
             ofl_hbm, obl_hbm, ofh_hbm, obh_hbm,
             row_v, col_v, buf_a, buf_b, acc, sem_a, sem_b):
    core = lax.axis_index("c")
    tile = lax.axis_index("s")

    pltpu.sync_copy(row_hbm.at[tile], row_v)
    pltpu.sync_copy(col_hbm.at[tile], col_v)

    def run_direction(src_hbm, g_idx, s_idx):
        def issue(c, buf, sem):
            pltpu.make_async_copy(src_hbm.at[g_idx.at[c]], buf, sem).start()

        def wait(c, buf, sem):
            pltpu.make_async_copy(src_hbm.at[g_idx.at[c]], buf, sem).wait()

        issue(0, buf_a, sem_a)

        @pl.loop(0, NCHUNK, step=2)
        def _(c):
            issue(c + 1, buf_b, sem_b)
            wait(c, buf_a, sem_a)
            pltpu.sync_copy(buf_a, acc.at[s_idx.at[c]], add=True)

            @pl.when(c + 2 < NCHUNK)
            def _():
                issue(c + 2, buf_a, sem_a)

            wait(c + 1, buf_b, sem_b)
            pltpu.sync_copy(buf_b, acc.at[s_idx.at[c + 1]], add=True)

    def _writeout(out_hbm):
        def fn(off, sz):
            pltpu.sync_copy(acc.at[pl.ds(off, sz)], buf_a.at[pl.ds(0, sz)])
            pltpu.sync_copy(buf_a.at[pl.ds(0, sz)], out_hbm.at[pl.ds(off, sz)])

        _out_tile_rows(tile, fn)

    def one_half(src_f, src_b, outf_hbm, outb_hbm):
        _fill_rows(buf_a, DH, 0.0)
        _init_tile_rows(
            tile,
            lambda off, sz: pltpu.sync_copy(buf_a.at[pl.ds(0, sz)],
                                            acc.at[pl.ds(off, sz)]))
        plsc.subcore_barrier()

        @pl.when(core == 0)
        def _():
            run_direction(src_f, col_v, row_v)

        @pl.when(core == 1)
        def _():
            run_direction(src_b, row_v, col_v)

        plsc.subcore_barrier()

        @pl.when(core == 0)
        def _():
            _writeout(outf_hbm)

        @pl.when(core == 1)
        def _():
            _writeout(outb_hbm)

    one_half(xsl_hbm, xdl_hbm, ofl_hbm, obl_hbm)
    one_half(xsh_hbm, xdh_hbm, ofh_hbm, obh_hbm)


def _matmul_scale_tc(x, w_sd, w_ds, degf, degb):
    blk = N_NODES // 5
    pblk = blk // 2

    def body(x_ref, wsd_ref, wds_ref, df_ref, db_ref, xsl_ref, xsh_ref,
             xdl_ref, xdh_ref):
        xb = x_ref[...]
        dn = (((1,), (1,)), ((), ()))
        dif = _dinv(df_ref[:, 0:1])
        dib = _dinv(db_ref[:, 0:1])
        xs = (ALPHA * dif) * lax.dot_general(
            xb, wsd_ref[...], dn, preferred_element_type=jnp.float32)
        xd = ((1.0 - ALPHA) * dib) * lax.dot_general(
            xb, wds_ref[...], dn, preferred_element_type=jnp.float32)
        x3s = xs.reshape(pblk, 2, D)
        x3d = xd.reshape(pblk, 2, D)
        xsl_ref[...] = jnp.concatenate([x3s[:, 0, :DH], x3s[:, 1, :DH]], 1)
        xsh_ref[...] = jnp.concatenate([x3s[:, 0, DH:], x3s[:, 1, DH:]], 1)
        xdl_ref[...] = jnp.concatenate([x3d[:, 0, :DH], x3d[:, 1, :DH]], 1)
        xdh_ref[...] = jnp.concatenate([x3d[:, 0, DH:], x3d[:, 1, DH:]], 1)

    return pl.pallas_call(
        body,
        grid=(5,),
        in_specs=[
            pl.BlockSpec((blk, D), lambda i: (i, 0)),
            pl.BlockSpec((D, D), lambda i: (0, 0)),
            pl.BlockSpec((D, D), lambda i: (0, 0)),
            pl.BlockSpec((blk, HIST_W), lambda i: (i, 0)),
            pl.BlockSpec((blk, HIST_W), lambda i: (i, 0)),
        ],
        out_specs=[pl.BlockSpec((pblk, D), lambda i: (i, 0))] * 4,
        out_shape=[jax.ShapeDtypeStruct((N_PAD // 2, D), jnp.float32)] * 4,
    )(x, w_sd, w_ds, degf, degb)


def _dinv(deg_block):
    return jnp.where(deg_block > 0,
                     lax.rsqrt(jnp.maximum(deg_block, 1e-12)),
                     0.0)


def _combine_tc(afl_pk, afh_pk, abl_pk, abh_pk, degf, degb, bsd, bds):
    blk = N_NODES // 5
    pblk = blk // 2

    def body(afl_ref, afh_ref, abl_ref, abh_ref, df_ref, db_ref, bsd_ref,
             bds_ref, o_ref):
        bias = ALPHA * bsd_ref[0:1, :] + (1.0 - ALPHA) * bds_ref[0:1, :]
        dif = _dinv(df_ref[:, 0:1])
        dib = _dinv(db_ref[:, 0:1])
        def unpack(pk):
            return jnp.stack([pk[:, :DH], pk[:, DH:]], axis=1).reshape(blk,
                                                                       DH)

        af = jnp.concatenate([unpack(afl_ref[...]), unpack(afh_ref[...])],
                             axis=1)
        ab = jnp.concatenate([unpack(abl_ref[...]), unpack(abh_ref[...])],
                             axis=1)
        o_ref[...] = dif * af + dib * ab + bias

    return pl.pallas_call(
        body,
        grid=(5,),
        in_specs=[
            pl.BlockSpec((pblk, D), lambda i: (i, 0)),
            pl.BlockSpec((pblk, D), lambda i: (i, 0)),
            pl.BlockSpec((pblk, D), lambda i: (i, 0)),
            pl.BlockSpec((pblk, D), lambda i: (i, 0)),
            pl.BlockSpec((blk, HIST_W), lambda i: (i, 0)),
            pl.BlockSpec((blk, HIST_W), lambda i: (i, 0)),
            pl.BlockSpec((8, D), lambda i: (0, 0)),
            pl.BlockSpec((8, D), lambda i: (0, 0)),
        ],
        out_specs=pl.BlockSpec((blk, D), lambda i: (i, 0)),
        out_shape=jax.ShapeDtypeStruct((N_NODES, D), jnp.float32),
    )(afl_pk, afh_pk, abl_pk, abh_pk, degf, degb, bsd, bds)


@jax.jit
def kernel(x, edge_index, W_sd, b_sd, W_ds, b_ds):
    pad = N_NODES + (jnp.arange(EDGES_PAD - N_EDGES, dtype=jnp.int32)
                     % PAD_ROWS)
    row = jnp.concatenate([edge_index[0], pad]).reshape(NS, NCHUNK, CHUNK)
    col = jnp.concatenate([edge_index[1], pad]).reshape(NS, NCHUNK, CHUNK)

    degf, degb = _degree_sc(row, col)
    xsl, xsh, xdl, xdh = (t.reshape(N_PAD, DH) for t in _matmul_scale_tc(
        x, W_sd, W_ds, degf, degb))
    afl, abl, afh, abh = _spmm_sc(row, col, xsl, xsh, xdl, xdh)

    bsd = jnp.broadcast_to(b_sd[None, :], (8, D))
    bds = jnp.broadcast_to(b_ds[None, :], (8, D))
    return _combine_tc(afl.reshape(N_NODES // 2, D),
                       afh.reshape(N_NODES // 2, D),
                       abl.reshape(N_NODES // 2, D),
                       abh.reshape(N_NODES // 2, D),
                       degf, degb, bsd, bds)

# --- scband reference (transcript-rebuilt; emitter-appended) ---
"""Pipeline reference for scband-dir-vanilla-gcnconv-52939766890535 (READ-ONLY COPY).

The authoritative reference and input builder live on the scoring server;
editing this copy changes nothing except your own understanding.
"""

import jax, jax.numpy as jnp
import numpy as np

N_NODES = 10000
N_EDGES = 320000
D_IN = 128
D_OUT = 128
ALPHA = 0.5


def _vanilla_norm_spmm(row, col, x, num_nodes):
    # Symmetric 'vanilla' GCN normalization (no self loops):
    # A_norm[i,j] = A[i,j] / (sqrt(deg_row[i]) * sqrt(deg_row[j])) with deg = row-sums of A.
    deg = jnp.zeros((num_nodes,), dtype=x.dtype).at[row].add(1.0)
    deg_inv_sqrt = jnp.where(deg > 0, jax.lax.rsqrt(jnp.maximum(deg, 1e-12)), 0.0)
    val = deg_inv_sqrt[row] * deg_inv_sqrt[col]
    msg = val[:, None] * jnp.take(x, col, axis=0)   # gather neighbor features
    return jax.ops.segment_sum(msg, row, num_segments=num_nodes)  # scatter-add to rows


def setup_inputs(seed: int = 0) -> dict:
    key = jax.random.key(seed)
    k1, k2, k3, k4, k5, k6 = jax.random.split(key, 6)
    x = jax.random.normal(k1, (N_NODES, D_IN), dtype=jnp.float32)
    # int32 used to avoid requiring jax x64 mode; values in [0, N_NODES)
    edge_index = jax.random.randint(k2, (2, N_EDGES), 0, N_NODES, dtype=jnp.int32)
    W_sd = 0.05 * jax.random.normal(k3, (D_OUT, D_IN), dtype=jnp.float32)
    b_sd = 0.05 * jax.random.normal(k4, (D_OUT,), dtype=jnp.float32)
    W_ds = 0.05 * jax.random.normal(k5, (D_OUT, D_IN), dtype=jnp.float32)
    b_ds = 0.05 * jax.random.normal(k6, (D_OUT,), dtype=jnp.float32)
    return {"x": x, "edge_index": edge_index, "W_sd": W_sd, "b_sd": b_sd, "W_ds": W_ds, "b_ds": b_ds}


def reference(x, edge_index, W_sd, b_sd, W_ds, b_ds):
    row = edge_index[0]
    col = edge_index[1]
    num_nodes = x.shape[0]
    # A @ x  (src->dst direction)
    h_fwd = _vanilla_norm_spmm(row, col, x, num_nodes)
    # A^T @ x (dst->src direction), normalized by A^T's own degrees
    h_bwd = _vanilla_norm_spmm(col, row, x, num_nodes)
    out_sd = h_fwd @ W_sd.T + b_sd
    out_ds = h_bwd @ W_ds.T + b_ds
    return ALPHA * out_sd + (1.0 - ALPHA) * out_ds

if __name__ == "__main__":
    import jax
    _d = setup_inputs()
    print(jax.jit(kernel)(*tuple(_d.values())))

</pallas_src>

<mosaic_0001>
#map = affine_map<(d0, d1) -> (0, 0, 0)>
#map1 = affine_map<(d0, d1) -> (0, 0)>
module attributes {stable_mosaic.version = 14 : i64} {
  func.func @_degree_sc(%arg0: i32, %arg1: i32, %arg2: memref<16x160x128xi32, #tpu.memory_space<hbm>>, %arg3: memref<16x160x128xi32, #tpu.memory_space<hbm>>, %arg4: memref<10240x16xf32, #tpu.memory_space<hbm>>, %arg5: memref<10240x16xf32, #tpu.memory_space<hbm>>, %arg6: memref<160x128xi32, #tpu.memory_space<vmem>>, %arg7: memref<128x16xf32, #tpu.memory_space<vmem>>, %arg8: memref<128x16xf32, #tpu.memory_space<vmem>>, %arg9: memref<10240x16xf32, #tpu.memory_space<vmem_shared>>, %arg10: memref<!tpu.dma_semaphore, #tpu.memory_space<semaphore_mem>>) attributes {dimension_semantics = [#tpu.dimension_semantics<core_parallel>, #tpu.dimension_semantics<subcore_parallel>], iteration_bounds = array<i64: 2, 16>, scalar_prefetch = 0 : i64, scratch_operands = 5 : i64, tpu.core_type = #tpu.core_type<sc_vector_subcore>, window_params = [{transform_indices = #map}, {transform_indices = #map}, {transform_indices = #map1}, {transform_indices = #map1}]} {
    %scan3A = arith.constant 0 : i32
    %scan3A_0 = arith.constant 128 : i32
    %scan3A_1 = arith.addi %scan3A, %scan3A_0 : i32
    %scan3A_2 = arith.constant 1 : i32
    scf.for %scan3A_65 = %scan3A to %scan3A_1 step %scan3A_2  : i32 {
      %mul3A_66 = arith.constant 1 : i32
      %mul3A_67 = arith.muli %scan3A_65, %mul3A_66 : i32
      %add3A = arith.constant 0 : i32
      %add3A_68 = arith.addi %add3A, %mul3A_67 : i32
      %broadcast_in_dim3A = arith.constant 1.000000e+00 : f32
      %broadcast_in_dim3A_69 = vector.broadcast %broadcast_in_dim3A : f32 to vector<16xf32>
      %swap3A = arith.index_cast %add3A_68 : i32 to index
      %swap3A_70 = arith.constant 0 : index
      %swap3A_71 = tpu.vector_load %arg7[%swap3A, %swap3A_70] {strides = array<i32>} : memref<128x16xf32, #tpu.memory_space<vmem>>, vector<1x16xf32>,
      %swap3A_72 = vector.shape_cast %swap3A_71 : vector<1x16xf32> to vector<16xf32>
      %swap3A_73 = vector.shape_cast %broadcast_in_dim3A_69 : vector<16xf32> to vector<1x16xf32>
      tpu.vector_store %arg7[%swap3A, %swap3A_70], %swap3A_73 {strides = array<i32>} : memref<128x16xf32, #tpu.memory_space<vmem>>, vector<1x16xf32>,
    }
    %scan3A_3 = arith.constant 128 : i32
    %scan3A_4 = arith.constant 0 : i32
    %scan3A_5 = arith.constant 128 : i32
    %scan3A_6 = arith.addi %scan3A_4, %scan3A_5 : i32
    %scan3A_7 = arith.constant 1 : i32
    scf.for %scan3A_65 = %scan3A_4 to %scan3A_6 step %scan3A_7  : i32 {
      %mul3A_66 = arith.constant 1 : i32
      %mul3A_67 = arith.muli %scan3A_65, %mul3A_66 : i32
      %add3A = arith.constant 0 : i32
      %add3A_68 = arith.addi %add3A, %mul3A_67 : i32
      %broadcast_in_dim3A = arith.constant 0.000000e+00 : f32
      %broadcast_in_dim3A_69 = vector.broadcast %broadcast_in_dim3A : f32 to vector<16xf32>
      %swap3A = arith.index_cast %add3A_68 : i32 to index
      %swap3A_70 = arith.constant 0 : index
      %swap3A_71 = tpu.vector_load %arg8[%swap3A, %swap3A_70] {strides = array<i32>} : memref<128x16xf32, #tpu.memory_space<vmem>>, vector<1x16xf32>,
      %swap3A_72 = vector.shape_cast %swap3A_71 : vector<1x16xf32> to vector<16xf32>
      %swap3A_73 = vector.shape_cast %broadcast_in_dim3A_69 : vector<16xf32> to vector<1x16xf32>
      tpu.vector_store %arg8[%swap3A, %swap3A_70], %swap3A_73 {strides = array<i32>} : memref<128x16xf32, #tpu.memory_space<vmem>>, vector<1x16xf32>,
    }
    %scan3A_8 = arith.constant 128 : i32
    %mul3A = arith.constant 640 : i32
    %mul3A_9 = arith.muli %arg1, %mul3A : i32
    %scan3A_10 = arith.constant 0 : i32
    %scan3A_11 = arith.constant 5 : i32
    %scan3A_12 = arith.addi %scan3A_10, %scan3A_11 : i32
    %scan3A_13 = arith.constant 1 : i32
    scf.for %scan3A_65 = %scan3A_10 to %scan3A_12 step %scan3A_13  : i32 {
      %mul3A_66 = arith.constant 1 : i32
      %mul3A_67 = arith.muli %scan3A_65, %mul3A_66 : i32
      %add3A = arith.constant 0 : i32
      %add3A_68 = arith.addi %add3A, %mul3A_67 : i32
      %mul3A_69 = arith.constant 128 : i32
      %mul3A_70 = arith.muli %add3A_68, %mul3A_69 : i32
      %add3A_71 = arith.addi %mul3A_9, %mul3A_70 : i32
      "tpu.region"() ({
        %run_scoped3A = tpu.sem_alloc : memref<!tpu.dma_semaphore, #tpu.memory_space<semaphore_mem>>
        %dma_start3A_72 = arith.constant 0 : i32
        %dma_start3A_73 = arith.constant 0 : i32
        %dma_start3A_74 = tpu.memref_slice %arg8[%dma_start3A_72, %dma_start3A_73] : memref<128x16xf32, #tpu.memory_space<vmem>> -> memref<128x16xf32, #tpu.memory_space<vmem>>
        %dma_start3A_75 = arith.constant 0 : i32
        %dma_start3A_76 = tpu.memref_slice %arg9[%add3A_71, %dma_start3A_75] : memref<10240x16xf32, #tpu.memory_space<vmem_shared>> -> memref<128x16xf32, #tpu.memory_space<vmem_shared>>
        %dma_start3A_77 = arith.constant 0 : i32
        %dma_start3A_78 = tpu.memref_slice %arg9[%add3A_71, %dma_start3A_77] : memref<10240x16xf32, #tpu.memory_space<vmem_shared>> -> memref<128x16xf32, #tpu.memory_space<vmem_shared>>
        %dma_start3A_79 = arith.constant 0 : i32
        %dma_start3A_80 = arith.constant 0 : i32
        %dma_start3A_81 = tpu.memref_slice %arg8[%dma_start3A_79, %dma_start3A_80] : memref<128x16xf32, #tpu.memory_space<vmem>> -> memref<128x16xf32, #tpu.memory_space<vmem>>
        tpu.enqueue_dma source(%dma_start3A_81 : memref<128x16xf32, #tpu.memory_space<vmem>>) target(%dma_start3A_78 : memref<128x16xf32, #tpu.memory_space<vmem_shared>>) target_semaphore(%run_scoped3A : memref<!tpu.dma_semaphore, #tpu.memory_space<semaphore_mem>>)
        %dma_wait3A = arith.constant 0 : i32
        %dma_wait3A_82 = arith.constant 0 : i32
        %dma_wait3A_83 = tpu.memref_slice %arg8[%dma_wait3A, %dma_wait3A_82] : memref<128x16xf32, #tpu.memory_space<vmem>> -> memref<128x16xf32, #tpu.memory_space<vmem>>
        %dma_wait3A_84 = arith.constant 0 : i32
        %dma_wait3A_85 = tpu.memref_slice %arg9[%add3A_71, %dma_wait3A_84] : memref<10240x16xf32, #tpu.memory_space<vmem_shared>> -> memref<128x16xf32, #tpu.memory_space<vmem_shared>>
        %dma_wait3A_86 = arith.constant 0 : i32
        %dma_wait3A_87 = tpu.memref_slice %arg9[%add3A_71, %dma_wait3A_86] : memref<10240x16xf32, #tpu.memory_space<vmem_shared>> -> memref<128x16xf32, #tpu.memory_space<vmem_shared>>
        %dma_wait3A_88 = arith.constant 0 : i32
        %dma_wait3A_89 = arith.constant 0 : i32
        %dma_wait3A_90 = tpu.memref_slice %arg8[%dma_wait3A_88, %dma_wait3A_89] : memref<128x16xf32, #tpu.memory_space<vmem>> -> memref<128x16xf32, #tpu.memory_space<vmem>>
        tpu.wait_dma2 semaphore(%run_scoped3A : memref<!tpu.dma_semaphore, #tpu.memory_space<semaphore_mem>>) src(%dma_wait3A_90 : memref<128x16xf32, #tpu.memory_space<vmem>>) dst(%dma_wait3A_87 : memref<128x16xf32, #tpu.memory_space<vmem_shared>>)
        tpu.yield
      }) : () -> ()
    }
    %scan3A_14 = arith.constant 5 : i32
    %eq3A = arith.constant 0 : i32
    %eq3A_15 = arith.cmpi eq, %arg0, %eq3A : i32
    %convert_element_type3A = arith.extui %eq3A_15 : i1 to i32
    %cond3A = arith.constant 0 : i32
    %cond3A_16 = arith.cmpi ne, %convert_element_type3A, %cond3A : i32
    scf.if %cond3A_16 {
      "tpu.region"() ({
        %run_scoped3A = tpu.sem_alloc : memref<!tpu.dma_semaphore, #tpu.memory_space<semaphore_mem>>
        %dma_start3A_65 = arith.constant 0 : i32
        %dma_start3A_66 = arith.constant 0 : i32
        %dma_start3A_67 = tpu.memref_slice %arg2[%arg1, %dma_start3A_65, %dma_start3A_66] : memref<16x160x128xi32, #tpu.memory_space<hbm>> -> memref<1x160x128xi32, #tpu.memory_space<hbm>>
        %dma_start3A_68 = tpu.memref_squeeze %dma_start3A_67 : memref<1x160x128xi32, #tpu.memory_space<hbm>> -> memref<160x128xi32, #tpu.memory_space<hbm>>
        %dma_start3A_69 = arith.constant 0 : i32
        %dma_start3A_70 = arith.constant 0 : i32
        %dma_start3A_71 = tpu.memref_slice %arg2[%arg1, %dma_start3A_69, %dma_start3A_70] : memref<16x160x128xi32, #tpu.memory_space<hbm>> -> memref<1x160x128xi32, #tpu.memory_space<hbm>>
        %dma_start3A_72 = tpu.memref_squeeze %dma_start3A_71 : memref<1x160x128xi32, #tpu.memory_space<hbm>> -> memref<160x128xi32, #tpu.memory_space<hbm>>
        tpu.enqueue_dma source(%dma_start3A_72 : memref<160x128xi32, #tpu.memory_space<hbm>>) target(%arg6 : memref<160x128xi32, #tpu.memory_space<vmem>>) target_semaphore(%run_scoped3A : memref<!tpu.dma_semaphore, #tpu.memory_space<semaphore_mem>>)
        %dma_wait3A = arith.constant 0 : i32
        %dma_wait3A_73 = arith.constant 0 : i32
        %dma_wait3A_74 = tpu.memref_slice %arg2[%arg1, %dma_wait3A, %dma_wait3A_73] : memref<16x160x128xi32, #tpu.memory_space<hbm>> -> memref<1x160x128xi32, #tpu.memory_space<hbm>>
        %dma_wait3A_75 = tpu.memref_squeeze %dma_wait3A_74 : memref<1x160x128xi32, #tpu.memory_space<hbm>> -> memref<160x128xi32, #tpu.memory_space<hbm>>
        %dma_wait3A_76 = arith.constant 0 : i32
        %dma_wait3A_77 = arith.constant 0 : i32
        %dma_wait3A_78 = tpu.memref_slice %arg2[%arg1, %dma_wait3A_76, %dma_wait3A_77] : memref<16x160x128xi32, #tpu.memory_space<hbm>> -> memref<1x160x128xi32, #tpu.memory_space<hbm>>
        %dma_wait3A_79 = tpu.memref_squeeze %dma_wait3A_78 : memref<1x160x128xi32, #tpu.memory_space<hbm>> -> memref<160x128xi32, #tpu.memory_space<hbm>>
        tpu.wait_dma2 semaphore(%run_scoped3A : memref<!tpu.dma_semaphore, #tpu.memory_space<semaphore_mem>>) src(%dma_wait3A_79 : memref<160x128xi32, #tpu.memory_space<hbm>>) dst(%arg6 : memref<160x128xi32, #tpu.memory_space<vmem>>)
        tpu.yield
      }) : () -> ()
    } else {
    }
    %eq3A_17 = arith.constant 1 : i32
    %eq3A_18 = arith.cmpi eq, %arg0, %eq3A_17 : i32
    %convert_element_type3A_19 = arith.extui %eq3A_18 : i1 to i32
    %cond3A_20 = arith.constant 0 : i32
    %cond3A_21 = arith.cmpi ne, %convert_element_type3A_19, %cond3A_20 : i32
    scf.if %cond3A_21 {
      "tpu.region"() ({
        %run_scoped3A = tpu.sem_alloc : memref<!tpu.dma_semaphore, #tpu.memory_space<semaphore_mem>>
        %dma_start3A_65 = arith.constant 0 : i32
        %dma_start3A_66 = arith.constant 0 : i32
        %dma_start3A_67 = tpu.memref_slice %arg3[%arg1, %dma_start3A_65, %dma_start3A_66] : memref<16x160x128xi32, #tpu.memory_space<hbm>> -> memref<1x160x128xi32, #tpu.memory_space<hbm>>
        %dma_start3A_68 = tpu.memref_squeeze %dma_start3A_67 : memref<1x160x128xi32, #tpu.memory_space<hbm>> -> memref<160x128xi32, #tpu.memory_space<hbm>>
        %dma_start3A_69 = arith.constant 0 : i32
        %dma_start3A_70 = arith.constant 0 : i32
        %dma_start3A_71 = tpu.memref_slice %arg3[%arg1, %dma_start3A_69, %dma_start3A_70] : memref<16x160x128xi32, #tpu.memory_space<hbm>> -> memref<1x160x128xi32, #tpu.memory_space<hbm>>
        %dma_start3A_72 = tpu.memref_squeeze %dma_start3A_71 : memref<1x160x128xi32, #tpu.memory_space<hbm>> -> memref<160x128xi32, #tpu.memory_space<hbm>>
        tpu.enqueue_dma source(%dma_start3A_72 : memref<160x128xi32, #tpu.memory_space<hbm>>) target(%arg6 : memref<160x128xi32, #tpu.memory_space<vmem>>) target_semaphore(%run_scoped3A : memref<!tpu.dma_semaphore, #tpu.memory_space<semaphore_mem>>)
        %dma_wait3A = arith.constant 0 : i32
        %dma_wait3A_73 = arith.constant 0 : i32
        %dma_wait3A_74 = tpu.memref_slice %arg3[%arg1, %dma_wait3A, %dma_wait3A_73] : memref<16x160x128xi32, #tpu.memory_space<hbm>> -> memref<1x160x128xi32, #tpu.memory_space<hbm>>
        %dma_wait3A_75 = tpu.memref_squeeze %dma_wait3A_74 : memref<1x160x128xi32, #tpu.memory_space<hbm>> -> memref<160x128xi32, #tpu.memory_space<hbm>>
        %dma_wait3A_76 = arith.constant 0 : i32
        %dma_wait3A_77 = arith.constant 0 : i32
        %dma_wait3A_78 = tpu.memref_slice %arg3[%arg1, %dma_wait3A_76, %dma_wait3A_77] : memref<16x160x128xi32, #tpu.memory_space<hbm>> -> memref<1x160x128xi32, #tpu.memory_space<hbm>>
        %dma_wait3A_79 = tpu.memref_squeeze %dma_wait3A_78 : memref<1x160x128xi32, #tpu.memory_space<hbm>> -> memref<160x128xi32, #tpu.memory_space<hbm>>
        tpu.wait_dma2 semaphore(%run_scoped3A : memref<!tpu.dma_semaphore, #tpu.memory_space<semaphore_mem>>) src(%dma_wait3A_79 : memref<160x128xi32, #tpu.memory_space<hbm>>) dst(%arg6 : memref<160x128xi32, #tpu.memory_space<vmem>>)
        tpu.yield
      }) : () -> ()
    } else {
    }
    %barrier3A = arith.constant 0 : index
    tpu.barrier barrier_id(%barrier3A)
    %dma_start3A = arith.constant 0 : i32
    %dma_start3A_22 = arith.constant 0 : i32
    %dma_start3A_23 = tpu.memref_slice %arg6[%dma_start3A, %dma_start3A_22] : memref<160x128xi32, #tpu.memory_space<vmem>> -> memref<1x128xi32, #tpu.memory_space<vmem>>
    %dma_start3A_24 = tpu.memref_squeeze %dma_start3A_23 : memref<1x128xi32, #tpu.memory_space<vmem>> -> memref<128xi32, #tpu.memory_space<vmem>>
    %dma_start3A_25 = arith.constant 0 : i32
    %dma_start3A_26 = arith.constant 0 : i32
    %dma_start3A_27 = tpu.memref_slice %arg9[%dma_start3A_25, %dma_start3A_26] : memref<10240x16xf32, #tpu.memory_space<vmem_shared>> -> memref<10240x16xf32, #tpu.memory_space<vmem_shared>>
    tpu.enqueue_indirect_dma source(%arg7 : memref<128x16xf32, #tpu.memory_space<vmem>>) target(%dma_start3A_27 : memref<10240x16xf32, #tpu.memory_space<vmem_shared>>) offsets(%dma_start3A_24 : memref<128xi32, #tpu.memory_space<vmem>>) semaphore(%arg10 : memref<!tpu.dma_semaphore, #tpu.memory_space<semaphore_mem>>) {add = true}
    %dma_start3A_28 = arith.constant 1 : i32
    %dma_start3A_29 = arith.constant 0 : i32
    %dma_start3A_30 = tpu.memref_slice %arg6[%dma_start3A_28, %dma_start3A_29] : memref<160x128xi32, #tpu.memory_space<vmem>> -> memref<1x128xi32, #tpu.memory_space<vmem>>
    %dma_start3A_31 = tpu.memref_squeeze %dma_start3A_30 : memref<1x128xi32, #tpu.memory_space<vmem>> -> memref<128xi32, #tpu.memory_space<vmem>>
    %dma_start3A_32 = arith.constant 0 : i32
    %dma_start3A_33 = arith.constant 0 : i32
    %dma_start3A_34 = tpu.memref_slice %arg9[%dma_start3A_32, %dma_start3A_33] : memref<10240x16xf32, #tpu.memory_space<vmem_shared>> -> memref<10240x16xf32, #tpu.memory_space<vmem_shared>>
    tpu.enqueue_indirect_dma source(%arg7 : memref<128x16xf32, #tpu.memory_space<vmem>>) target(%dma_start3A_34 : memref<10240x16xf32, #tpu.memory_space<vmem_shared>>) offsets(%dma_start3A_31 : memref<128xi32, #tpu.memory_space<vmem>>) semaphore(%arg10 : memref<!tpu.dma_semaphore, #tpu.memory_space<semaphore_mem>>) {add = true}
    %dma_start3A_35 = arith.constant 2 : i32
    %dma_start3A_36 = arith.constant 0 : i32
    %dma_start3A_37 = tpu.memref_slice %arg6[%dma_start3A_35, %dma_start3A_36] : memref<160x128xi32, #tpu.memory_space<vmem>> -> memref<1x128xi32, #tpu.memory_space<vmem>>
    %dma_start3A_38 = tpu.memref_squeeze %dma_start3A_37 : memref<1x128xi32, #tpu.memory_space<vmem>> -> memref<128xi32, #tpu.memory_space<vmem>>
    %dma_start3A_39 = arith.constant 0 : i32
    %dma_start3A_40 = arith.constant 0 : i32
    %dma_start3A_41 = tpu.memref_slice %arg9[%dma_start3A_39, %dma_start3A_40] : memref<10240x16xf32, #tpu.memory_space<vmem_shared>> -> memref<10240x16xf32, #tpu.memory_space<vmem_shared>>
    tpu.enqueue_indirect_dma source(%arg7 : memref<128x16xf32, #tpu.memory_space<vmem>>) target(%dma_start3A_41 : memref<10240x16xf32, #tpu.memory_space<vmem_shared>>) offsets(%dma_start3A_38 : memref<128xi32, #tpu.memory_space<vmem>>) semaphore(%arg10 : memref<!tpu.dma_semaphore, #tpu.memory_space<semaphore_mem>>) {add = true}
    %dma_start3A_42 = arith.constant 3 : i32
    %dma_start3A_43 = arith.constant 0 : i32
    %dma_start3A_44 = tpu.memref_slice %arg6[%dma_start3A_42, %dma_start3A_43] : memref<160x128xi32, #tpu.memory_space<vmem>> -> memref<1x128xi32, #tpu.memory_space<vmem>>
    %dma_start3A_45 = tpu.memref_squeeze %dma_start3A_44 : memref<1x128xi32, #tpu.memory_space<vmem>> -> memref<128xi32, #tpu.memory_space<vmem>>
    %dma_start3A_46 = arith.constant 0 : i32
    %dma_start3A_47 = arith.constant 0 : i32
    %dma_start3A_48 = tpu.memref_slice %arg9[%dma_start3A_46, %dma_start3A_47] : memref<10240x16xf32, #tpu.memory_space<vmem_shared>> -> memref<10240x16xf32, #tpu.memory_space<vmem_shared>>
    tpu.enqueue_indirect_dma source(%arg7 : memref<128x16xf32, #tpu.memory_space<vmem>>) target(%dma_start3A_48 : memref<10240x16xf32, #tpu.memory_space<vmem_shared>>) offsets(%dma_start3A_45 : memref<128xi32, #tpu.memory_space<vmem>>) semaphore(%arg10 : memref<!tpu.dma_semaphore, #tpu.memory_space<semaphore_mem>>) {add = true}
    %scan3A_49 = arith.constant 0 : i32
    %scan3A_50 = arith.constant 160 : i32
    %scan3A_51 = arith.addi %scan3A_49, %scan3A_50 : i32
    %scan3A_52 = arith.constant 1 : i32
    scf.for %scan3A_65 = %scan3A_49 to %scan3A_51 step %scan3A_52  : i32 {
      %mul3A_66 = arith.constant 1 : i32
      %mul3A_67 = arith.muli %scan3A_65, %mul3A_66 : i32
      %add3A = arith.constant 0 : i32
      %add3A_68 = arith.addi %add3A, %mul3A_67 : i32
      %add3A_69 = arith.constant 4 : i32
      %add3A_70 = arith.addi %add3A_68, %add3A_69 : i32
      %lt3A = arith.constant 160 : i32
      %lt3A_71 = arith.cmpi slt, %add3A_70, %lt3A : i32
      %convert_element_type3A_72 = arith.extui %lt3A_71 : i1 to i32
      %cond3A_73 = arith.constant 0 : i32
      %cond3A_74 = arith.cmpi ne, %convert_element_type3A_72, %cond3A_73 : i32
      scf.if %cond3A_74 {
        %add3A_80 = arith.constant 4 : i32
        %add3A_81 = arith.addi %add3A_68, %add3A_80 : i32
        %dma_start3A_82 = arith.constant 0 : i32
        %dma_start3A_83 = tpu.memref_slice %arg6[%add3A_81, %dma_start3A_82] : memref<160x128xi32, #tpu.memory_space<vmem>> -> memref<1x128xi32, #tpu.memory_space<vmem>>
        %dma_start3A_84 = tpu.memref_squeeze %dma_start3A_83 : memref<1x128xi32, #tpu.memory_space<vmem>> -> memref<128xi32, #tpu.memory_space<vmem>>
        %dma_start3A_85 = arith.constant 0 : i32
        %dma_start3A_86 = arith.constant 0 : i32
        %dma_start3A_87 = tpu.memref_slice %arg9[%dma_start3A_85, %dma_start3A_86] : memref<10240x16xf32, #tpu.memory_space<vmem_shared>> -> memref<10240x16xf32, #tpu.memory_space<vmem_shared>>
        tpu.enqueue_indirect_dma source(%arg7 : memref<128x16xf32, #tpu.memory_space<vmem>>) target(%dma_start3A_87 : memref<10240x16xf32, #tpu.memory_space<vmem_shared>>) offsets(%dma_start3A_84 : memref<128xi32, #tpu.memory_space<vmem>>) semaphore(%arg10 : memref<!tpu.dma_semaphore, #tpu.memory_space<semaphore_mem>>) {add = true}
      } else {
      }
      %dma_wait3A = arith.constant 0 : i32
      %dma_wait3A_75 = tpu.memref_slice %arg6[%add3A_68, %dma_wait3A] : memref<160x128xi32, #tpu.memory_space<vmem>> -> memref<1x128xi32, #tpu.memory_space<vmem>>
      %dma_wait3A_76 = tpu.memref_squeeze %dma_wait3A_75 : memref<1x128xi32, #tpu.memory_space<vmem>> -> memref<128xi32, #tpu.memory_space<vmem>>
      %dma_wait3A_77 = arith.constant 0 : i32
      %dma_wait3A_78 = arith.constant 0 : i32
      %dma_wait3A_79 = tpu.memref_slice %arg9[%dma_wait3A_77, %dma_wait3A_78] : memref<10240x16xf32, #tpu.memory_space<vmem_shared>> -> memref<10240x16xf32, #tpu.memory_space<vmem_shared>>
      tpu.wait_indirect_dma semaphore(%arg10 : memref<!tpu.dma_semaphore, #tpu.memory_space<semaphore_mem>>) src(%arg7 : memref<128x16xf32, #tpu.memory_space<vmem>>) dst(%dma_wait3A_79 : memref<10240x16xf32, #tpu.memory_space<vmem_shared>>)
    }
    %scan3A_53 = arith.constant 160 : i32
    %barrier3A_54 = arith.constant 0 : index
    tpu.barrier barrier_id(%barrier3A_54)
    %eq3A_55 = arith.constant 0 : i32
    %eq3A_56 = arith.cmpi eq, %arg0, %eq3A_55 : i32
    %convert_element_type3A_57 = arith.extui %eq3A_56 : i1 to i32
    %cond3A_58 = arith.constant 0 : i32
    %cond3A_59 = arith.cmpi ne, %convert_element_type3A_57, %cond3A_58 : i32
    scf.if %cond3A_59 {
      %mul3A_65 = arith.constant 640 : i32
      %mul3A_66 = arith.muli %arg1, %mul3A_65 : i32
      %scan3A_67 = arith.constant 0 : i32
      %scan3A_68 = arith.constant 5 : i32
      %scan3A_69 = arith.addi %scan3A_67, %scan3A_68 : i32
      %scan3A_70 = arith.constant 1 : i32
      scf.for %scan3A_72 = %scan3A_67 to %scan3A_69 step %scan3A_70  : i32 {
        %mul3A_73 = arith.constant 1 : i32
        %mul3A_74 = arith.muli %scan3A_72, %mul3A_73 : i32
        %add3A = arith.constant 0 : i32
        %add3A_75 = arith.addi %add3A, %mul3A_74 : i32
        %mul3A_76 = arith.constant 128 : i32
        %mul3A_77 = arith.muli %add3A_75, %mul3A_76 : i32
        %add3A_78 = arith.addi %mul3A_66, %mul3A_77 : i32
        "tpu.region"() ({
          %run_scoped3A = tpu.sem_alloc : memref<!tpu.dma_semaphore, #tpu.memory_space<semaphore_mem>>
          %dma_start3A_79 = arith.constant 0 : i32
          %dma_start3A_80 = arith.constant 0 : i32
          %dma_start3A_81 = tpu.memref_slice %arg8[%dma_start3A_79, %dma_start3A_80] : memref<128x16xf32, #tpu.memory_space<vmem>> -> memref<128x16xf32, #tpu.memory_space<vmem>>
          %dma_start3A_82 = arith.constant 0 : i32
          %dma_start3A_83 = tpu.memref_slice %arg9[%add3A_78, %dma_start3A_82] : memref<10240x16xf32, #tpu.memory_space<vmem_shared>> -> memref<128x16xf32, #tpu.memory_space<vmem_shared>>
          %dma_start3A_84 = arith.constant 0 : i32
          %dma_start3A_85 = arith.constant 0 : i32
          %dma_start3A_86 = tpu.memref_slice %arg8[%dma_start3A_84, %dma_start3A_85] : memref<128x16xf32, #tpu.memory_space<vmem>> -> memref<128x16xf32, #tpu.memory_space<vmem>>
          %dma_start3A_87 = arith.constant 0 : i32
          %dma_start3A_88 = tpu.memref_slice %arg9[%add3A_78, %dma_start3A_87] : memref<10240x16xf32, #tpu.memory_space<vmem_shared>> -> memref<128x16xf32, #tpu.memory_space<vmem_shared>>
          tpu.enqueue_dma source(%dma_start3A_88 : memref<128x16xf32, #tpu.memory_space<vmem_shared>>) target(%dma_start3A_86 : memref<128x16xf32, #tpu.memory_space<vmem>>) target_semaphore(%run_scoped3A : memref<!tpu.dma_semaphore, #tpu.memory_space<semaphore_mem>>)
          %dma_wait3A = arith.constant 0 : i32
          %dma_wait3A_89 = arith.constant 0 : i32
          %dma_wait3A_90 = tpu.memref_slice %arg8[%dma_wait3A, %dma_wait3A_89] : memref<128x16xf32, #tpu.memory_space<vmem>> -> memref<128x16xf32, #tpu.memory_space<vmem>>
          %dma_wait3A_91 = arith.constant 0 : i32
          %dma_wait3A_92 = tpu.memref_slice %arg9[%add3A_78, %dma_wait3A_91] : memref<10240x16xf32, #tpu.memory_space<vmem_shared>> -> memref<128x16xf32, #tpu.memory_space<vmem_shared>>
          %dma_wait3A_93 = arith.constant 0 : i32
          %dma_wait3A_94 = arith.constant 0 : i32
          %dma_wait3A_95 = tpu.memref_slice %arg8[%dma_wait3A_93, %dma_wait3A_94] : memref<128x16xf32, #tpu.memory_space<vmem>> -> memref<128x16xf32, #tpu.memory_space<vmem>>
          %dma_wait3A_96 = arith.constant 0 : i32
          %dma_wait3A_97 = tpu.memref_slice %arg9[%add3A_78, %dma_wait3A_96] : memref<10240x16xf32, #tpu.memory_space<vmem_shared>> -> memref<128x16xf32, #tpu.memory_space<vmem_shared>>
          tpu.wait_dma2 semaphore(%run_scoped3A : memref<!tpu.dma_semaphore, #tpu.memory_space<semaphore_mem>>) src(%dma_wait3A_97 : memref<128x16xf32, #tpu.memory_space<vmem_shared>>) dst(%dma_wait3A_95 : memref<128x16xf32, #tpu.memory_space<vmem>>)
          tpu.yield
        }) : () -> ()
        "tpu.region"() ({
          %run_scoped3A = tpu.sem_alloc : memref<!tpu.dma_semaphore, #tpu.memory_space<semaphore_mem>>
          %dma_start3A_79 = arith.constant 0 : i32
          %dma_start3A_80 = arith.constant 0 : i32
          %dma_start3A_81 = tpu.memref_slice %arg8[%dma_start3A_79, %dma_start3A_80] : memref<128x16xf32, #tpu.memory_space<vmem>> -> memref<128x16xf32, #tpu.memory_space<vmem>>
          %dma_start3A_82 = arith.constant 0 : i32
          %dma_start3A_83 = tpu.memref_slice %arg4[%add3A_78, %dma_start3A_82] : memref<10240x16xf32, #tpu.memory_space<hbm>> -> memref<128x16xf32, #tpu.memory_space<hbm>>
          %dma_start3A_84 = arith.constant 0 : i32
          %dma_start3A_85 = tpu.memref_slice %arg4[%add3A_78, %dma_start3A_84] : memref<10240x16xf32, #tpu.memory_space<hbm>> -> memref<128x16xf32, #tpu.memory_space<hbm>>
          %dma_start3A_86 = arith.constant 0 : i32
          %dma_start3A_87 = arith.constant 0 : i32
          %dma_start3A_88 = tpu.memref_slice %arg8[%dma_start3A_86, %dma_start3A_87] : memref<128x16xf32, #tpu.memory_space<vmem>> -> memref<128x16xf32, #tpu.memory_space<vmem>>
          tpu.enqueue_dma source(%dma_start3A_88 : memref<128x16xf32, #tpu.memory_space<vmem>>) target(%dma_start3A_85 : memref<128x16xf32, #tpu.memory_space<hbm>>) target_semaphore(%run_scoped3A : memref<!tpu.dma_semaphore, #tpu.memory_space<semaphore_mem>>)
          %dma_wait3A = arith.constant 0 : i32
          %dma_wait3A_89 = arith.constant 0 : i32
          %dma_wait3A_90 = tpu.memref_slice %arg8[%dma_wait3A, %dma_wait3A_89] : memref<128x16xf32, #tpu.memory_space<vmem>> -> memref<128x16xf32, #tpu.memory_space<vmem>>
          %dma_wait3A_91 = arith.constant 0 : i32
          %dma_wait3A_92 = tpu.memref_slice %arg4[%add3A_78, %dma_wait3A_91] : memref<10240x16xf32, #tpu.memory_space<hbm>> -> memref<128x16xf32, #tpu.memory_space<hbm>>
          %dma_wait3A_93 = arith.constant 0 : i32
          %dma_wait3A_94 = tpu.memref_slice %arg4[%add3A_78, %dma_wait3A_93] : memref<10240x16xf32, #tpu.memory_space<hbm>> -> memref<128x16xf32, #tpu.memory_space<hbm>>
          %dma_wait3A_95 = arith.constant 0 : i32
          %dma_wait3A_96 = arith.constant 0 : i32
          %dma_wait3A_97 = tpu.memref_slice %arg8[%dma_wait3A_95, %dma_wait3A_96] : memref<128x16xf32, #tpu.memory_space<vmem>> -> memref<128x16xf32, #tpu.memory_space<vmem>>
          tpu.wait_dma2 semaphore(%run_scoped3A : memref<!tpu.dma_semaphore, #tpu.memory_space<semaphore_mem>>) src(%dma_wait3A_97 : memref<128x16xf32, #tpu.memory_space<vmem>>) dst(%dma_wait3A_94 : memref<128x16xf32, #tpu.memory_space<hbm>>)
          tpu.yield
        }) : () -> ()
      }
      %scan3A_71 = arith.constant 5 : i32
    } else {
    }
    %eq3A_60 = arith.constant 1 : i32
    %eq3A_61 = arith.cmpi eq, %arg0, %eq3A_60 : i32
    %convert_element_type3A_62 = arith.extui %eq3A_61 : i1 to i32
    %cond3A_63 = arith.constant 0 : i32
    %cond3A_64 = arith.cmpi ne, %convert_element_type3A_62, %cond3A_63 : i32
    scf.if %cond3A_64 {
      %mul3A_65 = arith.constant 640 : i32
      %mul3A_66 = arith.muli %arg1, %mul3A_65 : i32
      %scan3A_67 = arith.constant 0 : i32
      %scan3A_68 = arith.constant 5 : i32
      %scan3A_69 = arith.addi %scan3A_67, %scan3A_68 : i32
      %scan3A_70 = arith.constant 1 : i32
      scf.for %scan3A_72 = %scan3A_67 to %scan3A_69 step %scan3A_70  : i32 {
        %mul3A_73 = arith.constant 1 : i32
        %mul3A_74 = arith.muli %scan3A_72, %mul3A_73 : i32
        %add3A = arith.constant 0 : i32
        %add3A_75 = arith.addi %add3A, %mul3A_74 : i32
        %mul3A_76 = arith.constant 128 : i32
        %mul3A_77 = arith.muli %add3A_75, %mul3A_76 : i32
        %add3A_78 = arith.addi %mul3A_66, %mul3A_77 : i32
        "tpu.region"() ({
          %run_scoped3A = tpu.sem_alloc : memref<!tpu.dma_semaphore, #tpu.memory_space<semaphore_mem>>
          %dma_start3A_79 = arith.constant 0 : i32
          %dma_start3A_80 = arith.constant 0 : i32
          %dma_start3A_81 = tpu.memref_slice %arg8[%dma_start3A_79, %dma_start3A_80] : memref<128x16xf32, #tpu.memory_space<vmem>> -> memref<128x16xf32, #tpu.memory_space<vmem>>
          %dma_start3A_82 = arith.constant 0 : i32
          %dma_start3A_83 = tpu.memref_slice %arg9[%add3A_78, %dma_start3A_82] : memref<10240x16xf32, #tpu.memory_space<vmem_shared>> -> memref<128x16xf32, #tpu.memory_space<vmem_shared>>
          %dma_start3A_84 = arith.constant 0 : i32
          %dma_start3A_85 = arith.constant 0 : i32
          %dma_start3A_86 = tpu.memref_slice %arg8[%dma_start3A_84, %dma_start3A_85] : memref<128x16xf32, #tpu.memory_space<vmem>> -> memref<128x16xf32, #tpu.memory_space<vmem>>
          %dma_start3A_87 = arith.constant 0 : i32
          %dma_start3A_88 = tpu.memref_slice %arg9[%add3A_78, %dma_start3A_87] : memref<10240x16xf32, #tpu.memory_space<vmem_shared>> -> memref<128x16xf32, #tpu.memory_space<vmem_shared>>
          tpu.enqueue_dma source(%dma_start3A_88 : memref<128x16xf32, #tpu.memory_space<vmem_shared>>) target(%dma_start3A_86 : memref<128x16xf32, #tpu.memory_space<vmem>>) target_semaphore(%run_scoped3A : memref<!tpu.dma_semaphore, #tpu.memory_space<semaphore_mem>>)
          %dma_wait3A = arith.constant 0 : i32
          %dma_wait3A_89 = arith.constant 0 : i32
          %dma_wait3A_90 = tpu.memref_slice %arg8[%dma_wait3A, %dma_wait3A_89] : memref<128x16xf32, #tpu.memory_space<vmem>> -> memref<128x16xf32, #tpu.memory_space<vmem>>
          %dma_wait3A_91 = arith.constant 0 : i32
          %dma_wait3A_92 = tpu.memref_slice %arg9[%add3A_78, %dma_wait3A_91] : memref<10240x16xf32, #tpu.memory_space<vmem_shared>> -> memref<128x16xf32, #tpu.memory_space<vmem_shared>>
          %dma_wait3A_93 = arith.constant 0 : i32
          %dma_wait3A_94 = arith.constant 0 : i32
          %dma_wait3A_95 = tpu.memref_slice %arg8[%dma_wait3A_93, %dma_wait3A_94] : memref<128x16xf32, #tpu.memory_space<vmem>> -> memref<128x16xf32, #tpu.memory_space<vmem>>
          %dma_wait3A_96 = arith.constant 0 : i32
          %dma_wait3A_97 = tpu.memref_slice %arg9[%add3A_78, %dma_wait3A_96] : memref<10240x16xf32, #tpu.memory_space<vmem_shared>> -> memref<128x16xf32, #tpu.memory_space<vmem_shared>>
          tpu.wait_dma2 semaphore(%run_scoped3A : memref<!tpu.dma_semaphore, #tpu.memory_space<semaphore_mem>>) src(%dma_wait3A_97 : memref<128x16xf32, #tpu.memory_space<vmem_shared>>) dst(%dma_wait3A_95 : memref<128x16xf32, #tpu.memory_space<vmem>>)
          tpu.yield
        }) : () -> ()
        "tpu.region"() ({
          %run_scoped3A = tpu.sem_alloc : memref<!tpu.dma_semaphore, #tpu.memory_space<semaphore_mem>>
          %dma_start3A_79 = arith.constant 0 : i32
          %dma_start3A_80 = arith.constant 0 : i32
          %dma_start3A_81 = tpu.memref_slice %arg8[%dma_start3A_79, %dma_start3A_80] : memref<128x16xf32, #tpu.memory_space<vmem>> -> memref<128x16xf32, #tpu.memory_space<vmem>>
          %dma_start3A_82 = arith.constant 0 : i32
          %dma_start3A_83 = tpu.memref_slice %arg5[%add3A_78, %dma_start3A_82] : memref<10240x16xf32, #tpu.memory_space<hbm>> -> memref<128x16xf32, #tpu.memory_space<hbm>>
          %dma_start3A_84 = arith.constant 0 : i32
          %dma_start3A_85 = tpu.memref_slice %arg5[%add3A_78, %dma_start3A_84] : memref<10240x16xf32, #tpu.memory_space<hbm>> -> memref<128x16xf32, #tpu.memory_space<hbm>>
          %dma_start3A_86 = arith.constant 0 : i32
          %dma_start3A_87 = arith.constant 0 : i32
          %dma_start3A_88 = tpu.memref_slice %arg8[%dma_start3A_86, %dma_start3A_87] : memref<128x16xf32, #tpu.memory_space<vmem>> -> memref<128x16xf32, #tpu.memory_space<vmem>>
          tpu.enqueue_dma source(%dma_start3A_88 : memref<128x16xf32, #tpu.memory_space<vmem>>) target(%dma_start3A_85 : memref<128x16xf32, #tpu.memory_space<hbm>>) target_semaphore(%run_scoped3A : memref<!tpu.dma_semaphore, #tpu.memory_space<semaphore_mem>>)
          %dma_wait3A = arith.constant 0 : i32
          %dma_wait3A_89 = arith.constant 0 : i32
          %dma_wait3A_90 = tpu.memref_slice %arg8[%dma_wait3A, %dma_wait3A_89] : memref<128x16xf32, #tpu.memory_space<vmem>> -> memref<128x16xf32, #tpu.memory_space<vmem>>
          %dma_wait3A_91 = arith.constant 0 : i32
          %dma_wait3A_92 = tpu.memref_slice %arg5[%add3A_78, %dma_wait3A_91] : memref<10240x16xf32, #tpu.memory_space<hbm>> -> memref<128x16xf32, #tpu.memory_space<hbm>>
          %dma_wait3A_93 = arith.constant 0 : i32
          %dma_wait3A_94 = tpu.memref_slice %arg5[%add3A_78, %dma_wait3A_93] : memref<10240x16xf32, #tpu.memory_space<hbm>> -> memref<128x16xf32, #tpu.memory_space<hbm>>
          %dma_wait3A_95 = arith.constant 0 : i32
          %dma_wait3A_96 = arith.constant 0 : i32
          %dma_wait3A_97 = tpu.memref_slice %arg8[%dma_wait3A_95, %dma_wait3A_96] : memref<128x16xf32, #tpu.memory_space<vmem>> -> memref<128x16xf32, #tpu.memory_space<vmem>>
          tpu.wait_dma2 semaphore(%run_scoped3A : memref<!tpu.dma_semaphore, #tpu.memory_space<semaphore_mem>>) src(%dma_wait3A_97 : memref<128x16xf32, #tpu.memory_space<vmem>>) dst(%dma_wait3A_94 : memref<128x16xf32, #tpu.memory_space<hbm>>)
          tpu.yield
        }) : () -> ()
      }
      %scan3A_71 = arith.constant 5 : i32
    } else {
    }
    return
  }
}

#map = affine_map<(d0, d1) -> (0, 0, 0)>
#map1 = affine_map<(d0, d1) -> (0, 0)>
module attributes {stable_mosaic.version = 14 : i64} {
  func.func @_spmm_sc(%arg0: i32, %arg1: i32, %arg2: memref<16x160x128xi32, #tpu.memory_space<hbm>>, %arg3: memref<16x160x128xi32, #tpu.memory_space<hbm>>, %arg4: memref<10240x64xf32, #tpu.memory_space<hbm>>, %arg5: memref<10240x64xf32, #tpu.memory_space<hbm>>, %arg6: memref<10240x64xf32, #tpu.memory_space<hbm>>, %arg7: memref<10240x64xf32, #tpu.memory_space<hbm>>, %arg8: memref<10000x64xf32, #tpu.memory_space<hbm>>, %arg9: memref<10000x64xf32, #tpu.memory_space<hbm>>, %arg10: memref<10000x64xf32, #tpu.memory_space<hbm>>, %arg11: memref<10000x64xf32, #tpu.memory_space<hbm>>, %arg12: memref<160x128xi32, #tpu.memory_space<vmem>>, %arg13: memref<160x128xi32, #tpu.memory_space<vmem>>, %arg14: memref<128x64xf32, #tpu.memory_space<vmem>>, %arg15: memref<128x64xf32, #tpu.memory_space<vmem>>, %arg16: memref<10240x64xf32, #tpu.memory_space<vmem_shared>>, %arg17: memref<!tpu.dma_semaphore, #tpu.memory_space<semaphore_mem>>, %arg18: memref<!tpu.dma_semaphore, #tpu.memory_space<semaphore_mem>>) attributes {dimension_semantics = [#tpu.dimension_semantics<core_parallel>, #tpu.dimension_semantics<subcore_parallel>], iteration_bounds = array<i64: 2, 16>, scalar_prefetch = 0 : i64, scratch_operands = 7 : i64, tpu.core_type = #tpu.core_type<sc_vector_subcore>, window_params = [{transform_indices = #map}, {transform_indices = #map}, {transform_indices = #map1}, {transform_indices = #map1}, {transform_indices = #map1}, {transform_indices = #map1}, {transform_indices = #map1}, {transform_indices = #map1}, {transform_indices = #map1}, {transform_indices = #map1}]} {
    "tpu.region"() ({
      %run_scoped3A = tpu.sem_alloc : memref<!tpu.dma_semaphore, #tpu.memory_space<semaphore_mem>>
      %dma_start3A = arith.constant 0 : i32
      %dma_start3A_62 = arith.constant 0 : i32
      %dma_start3A_63 = tpu.memref_slice %arg2[%arg1, %dma_start3A, %dma_start3A_62] : memref<16x160x128xi32, #tpu.memory_space<hbm>> -> memref<1x160x128xi32, #tpu.memory_space<hbm>>
      %dma_start3A_64 = tpu.memref_squeeze %dma_start3A_63 : memref<1x160x128xi32, #tpu.memory_space<hbm>> -> memref<160x128xi32, #tpu.memory_space<hbm>>
      %dma_start3A_65 = arith.constant 0 : i32
      %dma_start3A_66 = arith.constant 0 : i32
      %dma_start3A_67 = tpu.memref_slice %arg2[%arg1, %dma_start3A_65, %dma_start3A_66] : memref<16x160x128xi32, #tpu.memory_space<hbm>> -> memref<1x160x128xi32, #tpu.memory_space<hbm>>
      %dma_start3A_68 = tpu.memref_squeeze %dma_start3A_67 : memref<1x160x128xi32, #tpu.memory_space<hbm>> -> memref<160x128xi32, #tpu.memory_space<hbm>>
      tpu.enqueue_dma source(%dma_start3A_68 : memref<160x128xi32, #tpu.memory_space<hbm>>) target(%arg12 : memref<160x128xi32, #tpu.memory_space<vmem>>) target_semaphore(%run_scoped3A : memref<!tpu.dma_semaphore, #tpu.memory_space<semaphore_mem>>)
      %dma_wait3A = arith.constant 0 : i32
      %dma_wait3A_69 = arith.constant 0 : i32
      %dma_wait3A_70 = tpu.memref_slice %arg2[%arg1, %dma_wait3A, %dma_wait3A_69] : memref<16x160x128xi32, #tpu.memory_space<hbm>> -> memref<1x160x128xi32, #tpu.memory_space<hbm>>
      %dma_wait3A_71 = tpu.memref_squeeze %dma_wait3A_70 : memref<1x160x128xi32, #tpu.memory_space<hbm>> -> memref<160x128xi32, #tpu.memory_space<hbm>>
      %dma_wait3A_72 = arith.constant 0 : i32
      %dma_wait3A_73 = arith.constant 0 : i32
      %dma_wait3A_74 = tpu.memref_slice %arg2[%arg1, %dma_wait3A_72, %dma_wait3A_73] : memref<16x160x128xi32, #tpu.memory_space<hbm>> -> memref<1x160x128xi32, #tpu.memory_space<hbm>>
      %dma_wait3A_75 = tpu.memref_squeeze %dma_wait3A_74 : memref<1x160x128xi32, #tpu.memory_space<hbm>> -> memref<160x128xi32, #tpu.memory_space<hbm>>
      tpu.wait_dma2 semaphore(%run_scoped3A : memref<!tpu.dma_semaphore, #tpu.memory_space<semaphore_mem>>) src(%dma_wait3A_75 : memref<160x128xi32, #tpu.memory_space<hbm>>) dst(%arg12 : memref<160x128xi32, #tpu.memory_space<vmem>>)
      tpu.yield
    }) : () -> ()
    "tpu.region"() ({
      %run_scoped3A = tpu.sem_alloc : memref<!tpu.dma_semaphore, #tpu.memory_space<semaphore_mem>>
      %dma_start3A = arith.constant 0 : i32
      %dma_start3A_62 = arith.constant 0 : i32
      %dma_start3A_63 = tpu.memref_slice %arg3[%arg1, %dma_start3A, %dma_start3A_62] : memref<16x160x128xi32, #tpu.memory_space<hbm>> -> memref<1x160x128xi32, #tpu.memory_space<hbm>>
      %dma_start3A_64 = tpu.memref_squeeze %dma_start3A_63 : memref<1x160x128xi32, #tpu.memory_space<hbm>> -> memref<160x128xi32, #tpu.memory_space<hbm>>
      %dma_start3A_65 = arith.constant 0 : i32
      %dma_start3A_66 = arith.constant 0 : i32
      %dma_start3A_67 = tpu.memref_slice %arg3[%arg1, %dma_start3A_65, %dma_start3A_66] : memref<16x160x128xi32, #tpu.memory_space<hbm>> -> memref<1x160x128xi32, #tpu.memory_space<hbm>>
      %dma_start3A_68 = tpu.memref_squeeze %dma_start3A_67 : memref<1x160x128xi32, #tpu.memory_space<hbm>> -> memref<160x128xi32, #tpu.memory_space<hbm>>
      tpu.enqueue_dma source(%dma_start3A_68 : memref<160x128xi32, #tpu.memory_space<hbm>>) target(%arg13 : memref<160x128xi32, #tpu.memory_space<vmem>>) target_semaphore(%run_scoped3A : memref<!tpu.dma_semaphore, #tpu.memory_space<semaphore_mem>>)
      %dma_wait3A = arith.constant 0 : i32
      %dma_wait3A_69 = arith.constant 0 : i32
      %dma_wait3A_70 = tpu.memref_slice %arg3[%arg1, %dma_wait3A, %dma_wait3A_69] : memref<16x160x128xi32, #tpu.memory_space<hbm>> -> memref<1x160x128xi32, #tpu.memory_space<hbm>>
      %dma_wait3A_71 = tpu.memref_squeeze %dma_wait3A_70 : memref<1x160x128xi32, #tpu.memory_space<hbm>> -> memref<160x128xi32, #tpu.memory_space<hbm>>
      %dma_wait3A_72 = arith.constant 0 : i32
      %dma_wait3A_73 = arith.constant 0 : i32
      %dma_wait3A_74 = tpu.memref_slice %arg3[%arg1, %dma_wait3A_72, %dma_wait3A_73] : memref<16x160x128xi32, #tpu.memory_space<hbm>> -> memref<1x160x128xi32, #tpu.memory_space<hbm>>
      %dma_wait3A_75 = tpu.memref_squeeze %dma_wait3A_74 : memref<1x160x128xi32, #tpu.memory_space<hbm>> -> memref<160x128xi32, #tpu.memory_space<hbm>>
      tpu.wait_dma2 semaphore(%run_scoped3A : memref<!tpu.dma_semaphore, #tpu.memory_space<semaphore_mem>>) src(%dma_wait3A_75 : memref<160x128xi32, #tpu.memory_space<hbm>>) dst(%arg13 : memref<160x128xi32, #tpu.memory_space<vmem>>)
      tpu.yield
    }) : () -> ()
    %scan3A = arith.constant 0 : i32
    %scan3A_0 = arith.constant 128 : i32
    %scan3A_1 = arith.addi %scan3A, %scan3A_0 : i32
    %scan3A_2 = arith.constant 1 : i32
    scf.for %scan3A_62 = %scan3A to %scan3A_1 step %scan3A_2  : i32 {
      %mul3A_63 = arith.constant 1 : i32
      %mul3A_64 = arith.muli %scan3A_62, %mul3A_63 : i32
      %add3A = arith.constant 0 : i32
      %add3A_65 = arith.addi %add3A, %mul3A_64 : i32
      %broadcast_in_dim3A = arith.constant 0.000000e+00 : f32
      %broadcast_in_dim3A_66 = vector.broadcast %broadcast_in_dim3A : f32 to vector<16xf32>
      %swap3A = arith.index_cast %add3A_65 : i32 to index
      %swap3A_67 = arith.constant 0 : index
      %swap3A_68 = tpu.vector_load %arg14[%swap3A, %swap3A_67] {strides = array<i32>} : memref<128x64xf32, #tpu.memory_space<vmem>>, vector<1x16xf32>,
      %swap3A_69 = vector.shape_cast %swap3A_68 : vector<1x16xf32> to vector<16xf32>
      %swap3A_70 = vector.shape_cast %broadcast_in_dim3A_66 : vector<16xf32> to vector<1x16xf32>
      tpu.vector_store %arg14[%swap3A, %swap3A_67], %swap3A_70 {strides = array<i32>} : memref<128x64xf32, #tpu.memory_space<vmem>>, vector<1x16xf32>,
      %broadcast_in_dim3A_71 = arith.constant 0.000000e+00 : f32
      %broadcast_in_dim3A_72 = vector.broadcast %broadcast_in_dim3A_71 : f32 to vector<16xf32>
      %swap3A_73 = arith.index_cast %add3A_65 : i32 to index
      %swap3A_74 = arith.constant 16 : index
      %swap3A_75 = tpu.vector_load %arg14[%swap3A_73, %swap3A_74] {strides = array<i32>} : memref<128x64xf32, #tpu.memory_space<vmem>>, vector<1x16xf32>,
      %swap3A_76 = vector.shape_cast %swap3A_75 : vector<1x16xf32> to vector<16xf32>
      %swap3A_77 = vector.shape_cast %broadcast_in_dim3A_72 : vector<16xf32> to vector<1x16xf32>
      tpu.vector_store %arg14[%swap3A_73, %swap3A_74], %swap3A_77 {strides = array<i32>} : memref<128x64xf32, #tpu.memory_space<vmem>>, vector<1x16xf32>,
      %broadcast_in_dim3A_78 = arith.constant 0.000000e+00 : f32
      %broadcast_in_dim3A_79 = vector.broadcast %broadcast_in_dim3A_78 : f32 to vector<16xf32>
      %swap3A_80 = arith.index_cast %add3A_65 : i32 to index
      %swap3A_81 = arith.constant 32 : index
      %swap3A_82 = tpu.vector_load %arg14[%swap3A_80, %swap3A_81] {strides = array<i32>} : memref<128x64xf32, #tpu.memory_space<vmem>>, vector<1x16xf32>,
      %swap3A_83 = vector.shape_cast %swap3A_82 : vector<1x16xf32> to vector<16xf32>
      %swap3A_84 = vector.shape_cast %broadcast_in_dim3A_79 : vector<16xf32> to vector<1x16xf32>
      tpu.vector_store %arg14[%swap3A_80, %swap3A_81], %swap3A_84 {strides = array<i32>} : memref<128x64xf32, #tpu.memory_space<vmem>>, vector<1x16xf32>,
      %broadcast_in_dim3A_85 = arith.constant 0.000000e+00 : f32
      %broadcast_in_dim3A_86 = vector.broadcast %broadcast_in_dim3A_85 : f32 to vector<16xf32>
      %swap3A_87 = arith.index_cast %add3A_65 : i32 to index
      %swap3A_88 = arith.constant 48 : index
      %swap3A_89 = tpu.vector_load %arg14[%swap3A_87, %swap3A_88] {strides = array<i32>} : memref<128x64xf32, #tpu.memory_space<vmem>>, vector<1x16xf32>,
      %swap3A_90 = vector.shape_cast %swap3A_89 : vector<1x16xf32> to vector<16xf32>
      %swap3A_91 = vector.shape_cast %broadcast_in_dim3A_86 : vector<16xf32> to vector<1x16xf32>
      tpu.vector_store %arg14[%swap3A_87, %swap3A_88], %swap3A_91 {strides = array<i32>} : memref<128x64xf32, #tpu.memory_space<vmem>>, vector<1x16xf32>,
    }
    %scan3A_3 = arith.constant 128 : i32
    %mul3A = arith.constant 640 : i32
    %mul3A_4 = arith.muli %arg1, %mul3A : i32
    %scan3A_5 = arith.constant 0 : i32
    %scan3A_6 = arith.constant 5 : i32
    %scan3A_7 = arith.addi %scan3A_5, %scan3A_6 : i32
    %scan3A_8 = arith.constant 1 : i32
    scf.for %scan3A_62 = %scan3A_5 to %scan3A_7 step %scan3A_8  : i32 {
      %mul3A_63 = arith.constant 1 : i32
      %mul3A_64 = arith.muli %scan3A_62, %mul3A_63 : i32
      %add3A = arith.constant 0 : i32
      %add3A_65 = arith.addi %add3A, %mul3A_64 : i32
      %mul3A_66 = arith.constant 128 : i32
      %mul3A_67 = arith.muli %add3A_65, %mul3A_66 : i32
      %add3A_68 = arith.addi %mul3A_4, %mul3A_67 : i32
      "tpu.region"() ({
        %run_scoped3A = tpu.sem_alloc : memref<!tpu.dma_semaphore, #tpu.memory_space<semaphore_mem>>
        %dma_start3A = arith.constant 0 : i32
        %dma_start3A_69 = arith.constant 0 : i32
        %dma_start3A_70 = tpu.memref_slice %arg14[%dma_start3A, %dma_start3A_69] : memref<128x64xf32, #tpu.memory_space<vmem>> -> memref<128x64xf32, #tpu.memory_space<vmem>>
        %dma_start3A_71 = arith.constant 0 : i32
        %dma_start3A_72 = tpu.memref_slice %arg16[%add3A_68, %dma_start3A_71] : memref<10240x64xf32, #tpu.memory_space<vmem_shared>> -> memref<128x64xf32, #tpu.memory_space<vmem_shared>>
        %dma_start3A_73 = arith.constant 0 : i32
        %dma_start3A_74 = tpu.memref_slice %arg16[%add3A_68, %dma_start3A_73] : memref<10240x64xf32, #tpu.memory_space<vmem_shared>> -> memref<128x64xf32, #tpu.memory_space<vmem_shared>>
        %dma_start3A_75 = arith.constant 0 : i32
        %dma_start3A_76 = arith.constant 0 : i32
        %dma_start3A_77 = tpu.memref_slice %arg14[%dma_start3A_75, %dma_start3A_76] : memref<128x64xf32, #tpu.memory_space<vmem>> -> memref<128x64xf32, #tpu.memory_space<vmem>>
        tpu.enqueue_dma source(%dma_start3A_77 : memref<128x64xf32, #tpu.memory_space<vmem>>) target(%dma_start3A_74 : memref<128x64xf32, #tpu.memory_space<vmem_shared>>) target_semaphore(%run_scoped3A : memref<!tpu.dma_semaphore, #tpu.memory_space<semaphore_mem>>)
        %dma_wait3A = arith.constant 0 : i32
        %dma_wait3A_78 = arith.constant 0 : i32
        %dma_wait3A_79 = tpu.memref_slice %arg14[%dma_wait3A, %dma_wait3A_78] : memref<128x64xf32, #tpu.memory_space<vmem>> -> memref<128x64xf32, #tpu.memory_space<vmem>>
        %dma_wait3A_80 = arith.constant 0 : i32
        %dma_wait3A_81 = tpu.memref_slice %arg16[%add3A_68, %dma_wait3A_80] : memref<10240x64xf32, #tpu.memory_space<vmem_shared>> -> memref<128x64xf32, #tpu.memory_space<vmem_shared>>
        %dma_wait3A_82 = arith.constant 0 : i32
        %dma_wait3A_83 = tpu.memref_slice %arg16[%add3A_68, %dma_wait3A_82] : memref<10240x64xf32, #tpu.memory_space<vmem_shared>> -> memref<128x64xf32, #tpu.memory_space<vmem_shared>>
        %dma_wait3A_84 = arith.constant 0 : i32
        %dma_wait3A_85 = arith.constant 0 : i32
        %dma_wait3A_86 = tpu.memref_slice %arg14[%dma_wait3A_84, %dma_wait3A_85] : memref<128x64xf32, #tpu.memory_space<vmem>> -> memref<128x64xf32, #tpu.memory_space<vmem>>
        tpu.wait_dma2 semaphore(%run_scoped3A : memref<!tpu.dma_semaphore, #tpu.memory_space<semaphore_mem>>) src(%dma_wait3A_86 : memref<128x64xf32, #tpu.memory_space<vmem>>) dst(%dma_wait3A_83 : memref<128x64xf32, #tpu.memory_space<vmem_shared>>)
        tpu.yield
      }) : () -> ()
    }
    %scan3A_9 = arith.constant 5 : i32
    %barrier3A = arith.constant 0 : index
    tpu.barrier barrier_id(%barrier3A)
    %eq3A = arith.constant 0 : i32
    %eq3A_10 = arith.cmpi eq, %arg0, %eq3A : i32
    %convert_element_type3A = arith.extui %eq3A_10 : i1 to i32
    %cond3A = arith.constant 0 : i32
    %cond3A_11 = arith.cmpi ne, %convert_element_type3A, %cond3A : i32
    scf.if %cond3A_11 {
      %dma_start3A = arith.constant 0 : i32
      %dma_start3A_62 = arith.constant 0 : i32
      %dma_start3A_63 = tpu.memref_slice %arg13[%dma_start3A, %dma_start3A_62] : memref<160x128xi32, #tpu.memory_space<vmem>> -> memref<1x128xi32, #tpu.memory_space<vmem>>
      %dma_start3A_64 = tpu.memref_squeeze %dma_start3A_63 : memref<1x128xi32, #tpu.memory_space<vmem>> -> memref<128xi32, #tpu.memory_space<vmem>>
      %dma_start3A_65 = arith.constant 0 : i32
      %dma_start3A_66 = arith.constant 0 : i32
      %dma_start3A_67 = tpu.memref_slice %arg4[%dma_start3A_65, %dma_start3A_66] : memref<10240x64xf32, #tpu.memory_space<hbm>> -> memref<10240x64xf32, #tpu.memory_space<hbm>>
      tpu.enqueue_indirect_dma source(%dma_start3A_67 : memref<10240x64xf32, #tpu.memory_space<hbm>>) target(%arg14 : memref<128x64xf32, #tpu.memory_space<vmem>>) offsets(%dma_start3A_64 : memref<128xi32, #tpu.memory_space<vmem>>) semaphore(%arg17 : memref<!tpu.dma_semaphore, #tpu.memory_space<semaphore_mem>>)
      %scan3A_68 = arith.constant 0 : i32
      %scan3A_69 = arith.constant 80 : i32
      %scan3A_70 = arith.addi %scan3A_68, %scan3A_69 : i32
      %scan3A_71 = arith.constant 1 : i32
      scf.for %scan3A_73 = %scan3A_68 to %scan3A_70 step %scan3A_71  : i32 {
        %mul3A_74 = arith.constant 2 : i32
        %mul3A_75 = arith.muli %scan3A_73, %mul3A_74 : i32
        %add3A = arith.constant 0 : i32
        %add3A_76 = arith.addi %add3A, %mul3A_75 : i32
        %add3A_77 = arith.constant 1 : i32
        %add3A_78 = arith.addi %add3A_76, %add3A_77 : i32
        %dma_start3A_79 = arith.constant 0 : i32
        %dma_start3A_80 = tpu.memref_slice %arg13[%add3A_78, %dma_start3A_79] : memref<160x128xi32, #tpu.memory_space<vmem>> -> memref<1x128xi32, #tpu.memory_space<vmem>>
        %dma_start3A_81 = tpu.memref_squeeze %dma_start3A_80 : memref<1x128xi32, #tpu.memory_space<vmem>> -> memref<128xi32, #tpu.memory_space<vmem>>
        %dma_start3A_82 = arith.constant 0 : i32
        %dma_start3A_83 = arith.constant 0 : i32
        %dma_start3A_84 = tpu.memref_slice %arg4[%dma_start3A_82, %dma_start3A_83] : memref<10240x64xf32, #tpu.memory_space<hbm>> -> memref<10240x64xf32, #tpu.memory_space<hbm>>
        tpu.enqueue_indirect_dma source(%dma_start3A_84 : memref<10240x64xf32, #tpu.memory_space<hbm>>) target(%arg15 : memref<128x64xf32, #tpu.memory_space<vmem>>) offsets(%dma_start3A_81 : memref<128xi32, #tpu.memory_space<vmem>>) semaphore(%arg18 : memref<!tpu.dma_semaphore, #tpu.memory_space<semaphore_mem>>)
        %dma_wait3A = arith.constant 0 : i32
        %dma_wait3A_85 = tpu.memref_slice %arg13[%add3A_76, %dma_wait3A] : memref<160x128xi32, #tpu.memory_space<vmem>> -> memref<1x128xi32, #tpu.memory_space<vmem>>
        %dma_wait3A_86 = tpu.memref_squeeze %dma_wait3A_85 : memref<1x128xi32, #tpu.memory_space<vmem>> -> memref<128xi32, #tpu.memory_space<vmem>>
        %dma_wait3A_87 = arith.constant 0 : i32
        %dma_wait3A_88 = arith.constant 0 : i32
        %dma_wait3A_89 = tpu.memref_slice %arg4[%dma_wait3A_87, %dma_wait3A_88] : memref<10240x64xf32, #tpu.memory_space<hbm>> -> memref<10240x64xf32, #tpu.memory_space<hbm>>
        tpu.wait_indirect_dma semaphore(%arg17 : memref<!tpu.dma_semaphore, #tpu.memory_space<semaphore_mem>>) src(%dma_wait3A_89 : memref<10240x64xf32, #tpu.memory_space<hbm>>) dst(%arg14 : memref<128x64xf32, #tpu.memory_space<vmem>>)
        "tpu.region"() ({
          %run_scoped3A = tpu.sem_alloc : memref<!tpu.dma_semaphore, #tpu.memory_space<semaphore_mem>>
          %dma_start3A_106 = arith.constant 0 : i32
          %dma_start3A_107 = tpu.memref_slice %arg12[%add3A_76, %dma_start3A_106] : memref<160x128xi32, #tpu.memory_space<vmem>> -> memref<1x128xi32, #tpu.memory_space<vmem>>
          %dma_start3A_108 = tpu.memref_squeeze %dma_start3A_107 : memref<1x128xi32, #tpu.memory_space<vmem>> -> memref<128xi32, #tpu.memory_space<vmem>>
          %dma_start3A_109 = arith.constant 0 : i32
          %dma_start3A_110 = arith.constant 0 : i32
          %dma_start3A_111 = tpu.memref_slice %arg16[%dma_start3A_109, %dma_start3A_110] : memref<10240x64xf32, #tpu.memory_space<vmem_shared>> -> memref<10240x64xf32, #tpu.memory_space<vmem_shared>>
          tpu.enqueue_indirect_dma source(%arg14 : memref<128x64xf32, #tpu.memory_space<vmem>>) target(%dma_start3A_111 : memref<10240x64xf32, #tpu.memory_space<vmem_shared>>) offsets(%dma_start3A_108 : memref<128xi32, #tpu.memory_space<vmem>>) semaphore(%run_scoped3A : memref<!tpu.dma_semaphore, #tpu.memory_space<semaphore_mem>>) {add = true}
          %dma_wait3A_112 = arith.constant 0 : i32
          %dma_wait3A_113 = tpu.memref_slice %arg12[%add3A_76, %dma_wait3A_112] : memref<160x128xi32, #tpu.memory_space<vmem>> -> memref<1x128xi32, #tpu.memory_space<vmem>>
          %dma_wait3A_114 = tpu.memref_squeeze %dma_wait3A_113 : memref<1x128xi32, #tpu.memory_space<vmem>> -> memref<128xi32, #tpu.memory_space<vmem>>
          %dma_wait3A_115 = arith.constant 0 : i32
          %dma_wait3A_116 = arith.constant 0 : i32
          %dma_wait3A_117 = tpu.memref_slice %arg16[%dma_wait3A_115, %dma_wait3A_116] : memref<10240x64xf32, #tpu.memory_space<vmem_shared>> -> memref<10240x64xf32, #tpu.memory_space<vmem_shared>>
          tpu.wait_indirect_dma semaphore(%run_scoped3A : memref<!tpu.dma_semaphore, #tpu.memory_space<semaphore_mem>>) src(%arg14 : memref<128x64xf32, #tpu.memory_space<vmem>>) dst(%dma_wait3A_117 : memref<10240x64xf32, #tpu.memory_space<vmem_shared>>)
          tpu.yield
        }) : () -> ()
        %add3A_90 = arith.constant 2 : i32
        %add3A_91 = arith.addi %add3A_76, %add3A_90 : i32
        %lt3A = arith.constant 160 : i32
        %lt3A_92 = arith.cmpi slt, %add3A_91, %lt3A : i32
        %convert_element_type3A_93 = arith.extui %lt3A_92 : i1 to i32
        %cond3A_94 = arith.constant 0 : i32
        %cond3A_95 = arith.cmpi ne, %convert_element_type3A_93, %cond3A_94 : i32
        scf.if %cond3A_95 {
          %add3A_106 = arith.constant 2 : i32
          %add3A_107 = arith.addi %add3A_76, %add3A_106 : i32
          %dma_start3A_108 = arith.constant 0 : i32
          %dma_start3A_109 = tpu.memref_slice %arg13[%add3A_107, %dma_start3A_108] : memref<160x128xi32, #tpu.memory_space<vmem>> -> memref<1x128xi32, #tpu.memory_space<vmem>>
          %dma_start3A_110 = tpu.memref_squeeze %dma_start3A_109 : memref<1x128xi32, #tpu.memory_space<vmem>> -> memref<128xi32, #tpu.memory_space<vmem>>
          %dma_start3A_111 = arith.constant 0 : i32
          %dma_start3A_112 = arith.constant 0 : i32
          %dma_start3A_113 = tpu.memref_slice %arg4[%dma_start3A_111, %dma_start3A_112] : memref<10240x64xf32, #tpu.memory_space<hbm>> -> memref<10240x64xf32, #tpu.memory_space<hbm>>
          tpu.enqueue_indirect_dma source(%dma_start3A_113 : memref<10240x64xf32, #tpu.memory_space<hbm>>) target(%arg14 : memref<128x64xf32, #tpu.memory_space<vmem>>) offsets(%dma_start3A_110 : memref<128xi32, #tpu.memory_space<vmem>>) semaphore(%arg17 : memref<!tpu.dma_semaphore, #tpu.memory_space<semaphore_mem>>)
        } else {
        }
        %add3A_96 = arith.constant 1 : i32
        %add3A_97 = arith.addi %add3A_76, %add3A_96 : i32
        %dma_wait3A_98 = arith.constant 0 : i32
        %dma_wait3A_99 = tpu.memref_slice %arg13[%add3A_97, %dma_wait3A_98] : memref<160x128xi32, #tpu.memory_space<vmem>> -> memref<1x128xi32, #tpu.memory_space<vmem>>
        %dma_wait3A_100 = tpu.memref_squeeze %dma_wait3A_99 : memref<1x128xi32, #tpu.memory_space<vmem>> -> memref<128xi32, #tpu.memory_space<vmem>>
        %dma_wait3A_101 = arith.constant 0 : i32
        %dma_wait3A_102 = arith.constant 0 : i32
        %dma_wait3A_103 = tpu.memref_slice %arg4[%dma_wait3A_101, %dma_wait3A_102] : memref<10240x64xf32, #tpu.memory_space<hbm>> -> memref<10240x64xf32, #tpu.memory_space<hbm>>
        tpu.wait_indirect_dma semaphore(%arg18 : memref<!tpu.dma_semaphore, #tpu.memory_space<semaphore_mem>>) src(%dma_wait3A_103 : memref<10240x64xf32, #tpu.memory_space<hbm>>) dst(%arg15 : memref<128x64xf32, #tpu.memory_space<vmem>>)
        %add3A_104 = arith.constant 1 : i32
        %add3A_105 = arith.addi %add3A_76, %add3A_104 : i32
        "tpu.region"() ({
          %run_scoped3A = tpu.sem_alloc : memref<!tpu.dma_semaphore, #tpu.memory_space<semaphore_mem>>
          %dma_start3A_106 = arith.constant 0 : i32
          %dma_start3A_107 = tpu.memref_slice %arg12[%add3A_105, %dma_start3A_106] : memref<160x128xi32, #tpu.memory_space<vmem>> -> memref<1x128xi32, #tpu.memory_space<vmem>>
          %dma_start3A_108 = tpu.memref_squeeze %dma_start3A_107 : memref<1x128xi32, #tpu.memory_space<vmem>> -> memref<128xi32, #tpu.memory_space<vmem>>
          %dma_start3A_109 = arith.constant 0 : i32
          %dma_start3A_110 = arith.constant 0 : i32
          %dma_start3A_111 = tpu.memref_slice %arg16[%dma_start3A_109, %dma_start3A_110] : memref<10240x64xf32, #tpu.memory_space<vmem_shared>> -> memref<10240x64xf32, #tpu.memory_space<vmem_shared>>
          tpu.enqueue_indirect_dma source(%arg15 : memref<128x64xf32, #tpu.memory_space<vmem>>) target(%dma_start3A_111 : memref<10240x64xf32, #tpu.memory_space<vmem_shared>>) offsets(%dma_start3A_108 : memref<128xi32, #tpu.memory_space<vmem>>) semaphore(%run_scoped3A : memref<!tpu.dma_semaphore, #tpu.memory_space<semaphore_mem>>) {add = true}
          %dma_wait3A_112 = arith.constant 0 : i32
          %dma_wait3A_113 = tpu.memref_slice %arg12[%add3A_105, %dma_wait3A_112] : memref<160x128xi32, #tpu.memory_space<vmem>> -> memref<1x128xi32, #tpu.memory_space<vmem>>
          %dma_wait3A_114 = tpu.memref_squeeze %dma_wait3A_113 : memref<1x128xi32, #tpu.memory_space<vmem>> -> memref<128xi32, #tpu.memory_space<vmem>>
          %dma_wait3A_115 = arith.constant 0 : i32
          %dma_wait3A_116 = arith.constant 0 : i32
          %dma_wait3A_117 = tpu.memref_slice %arg16[%dma_wait3A_115, %dma_wait3A_116] : memref<10240x64xf32, #tpu.memory_space<vmem_shared>> -> memref<10240x64xf32, #tpu.memory_space<vmem_shared>>
          tpu.wait_indirect_dma semaphore(%run_scoped3A : memref<!tpu.dma_semaphore, #tpu.memory_space<semaphore_mem>>) src(%arg15 : memref<128x64xf32, #tpu.memory_space<vmem>>) dst(%dma_wait3A_117 : memref<10240x64xf32, #tpu.memory_space<vmem_shared>>)
          tpu.yield
        }) : () -> ()
      }
      %scan3A_72 = arith.constant 80 : i32
    } else {
    }
    %eq3A_12 = arith.constant 1 : i32
    %eq3A_13 = arith.cmpi eq, %arg0, %eq3A_12 : i32
    %convert_element_type3A_14 = arith.extui %eq3A_13 : i1 to i32
    %cond3A_15 = arith.constant 0 : i32
    %cond3A_16 = arith.cmpi ne, %convert_element_type3A_14, %cond3A_15 : i32
    scf.if %cond3A_16 {
      %dma_start3A = arith.constant 0 : i32
      %dma_start3A_62 = arith.constant 0 : i32
      %dma_start3A_63 = tpu.memref_slice %arg12[%dma_start3A, %dma_start3A_62] : memref<160x128xi32, #tpu.memory_space<vmem>> -> memref<1x128xi32, #tpu.memory_space<vmem>>
      %dma_start3A_64 = tpu.memref_squeeze %dma_start3A_63 : memref<1x128xi32, #tpu.memory_space<vmem>> -> memref<128xi32, #tpu.memory_space<vmem>>
      %dma_start3A_65 = arith.constant 0 : i32
      %dma_start3A_66 = arith.constant 0 : i32
      %dma_start3A_67 = tpu.memref_slice %arg6[%dma_start3A_65, %dma_start3A_66] : memref<10240x64xf32, #tpu.memory_space<hbm>> -> memref<10240x64xf32, #tpu.memory_space<hbm>>
      tpu.enqueue_indirect_dma source(%dma_start3A_67 : memref<10240x64xf32, #tpu.memory_space<hbm>>) target(%arg14 : memref<128x64xf32, #tpu.memory_space<vmem>>) offsets(%dma_start3A_64 : memref<128xi32, #tpu.memory_space<vmem>>) semaphore(%arg17 : memref<!tpu.dma_semaphore, #tpu.memory_space<semaphore_mem>>)
      %scan3A_68 = arith.constant 0 : i32
      %scan3A_69 = arith.constant 80 : i32
      %scan3A_70 = arith.addi %scan3A_68, %scan3A_69 : i32
      %scan3A_71 = arith.constant 1 : i32
      scf.for %scan3A_73 = %scan3A_68 to %scan3A_70 step %scan3A_71  : i32 {
        %mul3A_74 = arith.constant 2 : i32
        %mul3A_75 = arith.muli %scan3A_73, %mul3A_74 : i32
        %add3A = arith.constant 0 : i32
        %add3A_76 = arith.addi %add3A, %mul3A_75 : i32
        %add3A_77 = arith.constant 1 : i32
        %add3A_78 = arith.addi %add3A_76, %add3A_77 : i32
        %dma_start3A_79 = arith.constant 0 : i32
        %dma_start3A_80 = tpu.memref_slice %arg12[%add3A_78, %dma_start3A_79] : memref<160x128xi32, #tpu.memory_space<vmem>> -> memref<1x128xi32, #tpu.memory_space<vmem>>
        %dma_start3A_81 = tpu.memref_squeeze %dma_start3A_80 : memref<1x128xi32, #tpu.memory_space<vmem>> -> memref<128xi32, #tpu.memory_space<vmem>>
        %dma_start3A_82 = arith.constant 0 : i32
        %dma_start3A_83 = arith.constant 0 : i32
        %dma_start3A_84 = tpu.memref_slice %arg6[%dma_start3A_82, %dma_start3A_83] : memref<10240x64xf32, #tpu.memory_space<hbm>> -> memref<10240x64xf32, #tpu.memory_space<hbm>>
        tpu.enqueue_indirect_dma source(%dma_start3A_84 : memref<10240x64xf32, #tpu.memory_space<hbm>>) target(%arg15 : memref<128x64xf32, #tpu.memory_space<vmem>>) offsets(%dma_start3A_81 : memref<128xi32, #tpu.memory_space<vmem>>) semaphore(%arg18 : memref<!tpu.dma_semaphore, #tpu.memory_space<semaphore_mem>>)
        %dma_wait3A = arith.constant 0 : i32
        %dma_wait3A_85 = tpu.memref_slice %arg12[%add3A_76, %dma_wait3A] : memref<160x128xi32, #tpu.memory_space<vmem>> -> memref<1x128xi32, #tpu.memory_space<vmem>>
        %dma_wait3A_86 = tpu.memref_squeeze %dma_wait3A_85 : memref<1x128xi32, #tpu.memory_space<vmem>> -> memref<128xi32, #tpu.memory_space<vmem>>
        %dma_wait3A_87 = arith.constant 0 : i32
        %dma_wait3A_88 = arith.constant 0 : i32
        %dma_wait3A_89 = tpu.memref_slice %arg6[%dma_wait3A_87, %dma_wait3A_88] : memref<10240x64xf32, #tpu.memory_space<hbm>> -> memref<10240x64xf32, #tpu.memory_space<hbm>>
        tpu.wait_indirect_dma semaphore(%arg17 : memref<!tpu.dma_semaphore, #tpu.memory_space<semaphore_mem>>) src(%dma_wait3A_89 : memref<10240x64xf32, #tpu.memory_space<hbm>>) dst(%arg14 : memref<128x64xf32, #tpu.memory_space<vmem>>)
        "tpu.region"() ({
          %run_scoped3A = tpu.sem_alloc : memref<!tpu.dma_semaphore, #tpu.memory_space<semaphore_mem>>
          %dma_start3A_106 = arith.constant 0 : i32
          %dma_start3A_107 = tpu.memref_slice %arg13[%add3A_76, %dma_start3A_106] : memref<160x128xi32, #tpu.memory_space<vmem>> -> memref<1x128xi32, #tpu.memory_space<vmem>>
          %dma_start3A_108 = tpu.memref_squeeze %dma_start3A_107 : memref<1x128xi32, #tpu.memory_space<vmem>> -> memref<128xi32, #tpu.memory_space<vmem>>
          %dma_start3A_109 = arith.constant 0 : i32
          %dma_start3A_110 = arith.constant 0 : i32
          %dma_start3A_111 = tpu.memref_slice %arg16[%dma_start3A_109, %dma_start3A_110] : memref<10240x64xf32, #tpu.memory_space<vmem_shared>> -> memref<10240x64xf32, #tpu.memory_space<vmem_shared>>
          tpu.enqueue_indirect_dma source(%arg14 : memref<128x64xf32, #tpu.memory_space<vmem>>) target(%dma_start3A_111 : memref<10240x64xf32, #tpu.memory_space<vmem_shared>>) offsets(%dma_start3A_108 : memref<128xi32, #tpu.memory_space<vmem>>) semaphore(%run_scoped3A : memref<!tpu.dma_semaphore, #tpu.memory_space<semaphore_mem>>) {add = true}
          %dma_wait3A_112 = arith.constant 0 : i32
          %dma_wait3A_113 = tpu.memref_slice %arg13[%add3A_76, %dma_wait3A_112] : memref<160x128xi32, #tpu.memory_space<vmem>> -> memref<1x128xi32, #tpu.memory_space<vmem>>
          %dma_wait3A_114 = tpu.memref_squeeze %dma_wait3A_113 : memref<1x128xi32, #tpu.memory_space<vmem>> -> memref<128xi32, #tpu.memory_space<vmem>>
          %dma_wait3A_115 = arith.constant 0 : i32
          %dma_wait3A_116 = arith.constant 0 : i32
          %dma_wait3A_117 = tpu.memref_slice %arg16[%dma_wait3A_115, %dma_wait3A_116] : memref<10240x64xf32, #tpu.memory_space<vmem_shared>> -> memref<10240x64xf32, #tpu.memory_space<vmem_shared>>
          tpu.wait_indirect_dma semaphore(%run_scoped3A : memref<!tpu.dma_semaphore, #tpu.memory_space<semaphore_mem>>) src(%arg14 : memref<128x64xf32, #tpu.memory_space<vmem>>) dst(%dma_wait3A_117 : memref<10240x64xf32, #tpu.memory_space<vmem_shared>>)
          tpu.yield
        }) : () -> ()
        %add3A_90 = arith.constant 2 : i32
        %add3A_91 = arith.addi %add3A_76, %add3A_90 : i32
        %lt3A = arith.constant 160 : i32
        %lt3A_92 = arith.cmpi slt, %add3A_91, %lt3A : i32
        %convert_element_type3A_93 = arith.extui %lt3A_92 : i1 to i32
        %cond3A_94 = arith.constant 0 : i32
        %cond3A_95 = arith.cmpi ne, %convert_element_type3A_93, %cond3A_94 : i32
        scf.if %cond3A_95 {
          %add3A_106 = arith.constant 2 : i32
          %add3A_107 = arith.addi %add3A_76, %add3A_106 : i32
          %dma_start3A_108 = arith.constant 0 : i32
          %dma_start3A_109 = tpu.memref_slice %arg12[%add3A_107, %dma_start3A_108] : memref<160x128xi32, #tpu.memory_space<vmem>> -> memref<1x128xi32, #tpu.memory_space<vmem>>
          %dma_start3A_110 = tpu.memref_squeeze %dma_start3A_109 : memref<1x128xi32, #tpu.memory_space<vmem>> -> memref<128xi32, #tpu.memory_space<vmem>>
          %dma_start3A_111 = arith.constant 0 : i32
          %dma_start3A_112 = arith.constant 0 : i32
          %dma_start3A_113 = tpu.memref_slice %arg6[%dma_start3A_111, %dma_start3A_112] : memref<10240x64xf32, #tpu.memory_space<hbm>> -> memref<10240x64xf32, #tpu.memory_space<hbm>>
          tpu.enqueue_indirect_dma source(%dma_start3A_113 : memref<10240x64xf32, #tpu.memory_space<hbm>>) target(%arg14 : memref<128x64xf32, #tpu.memory_space<vmem>>) offsets(%dma_start3A_110 : memref<128xi32, #tpu.memory_space<vmem>>) semaphore(%arg17 : memref<!tpu.dma_semaphore, #tpu.memory_space<semaphore_mem>>)
        } else {
        }
        %add3A_96 = arith.constant 1 : i32
        %add3A_97 = arith.addi %add3A_76, %add3A_96 : i32
        %dma_wait3A_98 = arith.constant 0 : i32
        %dma_wait3A_99 = tpu.memref_slice %arg12[%add3A_97, %dma_wait3A_98] : memref<160x128xi32, #tpu.memory_space<vmem>> -> memref<1x128xi32, #tpu.memory_space<vmem>>
        %dma_wait3A_100 = tpu.memref_squeeze %dma_wait3A_99 : memref<1x128xi32, #tpu.memory_space<vmem>> -> memref<128xi32, #tpu.memory_space<vmem>>
        %dma_wait3A_101 = arith.constant 0 : i32
        %dma_wait3A_102 = arith.constant 0 : i32
        %dma_wait3A_103 = tpu.memref_slice %arg6[%dma_wait3A_101, %dma_wait3A_102] : memref<10240x64xf32, #tpu.memory_space<hbm>> -> memref<10240x64xf32, #tpu.memory_space<hbm>>
        tpu.wait_indirect_dma semaphore(%arg18 : memref<!tpu.dma_semaphore, #tpu.memory_space<semaphore_mem>>) src(%dma_wait3A_103 : memref<10240x64xf32, #tpu.memory_space<hbm>>) dst(%arg15 : memref<128x64xf32, #tpu.memory_space<vmem>>)
        %add3A_104 = arith.constant 1 : i32
        %add3A_105 = arith.addi %add3A_76, %add3A_104 : i32
        "tpu.region"() ({
          %run_scoped3A = tpu.sem_alloc : memref<!tpu.dma_semaphore, #tpu.memory_space<semaphore_mem>>
          %dma_start3A_106 = arith.constant 0 : i32
          %dma_start3A_107 = tpu.memref_slice %arg13[%add3A_105, %dma_start3A_106] : memref<160x128xi32, #tpu.memory_space<vmem>> -> memref<1x128xi32, #tpu.memory_space<vmem>>
          %dma_start3A_108 = tpu.memref_squeeze %dma_start3A_107 : memref<1x128xi32, #tpu.memory_space<vmem>> -> memref<128xi32, #tpu.memory_space<vmem>>
          %dma_start3A_109 = arith.constant 0 : i32
          %dma_start3A_110 = arith.constant 0 : i32
          %dma_start3A_111 = tpu.memref_slice %arg16[%dma_start3A_109, %dma_start3A_110] : memref<10240x64xf32, #tpu.memory_space<vmem_shared>> -> memref<10240x64xf32, #tpu.memory_space<vmem_shared>>
          tpu.enqueue_indirect_dma source(%arg15 : memref<128x64xf32, #tpu.memory_space<vmem>>) target(%dma_start3A_111 : memref<10240x64xf32, #tpu.memory_space<vmem_shared>>) offsets(%dma_start3A_108 : memref<128xi32, #tpu.memory_space<vmem>>) semaphore(%run_scoped3A : memref<!tpu.dma_semaphore, #tpu.memory_space<semaphore_mem>>) {add = true}
          %dma_wait3A_112 = arith.constant 0 : i32
          %dma_wait3A_113 = tpu.memref_slice %arg13[%add3A_105, %dma_wait3A_112] : memref<160x128xi32, #tpu.memory_space<vmem>> -> memref<1x128xi32, #tpu.memory_space<vmem>>
          %dma_wait3A_114 = tpu.memref_squeeze %dma_wait3A_113 : memref<1x128xi32, #tpu.memory_space<vmem>> -> memref<128xi32, #tpu.memory_space<vmem>>
          %dma_wait3A_115 = arith.constant 0 : i32
          %dma_wait3A_116 = arith.constant 0 : i32
          %dma_wait3A_117 = tpu.memref_slice %arg16[%dma_wait3A_115, %dma_wait3A_116] : memref<10240x64xf32, #tpu.memory_space<vmem_shared>> -> memref<10240x64xf32, #tpu.memory_space<vmem_shared>>
          tpu.wait_indirect_dma semaphore(%run_scoped3A : memref<!tpu.dma_semaphore, #tpu.memory_space<semaphore_mem>>) src(%arg15 : memref<128x64xf32, #tpu.memory_space<vmem>>) dst(%dma_wait3A_117 : memref<10240x64xf32, #tpu.memory_space<vmem_shared>>)
          tpu.yield
        }) : () -> ()
      }
      %scan3A_72 = arith.constant 80 : i32
    } else {
    }
    %barrier3A_17 = arith.constant 0 : index
    tpu.barrier barrier_id(%barrier3A_17)
    %eq3A_18 = arith.constant 0 : i32
    %eq3A_19 = arith.cmpi eq, %arg0, %eq3A_18 : i32
    %convert_element_type3A_20 = arith.extui %eq3A_19 : i1 to i32
    %cond3A_21 = arith.constant 0 : i32
    %cond3A_22 = arith.cmpi ne, %convert_element_type3A_20, %cond3A_21 : i32
    scf.if %cond3A_22 {
      %mul3A_62 = arith.constant 624 : i32
      %mul3A_63 = arith.muli %arg1, %mul3A_62 : i32
      %scan3A_64 = arith.constant 0 : i32
      %scan3A_65 = arith.constant 4 : i32
      %scan3A_66 = arith.addi %scan3A_64, %scan3A_65 : i32
      %scan3A_67 = arith.constant 1 : i32
      scf.for %scan3A_75 = %scan3A_64 to %scan3A_66 step %scan3A_67  : i32 {
        %mul3A_76 = arith.constant 1 : i32
        %mul3A_77 = arith.muli %scan3A_75, %mul3A_76 : i32
        %add3A_78 = arith.constant 0 : i32
        %add3A_79 = arith.addi %add3A_78, %mul3A_77 : i32
        %mul3A_80 = arith.constant 128 : i32
        %mul3A_81 = arith.muli %add3A_79, %mul3A_80 : i32
        %add3A_82 = arith.addi %mul3A_63, %mul3A_81 : i32
        "tpu.region"() ({
          %run_scoped3A = tpu.sem_alloc : memref<!tpu.dma_semaphore, #tpu.memory_space<semaphore_mem>>
          %dma_start3A = arith.constant 0 : i32
          %dma_start3A_83 = arith.constant 0 : i32
          %dma_start3A_84 = tpu.memref_slice %arg14[%dma_start3A, %dma_start3A_83] : memref<128x64xf32, #tpu.memory_space<vmem>> -> memref<128x64xf32, #tpu.memory_space<vmem>>
          %dma_start3A_85 = arith.constant 0 : i32
          %dma_start3A_86 = tpu.memref_slice %arg16[%add3A_82, %dma_start3A_85] : memref<10240x64xf32, #tpu.memory_space<vmem_shared>> -> memref<128x64xf32, #tpu.memory_space<vmem_shared>>
          %dma_start3A_87 = arith.constant 0 : i32
          %dma_start3A_88 = arith.constant 0 : i32
          %dma_start3A_89 = tpu.memref_slice %arg14[%dma_start3A_87, %dma_start3A_88] : memref<128x64xf32, #tpu.memory_space<vmem>> -> memref<128x64xf32, #tpu.memory_space<vmem>>
          %dma_start3A_90 = arith.constant 0 : i32
          %dma_start3A_91 = tpu.memref_slice %arg16[%add3A_82, %dma_start3A_90] : memref<10240x64xf32, #tpu.memory_space<vmem_shared>> -> memref<128x64xf32, #tpu.memory_space<vmem_shared>>
          tpu.enqueue_dma source(%dma_start3A_91 : memref<128x64xf32, #tpu.memory_space<vmem_shared>>) target(%dma_start3A_89 : memref<128x64xf32, #tpu.memory_space<vmem>>) target_semaphore(%run_scoped3A : memref<!tpu.dma_semaphore, #tpu.memory_space<semaphore_mem>>)
          %dma_wait3A = arith.constant 0 : i32
          %dma_wait3A_92 = arith.constant 0 : i32
          %dma_wait3A_93 = tpu.memref_slice %arg14[%dma_wait3A, %dma_wait3A_92] : memref<128x64xf32, #tpu.memory_space<vmem>> -> memref<128x64xf32, #tpu.memory_space<vmem>>
          %dma_wait3A_94 = arith.constant 0 : i32
          %dma_wait3A_95 = tpu.memref_slice %arg16[%add3A_82, %dma_wait3A_94] : memref<10240x64xf32, #tpu.memory_space<vmem_shared>> -> memref<128x64xf32, #tpu.memory_space<vmem_shared>>
          %dma_wait3A_96 = arith.constant 0 : i32
          %dma_wait3A_97 = arith.constant 0 : i32
          %dma_wait3A_98 = tpu.memref_slice %arg14[%dma_wait3A_96, %dma_wait3A_97] : memref<128x64xf32, #tpu.memory_space<vmem>> -> memref<128x64xf32, #tpu.memory_space<vmem>>
          %dma_wait3A_99 = arith.constant 0 : i32
          %dma_wait3A_100 = tpu.memref_slice %arg16[%add3A_82, %dma_wait3A_99] : memref<10240x64xf32, #tpu.memory_space<vmem_shared>> -> memref<128x64xf32, #tpu.memory_space<vmem_shared>>
          tpu.wait_dma2 semaphore(%run_scoped3A : memref<!tpu.dma_semaphore, #tpu.memory_space<semaphore_mem>>) src(%dma_wait3A_100 : memref<128x64xf32, #tpu.memory_space<vmem_shared>>) dst(%dma_wait3A_98 : memref<128x64xf32, #tpu.memory_space<vmem>>)
          tpu.yield
        }) : () -> ()
        "tpu.region"() ({
          %run_scoped3A = tpu.sem_alloc : memref<!tpu.dma_semaphore, #tpu.memory_space<semaphore_mem>>
          %dma_start3A = arith.constant 0 : i32
          %dma_start3A_83 = arith.constant 0 : i32
          %dma_start3A_84 = tpu.memref_slice %arg14[%dma_start3A, %dma_start3A_83] : memref<128x64xf32, #tpu.memory_space<vmem>> -> memref<128x64xf32, #tpu.memory_space<vmem>>
          %dma_start3A_85 = arith.constant 0 : i32
          %dma_start3A_86 = tpu.memref_slice %arg8[%add3A_82, %dma_start3A_85] : memref<10000x64xf32, #tpu.memory_space<hbm>> -> memref<128x64xf32, #tpu.memory_space<hbm>>
          %dma_start3A_87 = arith.constant 0 : i32
          %dma_start3A_88 = tpu.memref_slice %arg8[%add3A_82, %dma_start3A_87] : memref<10000x64xf32, #tpu.memory_space<hbm>> -> memref<128x64xf32, #tpu.memory_space<hbm>>
          %dma_start3A_89 = arith.constant 0 : i32
          %dma_start3A_90 = arith.constant 0 : i32
          %dma_start3A_91 = tpu.memref_slice %arg14[%dma_start3A_89, %dma_start3A_90] : memref<128x64xf32, #tpu.memory_space<vmem>> -> memref<128x64xf32, #tpu.memory_space<vmem>>
          tpu.enqueue_dma source(%dma_start3A_91 : memref<128x64xf32, #tpu.memory_space<vmem>>) target(%dma_start3A_88 : memref<128x64xf32, #tpu.memory_space<hbm>>) target_semaphore(%run_scoped3A : memref<!tpu.dma_semaphore, #tpu.memory_space<semaphore_mem>>)
          %dma_wait3A = arith.constant 0 : i32
          %dma_wait3A_92 = arith.constant 0 : i32
          %dma_wait3A_93 = tpu.memref_slice %arg14[%dma_wait3A, %dma_wait3A_92] : memref<128x64xf32, #tpu.memory_space<vmem>> -> memref<128x64xf32, #tpu.memory_space<vmem>>
          %dma_wait3A_94 = arith.constant 0 : i32
          %dma_wait3A_95 = tpu.memref_slice %arg8[%add3A_82, %dma_wait3A_94] : memref<10000x64xf32, #tpu.memory_space<hbm>> -> memref<128x64xf32, #tpu.memory_space<hbm>>
          %dma_wait3A_96 = arith.constant 0 : i32
          %dma_wait3A_97 = tpu.memref_slice %arg8[%add3A_82, %dma_wait3A_96] : memref<10000x64xf32, #tpu.memory_space<hbm>> -> memref<128x64xf32, #tpu.memory_space<hbm>>
          %dma_wait3A_98 = arith.constant 0 : i32
          %dma_wait3A_99 = arith.constant 0 : i32
          %dma_wait3A_100 = tpu.memref_slice %arg14[%dma_wait3A_98, %dma_wait3A_99] : memref<128x64xf32, #tpu.memory_space<vmem>> -> memref<128x64xf32, #tpu.memory_space<vmem>>
          tpu.wait_dma2 semaphore(%run_scoped3A : memref<!tpu.dma_semaphore, #tpu.memory_space<semaphore_mem>>) src(%dma_wait3A_100 : memref<128x64xf32, #tpu.memory_space<vmem>>) dst(%dma_wait3A_97 : memref<128x64xf32, #tpu.memory_space<hbm>>)
          tpu.yield
        }) : () -> ()
      }
      %scan3A_68 = arith.constant 4 : i32
      %add3A = arith.constant 512 : i32
      %add3A_69 = arith.addi %mul3A_63, %add3A : i32
      "tpu.region"() ({
        %run_scoped3A = tpu.sem_alloc : memref<!tpu.dma_semaphore, #tpu.memory_space<semaphore_mem>>
        %dma_start3A = arith.constant 0 : i32
        %dma_start3A_75 = arith.constant 0 : i32
        %dma_start3A_76 = tpu.memref_slice %arg14[%dma_start3A, %dma_start3A_75] : memref<128x64xf32, #tpu.memory_space<vmem>> -> memref<112x64xf32, #tpu.memory_space<vmem>>
        %dma_start3A_77 = arith.constant 0 : i32
        %dma_start3A_78 = tpu.memref_slice %arg16[%add3A_69, %dma_start3A_77] : memref<10240x64xf32, #tpu.memory_space<vmem_shared>> -> memref<112x64xf32, #tpu.memory_space<vmem_shared>>
        %dma_start3A_79 = arith.constant 0 : i32
        %dma_start3A_80 = arith.constant 0 : i32
        %dma_start3A_81 = tpu.memref_slice %arg14[%dma_start3A_79, %dma_start3A_80] : memref<128x64xf32, #tpu.memory_space<vmem>> -> memref<112x64xf32, #tpu.memory_space<vmem>>
        %dma_start3A_82 = arith.constant 0 : i32
        %dma_start3A_83 = tpu.memref_slice %arg16[%add3A_69, %dma_start3A_82] : memref<10240x64xf32, #tpu.memory_space<vmem_shared>> -> memref<112x64xf32, #tpu.memory_space<vmem_shared>>
        tpu.enqueue_dma source(%dma_start3A_83 : memref<112x64xf32, #tpu.memory_space<vmem_shared>>) target(%dma_start3A_81 : memref<112x64xf32, #tpu.memory_space<vmem>>) target_semaphore(%run_scoped3A : memref<!tpu.dma_semaphore, #tpu.memory_space<semaphore_mem>>)
        %dma_wait3A = arith.constant 0 : i32
        %dma_wait3A_84 = arith.constant 0 : i32
        %dma_wait3A_85 = tpu.memref_slice %arg14[%dma_wait3A, %dma_wait3A_84] : memref<128x64xf32, #tpu.memory_space<vmem>> -> memref<112x64xf32, #tpu.memory_space<vmem>>
        %dma_wait3A_86 = arith.constant 0 : i32
        %dma_wait3A_87 = tpu.memref_slice %arg16[%add3A_69, %dma_wait3A_86] : memref<10240x64xf32, #tpu.memory_space<vmem_shared>> -> memref<112x64xf32, #tpu.memory_space<vmem_shared>>
        %dma_wait3A_88 = arith.constant 0 : i32
        %dma_wait3A_89 = arith.constant 0 : i32
        %dma_wait3A_90 = tpu.memref_slice %arg14[%dma_wait3A_88, %dma_wait3A_89] : memref<128x64xf32, #tpu.memory_space<vmem>> -> memref<112x64xf32, #tpu.memory_space<vmem>>
        %dma_wait3A_91 = arith.constant 0 : i32
        %dma_wait3A_92 = tpu.memref_slice %arg16[%add3A_69, %dma_wait3A_91] : memref<10240x64xf32, #tpu.memory_space<vmem_shared>> -> memref<112x64xf32, #tpu.memory_space<vmem_shared>>
        tpu.wait_dma2 semaphore(%run_scoped3A : memref<!tpu.dma_semaphore, #tpu.memory_space<semaphore_mem>>) src(%dma_wait3A_92 : memref<112x64xf32, #tpu.memory_space<vmem_shared>>) dst(%dma_wait3A_90 : memref<112x64xf32, #tpu.memory_space<vmem>>)
        tpu.yield
      }) : () -> ()
      "tpu.region"() ({
        %run_scoped3A = tpu.sem_alloc : memref<!tpu.dma_semaphore, #tpu.memory_space<semaphore_mem>>
        %dma_start3A = arith.constant 0 : i32
        %dma_start3A_75 = arith.constant 0 : i32
        %dma_start3A_76 = tpu.memref_slice %arg14[%dma_start3A, %dma_start3A_75] : memref<128x64xf32, #tpu.memory_space<vmem>> -> memref<112x64xf32, #tpu.memory_space<vmem>>
        %dma_start3A_77 = arith.constant 0 : i32
        %dma_start3A_78 = tpu.memref_slice %arg8[%add3A_69, %dma_start3A_77] : memref<10000x64xf32, #tpu.memory_space<hbm>> -> memref<112x64xf32, #tpu.memory_space<hbm>>
        %dma_start3A_79 = arith.constant 0 : i32
        %dma_start3A_80 = tpu.memref_slice %arg8[%add3A_69, %dma_start3A_79] : memref<10000x64xf32, #tpu.memory_space<hbm>> -> memref<112x64xf32, #tpu.memory_space<hbm>>
        %dma_start3A_81 = arith.constant 0 : i32
        %dma_start3A_82 = arith.constant 0 : i32
        %dma_start3A_83 = tpu.memref_slice %arg14[%dma_start3A_81, %dma_start3A_82] : memref<128x64xf32, #tpu.memory_space<vmem>> -> memref<112x64xf32, #tpu.memory_space<vmem>>
        tpu.enqueue_dma source(%dma_start3A_83 : memref<112x64xf32, #tpu.memory_space<vmem>>) target(%dma_start3A_80 : memref<112x64xf32, #tpu.memory_space<hbm>>) target_semaphore(%run_scoped3A : memref<!tpu.dma_semaphore, #tpu.memory_space<semaphore_mem>>)
        %dma_wait3A = arith.constant 0 : i32
        %dma_wait3A_84 = arith.constant 0 : i32
        %dma_wait3A_85 = tpu.memref_slice %arg14[%dma_wait3A, %dma_wait3A_84] : memref<128x64xf32, #tpu.memory_space<vmem>> -> memref<112x64xf32, #tpu.memory_space<vmem>>
        %dma_wait3A_86 = arith.constant 0 : i32
        %dma_wait3A_87 = tpu.memref_slice %arg8[%add3A_69, %dma_wait3A_86] : memref<10000x64xf32, #tpu.memory_space<hbm>> -> memref<112x64xf32, #tpu.memory_space<hbm>>
        %dma_wait3A_88 = arith.constant 0 : i32
        %dma_wait3A_89 = tpu.memref_slice %arg8[%add3A_69, %dma_wait3A_88] : memref<10000x64xf32, #tpu.memory_space<hbm>> -> memref<112x64xf32, #tpu.memory_space<hbm>>
        %dma_wait3A_90 = arith.constant 0 : i32
        %dma_wait3A_91 = arith.constant 0 : i32
        %dma_wait3A_92 = tpu.memref_slice %arg14[%dma_wait3A_90, %dma_wait3A_91] : memref<128x64xf32, #tpu.memory_space<vmem>> -> memref<112x64xf32, #tpu.memory_space<vmem>>
        tpu.wait_dma2 semaphore(%run_scoped3A : memref<!tpu.dma_semaphore, #tpu.memory_space<semaphore_mem>>) src(%dma_wait3A_92 : memref<112x64xf32, #tpu.memory_space<vmem>>) dst(%dma_wait3A_89 : memref<112x64xf32, #tpu.memory_space<hbm>>)
        tpu.yield
      }) : () -> ()
      %eq3A_70 = arith.constant 15 : i32
      %eq3A_71 = arith.cmpi eq, %arg1, %eq3A_70 : i32
      %convert_element_type3A_72 = arith.extui %eq3A_71 : i1 to i32
      %cond3A_73 = arith.constant 0 : i32
      %cond3A_74 = arith.cmpi ne, %convert_element_type3A_72, %cond3A_73 : i32
      scf.if %cond3A_74 {
        "tpu.region"() ({
          %run_scoped3A = tpu.sem_alloc : memref<!tpu.dma_semaphore, #tpu.memory_space<semaphore_mem>>
          %dma_start3A = arith.constant 0 : i32
          %dma_start3A_75 = arith.constant 0 : i32
          %dma_start3A_76 = tpu.memref_slice %arg14[%dma_start3A, %dma_start3A_75] : memref<128x64xf32, #tpu.memory_space<vmem>> -> memref<16x64xf32, #tpu.memory_space<vmem>>
          %dma_start3A_77 = arith.constant 9984 : i32
          %dma_start3A_78 = arith.constant 0 : i32
          %dma_start3A_79 = tpu.memref_slice %arg16[%dma_start3A_77, %dma_start3A_78] : memref<10240x64xf32, #tpu.memory_space<vmem_shared>> -> memref<16x64xf32, #tpu.memory_space<vmem_shared>>
          %dma_start3A_80 = arith.constant 0 : i32
          %dma_start3A_81 = arith.constant 0 : i32
          %dma_start3A_82 = tpu.memref_slice %arg14[%dma_start3A_80, %dma_start3A_81] : memref<128x64xf32, #tpu.memory_space<vmem>> -> memref<16x64xf32, #tpu.memory_space<vmem>>
          %dma_start3A_83 = arith.constant 9984 : i32
          %dma_start3A_84 = arith.constant 0 : i32
          %dma_start3A_85 = tpu.memref_slice %arg16[%dma_start3A_83, %dma_start3A_84] : memref<10240x64xf32, #tpu.memory_space<vmem_shared>> -> memref<16x64xf32, #tpu.memory_space<vmem_shared>>
          tpu.enqueue_dma source(%dma_start3A_85 : memref<16x64xf32, #tpu.memory_space<vmem_shared>>) target(%dma_start3A_82 : memref<16x64xf32, #tpu.memory_space<vmem>>) target_semaphore(%run_scoped3A : memref<!tpu.dma_semaphore, #tpu.memory_space<semaphore_mem>>)
          %dma_wait3A = arith.constant 0 : i32
          %dma_wait3A_86 = arith.constant 0 : i32
          %dma_wait3A_87 = tpu.memref_slice %arg14[%dma_wait3A, %dma_wait3A_86] : memref<128x64xf32, #tpu.memory_space<vmem>> -> memref<16x64xf32, #tpu.memory_space<vmem>>
          %dma_wait3A_88 = arith.constant 9984 : i32
          %dma_wait3A_89 = arith.constant 0 : i32
          %dma_wait3A_90 = tpu.memref_slice %arg16[%dma_wait3A_88, %dma_wait3A_89] : memref<10240x64xf32, #tpu.memory_space<vmem_shared>> -> memref<16x64xf32, #tpu.memory_space<vmem_shared>>
          %dma_wait3A_91 = arith.constant 0 : i32
          %dma_wait3A_92 = arith.constant 0 : i32
          %dma_wait3A_93 = tpu.memref_slice %arg14[%dma_wait3A_91, %dma_wait3A_92] : memref<128x64xf32, #tpu.memory_space<vmem>> -> memref<16x64xf32, #tpu.memory_space<vmem>>
          %dma_wait3A_94 = arith.constant 9984 : i32
          %dma_wait3A_95 = arith.constant 0 : i32
          %dma_wait3A_96 = tpu.memref_slice %arg16[%dma_wait3A_94, %dma_wait3A_95] : memref<10240x64xf32, #tpu.memory_space<vmem_shared>> -> memref<16x64xf32, #tpu.memory_space<vmem_shared>>
          tpu.wait_dma2 semaphore(%run_scoped3A : memref<!tpu.dma_semaphore, #tpu.memory_space<semaphore_mem>>) src(%dma_wait3A_96 : memref<16x64xf32, #tpu.memory_space<vmem_shared>>) dst(%dma_wait3A_93 : memref<16x64xf32, #tpu.memory_space<vmem>>)
          tpu.yield
        }) : () -> ()
        "tpu.region"() ({
          %run_scoped3A = tpu.sem_alloc : memref<!tpu.dma_semaphore, #tpu.memory_space<semaphore_mem>>
          %dma_start3A = arith.constant 0 : i32
          %dma_start3A_75 = arith.constant 0 : i32
          %dma_start3A_76 = tpu.memref_slice %arg14[%dma_start3A, %dma_start3A_75] : memref<128x64xf32, #tpu.memory_space<vmem>> -> memref<16x64xf32, #tpu.memory_space<vmem>>
          %dma_start3A_77 = arith.constant 9984 : i32
          %dma_start3A_78 = arith.constant 0 : i32
          %dma_start3A_79 = tpu.memref_slice %arg8[%dma_start3A_77, %dma_start3A_78] : memref<10000x64xf32, #tpu.memory_space<hbm>> -> memref<16x64xf32, #tpu.memory_space<hbm>>
          %dma_start3A_80 = arith.constant 9984 : i32
          %dma_start3A_81 = arith.constant 0 : i32
          %dma_start3A_82 = tpu.memref_slice %arg8[%dma_start3A_80, %dma_start3A_81] : memref<10000x64xf32, #tpu.memory_space<hbm>> -> memref<16x64xf32, #tpu.memory_space<hbm>>
          %dma_start3A_83 = arith.constant 0 : i32
          %dma_start3A_84 = arith.constant 0 : i32
          %dma_start3A_85 = tpu.memref_slice %arg14[%dma_start3A_83, %dma_start3A_84] : memref<128x64xf32, #tpu.memory_space<vmem>> -> memref<16x64xf32, #tpu.memory_space<vmem>>
          tpu.enqueue_dma source(%dma_start3A_85 : memref<16x64xf32, #tpu.memory_space<vmem>>) target(%dma_start3A_82 : memref<16x64xf32, #tpu.memory_space<hbm>>) target_semaphore(%run_scoped3A : memref<!tpu.dma_semaphore, #tpu.memory_space<semaphore_mem>>)
          %dma_wait3A = arith.constant 0 : i32
          %dma_wait3A_86 = arith.constant 0 : i32
          %dma_wait3A_87 = tpu.memref_slice %arg14[%dma_wait3A, %dma_wait3A_86] : memref<128x64xf32, #tpu.memory_space<vmem>> -> memref<16x64xf32, #tpu.memory_space<vmem>>
          %dma_wait3A_88 = arith.constant 9984 : i32
          %dma_wait3A_89 = arith.constant 0 : i32
          %dma_wait3A_90 = tpu.memref_slice %arg8[%dma_wait3A_88, %dma_wait3A_89] : memref<10000x64xf32, #tpu.memory_space<hbm>> -> memref<16x64xf32, #tpu.memory_space<hbm>>
          %dma_wait3A_91 = arith.constant 9984 : i32
          %dma_wait3A_92 = arith.constant 0 : i32
          %dma_wait3A_93 = tpu.memref_slice %arg8[%dma_wait3A_91, %dma_wait3A_92] : memref<10000x64xf32, #tpu.memory_space<hbm>> -> memref<16x64xf32, #tpu.memory_space<hbm>>
          %dma_wait3A_94 = arith.constant 0 : i32
          %dma_wait3A_95 = arith.constant 0 : i32
          %dma_wait3A_96 = tpu.memref_slice %arg14[%dma_wait3A_94, %dma_wait3A_95] : memref<128x64xf32, #tpu.memory_space<vmem>> -> memref<16x64xf32, #tpu.memory_space<vmem>>
          tpu.wait_dma2 semaphore(%run_scoped3A : memref<!tpu.dma_semaphore, #tpu.memory_space<semaphore_mem>>) src(%dma_wait3A_96 : memref<16x64xf32, #tpu.memory_space<vmem>>) dst(%dma_wait3A_93 : memref<16x64xf32, #tpu.memory_space<hbm>>)
          tpu.yield
        }) : () -> ()
      } else {
      }
    } else {
    }
    %eq3A_23 = arith.constant 1 : i32
    %eq3A_24 = arith.cmpi eq, %arg0, %eq3A_23 : i32
    %convert_element_type3A_25 = arith.extui %eq3A_24 : i1 to i32
    %cond3A_26 = arith.constant 0 : i32
    %cond3A_27 = arith.cmpi ne, %convert_element_type3A_25, %cond3A_26 : i32
    scf.if %cond3A_27 {
      %mul3A_62 = arith.constant 624 : i32
      %mul3A_63 = arith.muli %arg1, %mul3A_62 : i32
      %scan3A_64 = arith.constant 0 : i32
      %scan3A_65 = arith.constant 4 : i32
      %scan3A_66 = arith.addi %scan3A_64, %scan3A_65 : i32
      %scan3A_67 = arith.constant 1 : i32
      scf.for %scan3A_75 = %scan3A_64 to %scan3A_66 step %scan3A_67  : i32 {
        %mul3A_76 = arith.constant 1 : i32
        %mul3A_77 = arith.muli %scan3A_75, %mul3A_76 : i32
        %add3A_78 = arith.constant 0 : i32
        %add3A_79 = arith.addi %add3A_78, %mul3A_77 : i32
        %mul3A_80 = arith.constant 128 : i32
        %mul3A_81 = arith.muli %add3A_79, %mul3A_80 : i32
        %add3A_82 = arith.addi %mul3A_63, %mul3A_81 : i32
        "tpu.region"() ({
          %run_scoped3A = tpu.sem_alloc : memref<!tpu.dma_semaphore, #tpu.memory_space<semaphore_mem>>
          %dma_start3A = arith.constant 0 : i32
          %dma_start3A_83 = arith.constant 0 : i32
          %dma_start3A_84 = tpu.memref_slice %arg14[%dma_start3A, %dma_start3A_83] : memref<128x64xf32, #tpu.memory_space<vmem>> -> memref<128x64xf32, #tpu.memory_space<vmem>>
          %dma_start3A_85 = arith.constant 0 : i32
          %dma_start3A_86 = tpu.memref_slice %arg16[%add3A_82, %dma_start3A_85] : memref<10240x64xf32, #tpu.memory_space<vmem_shared>> -> memref<128x64xf32, #tpu.memory_space<vmem_shared>>
          %dma_start3A_87 = arith.constant 0 : i32
          %dma_start3A_88 = arith.constant 0 : i32
          %dma_start3A_89 = tpu.memref_slice %arg14[%dma_start3A_87, %dma_start3A_88] : memref<128x64xf32, #tpu.memory_space<vmem>> -> memref<128x64xf32, #tpu.memory_space<vmem>>
          %dma_start3A_90 = arith.constant 0 : i32
          %dma_start3A_91 = tpu.memref_slice %arg16[%add3A_82, %dma_start3A_90] : memref<10240x64xf32, #tpu.memory_space<vmem_shared>> -> memref<128x64xf32, #tpu.memory_space<vmem_shared>>
          tpu.enqueue_dma source(%dma_start3A_91 : memref<128x64xf32, #tpu.memory_space<vmem_shared>>) target(%dma_start3A_89 : memref<128x64xf32, #tpu.memory_space<vmem>>) target_semaphore(%run_scoped3A : memref<!tpu.dma_semaphore, #tpu.memory_space<semaphore_mem>>)
          %dma_wait3A = arith.constant 0 : i32
          %dma_wait3A_92 = arith.constant 0 : i32
          %dma_wait3A_93 = tpu.memref_slice %arg14[%dma_wait3A, %dma_wait3A_92] : memref<128x64xf32, #tpu.memory_space<vmem>> -> memref<128x64xf32, #tpu.memory_space<vmem>>
          %dma_wait3A_94 = arith.constant 0 : i32
          %dma_wait3A_95 = tpu.memref_slice %arg16[%add3A_82, %dma_wait3A_94] : memref<10240x64xf32, #tpu.memory_space<vmem_shared>> -> memref<128x64xf32, #tpu.memory_space<vmem_shared>>
          %dma_wait3A_96 = arith.constant 0 : i32
          %dma_wait3A_97 = arith.constant 0 : i32
          %dma_wait3A_98 = tpu.memref_slice %arg14[%dma_wait3A_96, %dma_wait3A_97] : memref<128x64xf32, #tpu.memory_space<vmem>> -> memref<128x64xf32, #tpu.memory_space<vmem>>
          %dma_wait3A_99 = arith.constant 0 : i32
          %dma_wait3A_100 = tpu.memref_slice %arg16[%add3A_82, %dma_wait3A_99] : memref<10240x64xf32, #tpu.memory_space<vmem_shared>> -> memref<128x64xf32, #tpu.memory_space<vmem_shared>>
          tpu.wait_dma2 semaphore(%run_scoped3A : memref<!tpu.dma_semaphore, #tpu.memory_space<semaphore_mem>>) src(%dma_wait3A_100 : memref<128x64xf32, #tpu.memory_space<vmem_shared>>) dst(%dma_wait3A_98 : memref<128x64xf32, #tpu.memory_space<vmem>>)
          tpu.yield
        }) : () -> ()
        "tpu.region"() ({
          %run_scoped3A = tpu.sem_alloc : memref<!tpu.dma_semaphore, #tpu.memory_space<semaphore_mem>>
          %dma_start3A = arith.constant 0 : i32
          %dma_start3A_83 = arith.constant 0 : i32
          %dma_start3A_84 = tpu.memref_slice %arg14[%dma_start3A, %dma_start3A_83] : memref<128x64xf32, #tpu.memory_space<vmem>> -> memref<128x64xf32, #tpu.memory_space<vmem>>
          %dma_start3A_85 = arith.constant 0 : i32
          %dma_start3A_86 = tpu.memref_slice %arg9[%add3A_82, %dma_start3A_85] : memref<10000x64xf32, #tpu.memory_space<hbm>> -> memref<128x64xf32, #tpu.memory_space<hbm>>
          %dma_start3A_87 = arith.constant 0 : i32
          %dma_start3A_88 = tpu.memref_slice %arg9[%add3A_82, %dma_start3A_87] : memref<10000x64xf32, #tpu.memory_space<hbm>> -> memref<128x64xf32, #tpu.memory_space<hbm>>
          %dma_start3A_89 = arith.constant 0 : i32
          %dma_start3A_90 = arith.constant 0 : i32
          %dma_start3A_91 = tpu.memref_slice %arg14[%dma_start3A_89, %dma_start3A_90] : memref<128x64xf32, #tpu.memory_space<vmem>> -> memref<128x64xf32, #tpu.memory_space<vmem>>
          tpu.enqueue_dma source(%dma_start3A_91 : memref<128x64xf32, #tpu.memory_space<vmem>>) target(%dma_start3A_88 : memref<128x64xf32, #tpu.memory_space<hbm>>) target_semaphore(%run_scoped3A : memref<!tpu.dma_semaphore, #tpu.memory_space<semaphore_mem>>)
          %dma_wait3A = arith.constant 0 : i32
          %dma_wait3A_92 = arith.constant 0 : i32
          %dma_wait3A_93 = tpu.memref_slice %arg14[%dma_wait3A, %dma_wait3A_92] : memref<128x64xf32, #tpu.memory_space<vmem>> -> memref<128x64xf32, #tpu.memory_space<vmem>>
          %dma_wait3A_94 = arith.constant 0 : i32
          %dma_wait3A_95 = tpu.memref_slice %arg9[%add3A_82, %dma_wait3A_94] : memref<10000x64xf32, #tpu.memory_space<hbm>> -> memref<128x64xf32, #tpu.memory_space<hbm>>
          %dma_wait3A_96 = arith.constant 0 : i32
          %dma_wait3A_97 = tpu.memref_slice %arg9[%add3A_82, %dma_wait3A_96] : memref<10000x64xf32, #tpu.memory_space<hbm>> -> memref<128x64xf32, #tpu.memory_space<hbm>>
          %dma_wait3A_98 = arith.constant 0 : i32
          %dma_wait3A_99 = arith.constant 0 : i32
          %dma_wait3A_100 = tpu.memref_slice %arg14[%dma_wait3A_98, %dma_wait3A_99] : memref<128x64xf32, #tpu.memory_space<vmem>> -> memref<128x64xf32, #tpu.memory_space<vmem>>
          tpu.wait_dma2 semaphore(%run_scoped3A : memref<!tpu.dma_semaphore, #tpu.memory_space<semaphore_mem>>) src(%dma_wait3A_100 : memref<128x64xf32, #tpu.memory_space<vmem>>) dst(%dma_wait3A_97 : memref<128x64xf32, #tpu.memory_space<hbm>>)
          tpu.yield
        }) : () -> ()
      }
      %scan3A_68 = arith.constant 4 : i32
      %add3A = arith.constant 512 : i32
      %add3A_69 = arith.addi %mul3A_63, %add3A : i32
      "tpu.region"() ({
        %run_scoped3A = tpu.sem_alloc : memref<!tpu.dma_semaphore, #tpu.memory_space<semaphore_mem>>
        %dma_start3A = arith.constant 0 : i32
        %dma_start3A_75 = arith.constant 0 : i32
        %dma_start3A_76 = tpu.memref_slice %arg14[%dma_start3A, %dma_start3A_75] : memref<128x64xf32, #tpu.memory_space<vmem>> -> memref<112x64xf32, #tpu.memory_space<vmem>>
        %dma_start3A_77 = arith.constant 0 : i32
        %dma_start3A_78 = tpu.memref_slice %arg16[%add3A_69, %dma_start3A_77] : memref<10240x64xf32, #tpu.memory_space<vmem_shared>> -> memref<112x64xf32, #tpu.memory_space<vmem_shared>>
        %dma_start3A_79 = arith.constant 0 : i32
        %dma_start3A_80 = arith.constant 0 : i32
        %dma_start3A_81 = tpu.memref_slice %arg14[%dma_start3A_79, %dma_start3A_80] : memref<128x64xf32, #tpu.memory_space<vmem>> -> memref<112x64xf32, #tpu.memory_space<vmem>>
        %dma_start3A_82 = arith.constant 0 : i32
        %dma_start3A_83 = tpu.memref_slice %arg16[%add3A_69, %dma_start3A_82] : memref<10240x64xf32, #tpu.memory_space<vmem_shared>> -> memref<112x64xf32, #tpu.memory_space<vmem_shared>>
        tpu.enqueue_dma source(%dma_start3A_83 : memref<112x64xf32, #tpu.memory_space<vmem_shared>>) target(%dma_start3A_81 : memref<112x64xf32, #tpu.memory_space<vmem>>) target_semaphore(%run_scoped3A : memref<!tpu.dma_semaphore, #tpu.memory_space<semaphore_mem>>)
        %dma_wait3A = arith.constant 0 : i32
        %dma_wait3A_84 = arith.constant 0 : i32
        %dma_wait3A_85 = tpu.memref_slice %arg14[%dma_wait3A, %dma_wait3A_84] : memref<128x64xf32, #tpu.memory_space<vmem>> -> memref<112x64xf32, #tpu.memory_space<vmem>>
        %dma_wait3A_86 = arith.constant 0 : i32
        %dma_wait3A_87 = tpu.memref_slice %arg16[%add3A_69, %dma_wait3A_86] : memref<10240x64xf32, #tpu.memory_space<vmem_shared>> -> memref<112x64xf32, #tpu.memory_space<vmem_shared>>
        %dma_wait3A_88 = arith.constant 0 : i32
        %dma_wait3A_89 = arith.constant 0 : i32
        %dma_wait3A_90 = tpu.memref_slice %arg14[%dma_wait3A_88, %dma_wait3A_89] : memref<128x64xf32, #tpu.memory_space<vmem>> -> memref<112x64xf32, #tpu.memory_space<vmem>>
        %dma_wait3A_91 = arith.constant 0 : i32
        %dma_wait3A_92 = tpu.memref_slice %arg16[%add3A_69, %dma_wait3A_91] : memref<10240x64xf32, #tpu.memory_space<vmem_shared>> -> memref<112x64xf32, #tpu.memory_space<vmem_shared>>
        tpu.wait_dma2 semaphore(%run_scoped3A : memref<!tpu.dma_semaphore, #tpu.memory_space<semaphore_mem>>) src(%dma_wait3A_92 : memref<112x64xf32, #tpu.memory_space<vmem_shared>>) dst(%dma_wait3A_90 : memref<112x64xf32, #tpu.memory_space<vmem>>)
        tpu.yield
      }) : () -> ()
      "tpu.region"() ({
        %run_scoped3A = tpu.sem_alloc : memref<!tpu.dma_semaphore, #tpu.memory_space<semaphore_mem>>
        %dma_start3A = arith.constant 0 : i32
        %dma_start3A_75 = arith.constant 0 : i32
        %dma_start3A_76 = tpu.memref_slice %arg14[%dma_start3A, %dma_start3A_75] : memref<128x64xf32, #tpu.memory_space<vmem>> -> memref<112x64xf32, #tpu.memory_space<vmem>>
        %dma_start3A_77 = arith.constant 0 : i32
        %dma_start3A_78 = tpu.memref_slice %arg9[%add3A_69, %dma_start3A_77] : memref<10000x64xf32, #tpu.memory_space<hbm>> -> memref<112x64xf32, #tpu.memory_space<hbm>>
        %dma_start3A_79 = arith.constant 0 : i32
        %dma_start3A_80 = tpu.memref_slice %arg9[%add3A_69, %dma_start3A_79] : memref<10000x64xf32, #tpu.memory_space<hbm>> -> memref<112x64xf32, #tpu.memory_space<hbm>>
        %dma_start3A_81 = arith.constant 0 : i32
        %dma_start3A_82 = arith.constant 0 : i32
        %dma_start3A_83 = tpu.memref_slice %arg14[%dma_start3A_81, %dma_start3A_82] : memref<128x64xf32, #tpu.memory_space<vmem>> -> memref<112x64xf32, #tpu.memory_space<vmem>>
        tpu.enqueue_dma source(%dma_start3A_83 : memref<112x64xf32, #tpu.memory_space<vmem>>) target(%dma_start3A_80 : memref<112x64xf32, #tpu.memory_space<hbm>>) target_semaphore(%run_scoped3A : memref<!tpu.dma_semaphore, #tpu.memory_space<semaphore_mem>>)
        %dma_wait3A = arith.constant 0 : i32
        %dma_wait3A_84 = arith.constant 0 : i32
        %dma_wait3A_85 = tpu.memref_slice %arg14[%dma_wait3A, %dma_wait3A_84] : memref<128x64xf32, #tpu.memory_space<vmem>> -> memref<112x64xf32, #tpu.memory_space<vmem>>
        %dma_wait3A_86 = arith.constant 0 : i32
        %dma_wait3A_87 = tpu.memref_slice %arg9[%add3A_69, %dma_wait3A_86] : memref<10000x64xf32, #tpu.memory_space<hbm>> -> memref<112x64xf32, #tpu.memory_space<hbm>>
        %dma_wait3A_88 = arith.constant 0 : i32
        %dma_wait3A_89 = tpu.memref_slice %arg9[%add3A_69, %dma_wait3A_88] : memref<10000x64xf32, #tpu.memory_space<hbm>> -> memref<112x64xf32, #tpu.memory_space<hbm>>
        %dma_wait3A_90 = arith.constant 0 : i32
        %dma_wait3A_91 = arith.constant 0 : i32
        %dma_wait3A_92 = tpu.memref_slice %arg14[%dma_wait3A_90, %dma_wait3A_91] : memref<128x64xf32, #tpu.memory_space<vmem>> -> memref<112x64xf32, #tpu.memory_space<vmem>>
        tpu.wait_dma2 semaphore(%run_scoped3A : memref<!tpu.dma_semaphore, #tpu.memory_space<semaphore_mem>>) src(%dma_wait3A_92 : memref<112x64xf32, #tpu.memory_space<vmem>>) dst(%dma_wait3A_89 : memref<112x64xf32, #tpu.memory_space<hbm>>)
        tpu.yield
      }) : () -> ()
      %eq3A_70 = arith.constant 15 : i32
      %eq3A_71 = arith.cmpi eq, %arg1, %eq3A_70 : i32
      %convert_element_type3A_72 = arith.extui %eq3A_71 : i1 to i32
      %cond3A_73 = arith.constant 0 : i32
      %cond3A_74 = arith.cmpi ne, %convert_element_type3A_72, %cond3A_73 : i32
      scf.if %cond3A_74 {
        "tpu.region"() ({
          %run_scoped3A = tpu.sem_alloc : memref<!tpu.dma_semaphore, #tpu.memory_space<semaphore_mem>>
          %dma_start3A = arith.constant 0 : i32
          %dma_start3A_75 = arith.constant 0 : i32
          %dma_start3A_76 = tpu.memref_slice %arg14[%dma_start3A, %dma_start3A_75] : memref<128x64xf32, #tpu.memory_space<vmem>> -> memref<16x64xf32, #tpu.memory_space<vmem>>
          %dma_start3A_77 = arith.constant 9984 : i32
          %dma_start3A_78 = arith.constant 0 : i32
          %dma_start3A_79 = tpu.memref_slice %arg16[%dma_start3A_77, %dma_start3A_78] : memref<10240x64xf32, #tpu.memory_space<vmem_shared>> -> memref<16x64xf32, #tpu.memory_space<vmem_shared>>
          %dma_start3A_80 = arith.constant 0 : i32
          %dma_start3A_81 = arith.constant 0 : i32
          %dma_start3A_82 = tpu.memref_slice %arg14[%dma_start3A_80, %dma_start3A_81] : memref<128x64xf32, #tpu.memory_space<vmem>> -> memref<16x64xf32, #tpu.memory_space<vmem>>
          %dma_start3A_83 = arith.constant 9984 : i32
          %dma_start3A_84 = arith.constant 0 : i32
          %dma_start3A_85 = tpu.memref_slice %arg16[%dma_start3A_83, %dma_start3A_84] : memref<10240x64xf32, #tpu.memory_space<vmem_shared>> -> memref<16x64xf32, #tpu.memory_space<vmem_shared>>
          tpu.enqueue_dma source(%dma_start3A_85 : memref<16x64xf32, #tpu.memory_space<vmem_shared>>) target(%dma_start3A_82 : memref<16x64xf32, #tpu.memory_space<vmem>>) target_semaphore(%run_scoped3A : memref<!tpu.dma_semaphore, #tpu.memory_space<semaphore_mem>>)
          %dma_wait3A = arith.constant 0 : i32
          %dma_wait3A_86 = arith.constant 0 : i32
          %dma_wait3A_87 = tpu.memref_slice %arg14[%dma_wait3A, %dma_wait3A_86] : memref<128x64xf32, #tpu.memory_space<vmem>> -> memref<16x64xf32, #tpu.memory_space<vmem>>
          %dma_wait3A_88 = arith.constant 9984 : i32
          %dma_wait3A_89 = arith.constant 0 : i32
          %dma_wait3A_90 = tpu.memref_slice %arg16[%dma_wait3A_88, %dma_wait3A_89] : memref<10240x64xf32, #tpu.memory_space<vmem_shared>> -> memref<16x64xf32, #tpu.memory_space<vmem_shared>>
          %dma_wait3A_91 = arith.constant 0 : i32
          %dma_wait3A_92 = arith.constant 0 : i32
          %dma_wait3A_93 = tpu.memref_slice %arg14[%dma_wait3A_91, %dma_wait3A_92] : memref<128x64xf32, #tpu.memory_space<vmem>> -> memref<16x64xf32, #tpu.memory_space<vmem>>
          %dma_wait3A_94 = arith.constant 9984 : i32
          %dma_wait3A_95 = arith.constant 0 : i32
          %dma_wait3A_96 = tpu.memref_slice %arg16[%dma_wait3A_94, %dma_wait3A_95] : memref<10240x64xf32, #tpu.memory_space<vmem_shared>> -> memref<16x64xf32, #tpu.memory_space<vmem_shared>>
          tpu.wait_dma2 semaphore(%run_scoped3A : memref<!tpu.dma_semaphore, #tpu.memory_space<semaphore_mem>>) src(%dma_wait3A_96 : memref<16x64xf32, #tpu.memory_space<vmem_shared>>) dst(%dma_wait3A_93 : memref<16x64xf32, #tpu.memory_space<vmem>>)
          tpu.yield
        }) : () -> ()
        "tpu.region"() ({
          %run_scoped3A = tpu.sem_alloc : memref<!tpu.dma_semaphore, #tpu.memory_space<semaphore_mem>>
          %dma_start3A = arith.constant 0 : i32
          %dma_start3A_75 = arith.constant 0 : i32
          %dma_start3A_76 = tpu.memref_slice %arg14[%dma_start3A, %dma_start3A_75] : memref<128x64xf32, #tpu.memory_space<vmem>> -> memref<16x64xf32, #tpu.memory_space<vmem>>
          %dma_start3A_77 = arith.constant 9984 : i32
          %dma_start3A_78 = arith.constant 0 : i32
          %dma_start3A_79 = tpu.memref_slice %arg9[%dma_start3A_77, %dma_start3A_78] : memref<10000x64xf32, #tpu.memory_space<hbm>> -> memref<16x64xf32, #tpu.memory_space<hbm>>
          %dma_start3A_80 = arith.constant 9984 : i32
          %dma_start3A_81 = arith.constant 0 : i32
          %dma_start3A_82 = tpu.memref_slice %arg9[%dma_start3A_80, %dma_start3A_81] : memref<10000x64xf32, #tpu.memory_space<hbm>> -> memref<16x64xf32, #tpu.memory_space<hbm>>
          %dma_start3A_83 = arith.constant 0 : i32
          %dma_start3A_84 = arith.constant 0 : i32
          %dma_start3A_85 = tpu.memref_slice %arg14[%dma_start3A_83, %dma_start3A_84] : memref<128x64xf32, #tpu.memory_space<vmem>> -> memref<16x64xf32, #tpu.memory_space<vmem>>
          tpu.enqueue_dma source(%dma_start3A_85 : memref<16x64xf32, #tpu.memory_space<vmem>>) target(%dma_start3A_82 : memref<16x64xf32, #tpu.memory_space<hbm>>) target_semaphore(%run_scoped3A : memref<!tpu.dma_semaphore, #tpu.memory_space<semaphore_mem>>)
          %dma_wait3A = arith.constant 0 : i32
          %dma_wait3A_86 = arith.constant 0 : i32
          %dma_wait3A_87 = tpu.memref_slice %arg14[%dma_wait3A, %dma_wait3A_86] : memref<128x64xf32, #tpu.memory_space<vmem>> -> memref<16x64xf32, #tpu.memory_space<vmem>>
          %dma_wait3A_88 = arith.constant 9984 : i32
          %dma_wait3A_89 = arith.constant 0 : i32
          %dma_wait3A_90 = tpu.memref_slice %arg9[%dma_wait3A_88, %dma_wait3A_89] : memref<10000x64xf32, #tpu.memory_space<hbm>> -> memref<16x64xf32, #tpu.memory_space<hbm>>
          %dma_wait3A_91 = arith.constant 9984 : i32
          %dma_wait3A_92 = arith.constant 0 : i32
          %dma_wait3A_93 = tpu.memref_slice %arg9[%dma_wait3A_91, %dma_wait3A_92] : memref<10000x64xf32, #tpu.memory_space<hbm>> -> memref<16x64xf32, #tpu.memory_space<hbm>>
          %dma_wait3A_94 = arith.constant 0 : i32
          %dma_wait3A_95 = arith.constant 0 : i32
          %dma_wait3A_96 = tpu.memref_slice %arg14[%dma_wait3A_94, %dma_wait3A_95] : memref<128x64xf32, #tpu.memory_space<vmem>> -> memref<16x64xf32, #tpu.memory_space<vmem>>
          tpu.wait_dma2 semaphore(%run_scoped3A : memref<!tpu.dma_semaphore, #tpu.memory_space<semaphore_mem>>) src(%dma_wait3A_96 : memref<16x64xf32, #tpu.memory_space<vmem>>) dst(%dma_wait3A_93 : memref<16x64xf32, #tpu.memory_space<hbm>>)
          tpu.yield
        }) : () -> ()
      } else {
      }
    } else {
    }
    %scan3A_28 = arith.constant 0 : i32
    %scan3A_29 = arith.constant 128 : i32
    %scan3A_30 = arith.addi %scan3A_28, %scan3A_29 : i32
    %scan3A_31 = arith.constant 1 : i32
    scf.for %scan3A_62 = %scan3A_28 to %scan3A_30 step %scan3A_31  : i32 {
      %mul3A_63 = arith.constant 1 : i32
      %mul3A_64 = arith.muli %scan3A_62, %mul3A_63 : i32
      %add3A = arith.constant 0 : i32
      %add3A_65 = arith.addi %add3A, %mul3A_64 : i32
      %broadcast_in_dim3A = arith.constant 0.000000e+00 : f32
      %broadcast_in_dim3A_66 = vector.broadcast %broadcast_in_dim3A : f32 to vector<16xf32>
      %swap3A = arith.index_cast %add3A_65 : i32 to index
      %swap3A_67 = arith.constant 0 : index
      %swap3A_68 = tpu.vector_load %arg14[%swap3A, %swap3A_67] {strides = array<i32>} : memref<128x64xf32, #tpu.memory_space<vmem>>, vector<1x16xf32>,
      %swap3A_69 = vector.shape_cast %swap3A_68 : vector<1x16xf32> to vector<16xf32>
      %swap3A_70 = vector.shape_cast %broadcast_in_dim3A_66 : vector<16xf32> to vector<1x16xf32>
      tpu.vector_store %arg14[%swap3A, %swap3A_67], %swap3A_70 {strides = array<i32>} : memref<128x64xf32, #tpu.memory_space<vmem>>, vector<1x16xf32>,
      %broadcast_in_dim3A_71 = arith.constant 0.000000e+00 : f32
      %broadcast_in_dim3A_72 = vector.broadcast %broadcast_in_dim3A_71 : f32 to vector<16xf32>
      %swap3A_73 = arith.index_cast %add3A_65 : i32 to index
      %swap3A_74 = arith.constant 16 : index
      %swap3A_75 = tpu.vector_load %arg14[%swap3A_73, %swap3A_74] {strides = array<i32>} : memref<128x64xf32, #tpu.memory_space<vmem>>, vector<1x16xf32>,
      %swap3A_76 = vector.shape_cast %swap3A_75 : vector<1x16xf32> to vector<16xf32>
      %swap3A_77 = vector.shape_cast %broadcast_in_dim3A_72 : vector<16xf32> to vector<1x16xf32>
      tpu.vector_store %arg14[%swap3A_73, %swap3A_74], %swap3A_77 {strides = array<i32>} : memref<128x64xf32, #tpu.memory_space<vmem>>, vector<1x16xf32>,
      %broadcast_in_dim3A_78 = arith.constant 0.000000e+00 : f32
      %broadcast_in_dim3A_79 = vector.broadcast %broadcast_in_dim3A_78 : f32 to vector<16xf32>
      %swap3A_80 = arith.index_cast %add3A_65 : i32 to index
      %swap3A_81 = arith.constant 32 : index
      %swap3A_82 = tpu.vector_load %arg14[%swap3A_80, %swap3A_81] {strides = array<i32>} : memref<128x64xf32, #tpu.memory_space<vmem>>, vector<1x16xf32>,
      %swap3A_83 = vector.shape_cast %swap3A_82 : vector<1x16xf32> to vector<16xf32>
      %swap3A_84 = vector.shape_cast %broadcast_in_dim3A_79 : vector<16xf32> to vector<1x16xf32>
      tpu.vector_store %arg14[%swap3A_80, %swap3A_81], %swap3A_84 {strides = array<i32>} : memref<128x64xf32, #tpu.memory_space<vmem>>, vector<1x16xf32>,
      %broadcast_in_dim3A_85 = arith.constant 0.000000e+00 : f32
      %broadcast_in_dim3A_86 = vector.broadcast %broadcast_in_dim3A_85 : f32 to vector<16xf32>
      %swap3A_87 = arith.index_cast %add3A_65 : i32 to index
      %swap3A_88 = arith.constant 48 : index
      %swap3A_89 = tpu.vector_load %arg14[%swap3A_87, %swap3A_88] {strides = array<i32>} : memref<128x64xf32, #tpu.memory_space<vmem>>, vector<1x16xf32>,
      %swap3A_90 = vector.shape_cast %swap3A_89 : vector<1x16xf32> to vector<16xf32>
      %swap3A_91 = vector.shape_cast %broadcast_in_dim3A_86 : vector<16xf32> to vector<1x16xf32>
      tpu.vector_store %arg14[%swap3A_87, %swap3A_88], %swap3A_91 {strides = array<i32>} : memref<128x64xf32, #tpu.memory_space<vmem>>, vector<1x16xf32>,
    }
    %scan3A_32 = arith.constant 128 : i32
    %mul3A_33 = arith.constant 640 : i32
    %mul3A_34 = arith.muli %arg1, %mul3A_33 : i32
    %scan3A_35 = arith.constant 0 : i32
    %scan3A_36 = arith.constant 5 : i32
    %scan3A_37 = arith.addi %scan3A_35, %scan3A_36 : i32
    %scan3A_38 = arith.constant 1 : i32
    scf.for %scan3A_62 = %scan3A_35 to %scan3A_37 step %scan3A_38  : i32 {
      %mul3A_63 = arith.constant 1 : i32
      %mul3A_64 = arith.muli %scan3A_62, %mul3A_63 : i32
      %add3A = arith.constant 0 : i32
      %add3A_65 = arith.addi %add3A, %mul3A_64 : i32
      %mul3A_66 = arith.constant 128 : i32
      %mul3A_67 = arith.muli %add3A_65, %mul3A_66 : i32
      %add3A_68 = arith.addi %mul3A_34, %mul3A_67 : i32
      "tpu.region"() ({
        %run_scoped3A = tpu.sem_alloc : memref<!tpu.dma_semaphore, #tpu.memory_space<semaphore_mem>>
        %dma_start3A = arith.constant 0 : i32
        %dma_start3A_69 = arith.constant 0 : i32
        %dma_start3A_70 = tpu.memref_slice %arg14[%dma_start3A, %dma_start3A_69] : memref<128x64xf32, #tpu.memory_space<vmem>> -> memref<128x64xf32, #tpu.memory_space<vmem>>
        %dma_start3A_71 = arith.constant 0 : i32
        %dma_start3A_72 = tpu.memref_slice %arg16[%add3A_68, %dma_start3A_71] : memref<10240x64xf32, #tpu.memory_space<vmem_shared>> -> memref<128x64xf32, #tpu.memory_space<vmem_shared>>
        %dma_start3A_73 = arith.constant 0 : i32
        %dma_start3A_74 = tpu.memref_slice %arg16[%add3A_68, %dma_start3A_73] : memref<10240x64xf32, #tpu.memory_space<vmem_shared>> -> memref<128x64xf32, #tpu.memory_space<vmem_shared>>
        %dma_start3A_75 = arith.constant 0 : i32
        %dma_start3A_76 = arith.constant 0 : i32
        %dma_start3A_77 = tpu.memref_slice %arg14[%dma_start3A_75, %dma_start3A_76] : memref<128x64xf32, #tpu.memory_space<vmem>> -> memref<128x64xf32, #tpu.memory_space<vmem>>
        tpu.enqueue_dma source(%dma_start3A_77 : memref<128x64xf32, #tpu.memory_space<vmem>>) target(%dma_start3A_74 : memref<128x64xf32, #tpu.memory_space<vmem_shared>>) target_semaphore(%run_scoped3A : memref<!tpu.dma_semaphore, #tpu.memory_space<semaphore_mem>>)
        %dma_wait3A = arith.constant 0 : i32
        %dma_wait3A_78 = arith.constant 0 : i32
        %dma_wait3A_79 = tpu.memref_slice %arg14[%dma_wait3A, %dma_wait3A_78] : memref<128x64xf32, #tpu.memory_space<vmem>> -> memref<128x64xf32, #tpu.memory_space<vmem>>
        %dma_wait3A_80 = arith.constant 0 : i32
        %dma_wait3A_81 = tpu.memref_slice %arg16[%add3A_68, %dma_wait3A_80] : memref<10240x64xf32, #tpu.memory_space<vmem_shared>> -> memref<128x64xf32, #tpu.memory_space<vmem_shared>>
        %dma_wait3A_82 = arith.constant 0 : i32
        %dma_wait3A_83 = tpu.memref_slice %arg16[%add3A_68, %dma_wait3A_82] : memref<10240x64xf32, #tpu.memory_space<vmem_shared>> -> memref<128x64xf32, #tpu.memory_space<vmem_shared>>
        %dma_wait3A_84 = arith.constant 0 : i32
        %dma_wait3A_85 = arith.constant 0 : i32
        %dma_wait3A_86 = tpu.memref_slice %arg14[%dma_wait3A_84, %dma_wait3A_85] : memref<128x64xf32, #tpu.memory_space<vmem>> -> memref<128x64xf32, #tpu.memory_space<vmem>>
        tpu.wait_dma2 semaphore(%run_scoped3A : memref<!tpu.dma_semaphore, #tpu.memory_space<semaphore_mem>>) src(%dma_wait3A_86 : memref<128x64xf32, #tpu.memory_space<vmem>>) dst(%dma_wait3A_83 : memref<128x64xf32, #tpu.memory_space<vmem_shared>>)
        tpu.yield
      }) : () -> ()
    }
    %scan3A_39 = arith.constant 5 : i32
    %barrier3A_40 = arith.constant 0 : index
    tpu.barrier barrier_id(%barrier3A_40)
    %eq3A_41 = arith.constant 0 : i32
    %eq3A_42 = arith.cmpi eq, %arg0, %eq3A_41 : i32
    %convert_element_type3A_43 = arith.extui %eq3A_42 : i1 to i32
    %cond3A_44 = arith.constant 0 : i32
    %cond3A_45 = arith.cmpi ne, %convert_element_type3A_43, %cond3A_44 : i32
    scf.if %cond3A_45 {
      %dma_start3A = arith.constant 0 : i32
      %dma_start3A_62 = arith.constant 0 : i32
      %dma_start3A_63 = tpu.memref_slice %arg13[%dma_start3A, %dma_start3A_62] : memref<160x128xi32, #tpu.memory_space<vmem>> -> memref<1x128xi32, #tpu.memory_space<vmem>>
      %dma_start3A_64 = tpu.memref_squeeze %dma_start3A_63 : memref<1x128xi32, #tpu.memory_space<vmem>> -> memref<128xi32, #tpu.memory_space<vmem>>
      %dma_start3A_65 = arith.constant 0 : i32
      %dma_start3A_66 = arith.constant 0 : i32
      %dma_start3A_67 = tpu.memref_slice %arg5[%dma_start3A_65, %dma_start3A_66] : memref<10240x64xf32, #tpu.memory_space<hbm>> -> memref<10240x64xf32, #tpu.memory_space<hbm>>
      tpu.enqueue_indirect_dma source(%dma_start3A_67 : memref<10240x64xf32, #tpu.memory_space<hbm>>) target(%arg14 : memref<128x64xf32, #tpu.memory_space<vmem>>) offsets(%dma_start3A_64 : memref<128xi32, #tpu.memory_space<vmem>>) semaphore(%arg17 : memref<!tpu.dma_semaphore, #tpu.memory_space<semaphore_mem>>)
      %scan3A_68 = arith.constant 0 : i32
      %scan3A_69 = arith.constant 80 : i32
      %scan3A_70 = arith.addi %scan3A_68, %scan3A_69 : i32
      %scan3A_71 = arith.constant 1 : i32
      scf.for %scan3A_73 = %scan3A_68 to %scan3A_70 step %scan3A_71  : i32 {
        %mul3A_74 = arith.constant 2 : i32
        %mul3A_75 = arith.muli %scan3A_73, %mul3A_74 : i32
        %add3A = arith.constant 0 : i32
        %add3A_76 = arith.addi %add3A, %mul3A_75 : i32
        %add3A_77 = arith.constant 1 : i32
        %add3A_78 = arith.addi %add3A_76, %add3A_77 : i32
        %dma_start3A_79 = arith.constant 0 : i32
        %dma_start3A_80 = tpu.memref_slice %arg13[%add3A_78, %dma_start3A_79] : memref<160x128xi32, #tpu.memory_space<vmem>> -> memref<1x128xi32, #tpu.memory_space<vmem>>
        %dma_start3A_81 = tpu.memref_squeeze %dma_start3A_80 : memref<1x128xi32, #tpu.memory_space<vmem>> -> memref<128xi32, #tpu.memory_space<vmem>>
        %dma_start3A_82 = arith.constant 0 : i32
        %dma_start3A_83 = arith.constant 0 : i32
        %dma_start3A_84 = tpu.memref_slice %arg5[%dma_start3A_82, %dma_start3A_83] : memref<10240x64xf32, #tpu.memory_space<hbm>> -> memref<10240x64xf32, #tpu.memory_space<hbm>>
        tpu.enqueue_indirect_dma source(%dma_start3A_84 : memref<10240x64xf32, #tpu.memory_space<hbm>>) target(%arg15 : memref<128x64xf32, #tpu.memory_space<vmem>>) offsets(%dma_start3A_81 : memref<128xi32, #tpu.memory_space<vmem>>) semaphore(%arg18 : memref<!tpu.dma_semaphore, #tpu.memory_space<semaphore_mem>>)
        %dma_wait3A = arith.constant 0 : i32
        %dma_wait3A_85 = tpu.memref_slice %arg13[%add3A_76, %dma_wait3A] : memref<160x128xi32, #tpu.memory_space<vmem>> -> memref<1x128xi32, #tpu.memory_space<vmem>>
        %dma_wait3A_86 = tpu.memref_squeeze %dma_wait3A_85 : memref<1x128xi32, #tpu.memory_space<vmem>> -> memref<128xi32, #tpu.memory_space<vmem>>
        %dma_wait3A_87 = arith.constant 0 : i32
        %dma_wait3A_88 = arith.constant 0 : i32
        %dma_wait3A_89 = tpu.memref_slice %arg5[%dma_wait3A_87, %dma_wait3A_88] : memref<10240x64xf32, #tpu.memory_space<hbm>> -> memref<10240x64xf32, #tpu.memory_space<hbm>>
        tpu.wait_indirect_dma semaphore(%arg17 : memref<!tpu.dma_semaphore, #tpu.memory_space<semaphore_mem>>) src(%dma_wait3A_89 : memref<10240x64xf32, #tpu.memory_space<hbm>>) dst(%arg14 : memref<128x64xf32, #tpu.memory_space<vmem>>)
        "tpu.region"() ({
          %run_scoped3A = tpu.sem_alloc : memref<!tpu.dma_semaphore, #tpu.memory_space<semaphore_mem>>
          %dma_start3A_106 = arith.constant 0 : i32
          %dma_start3A_107 = tpu.memref_slice %arg12[%add3A_76, %dma_start3A_106] : memref<160x128xi32, #tpu.memory_space<vmem>> -> memref<1x128xi32, #tpu.memory_space<vmem>>
          %dma_start3A_108 = tpu.memref_squeeze %dma_start3A_107 : memref<1x128xi32, #tpu.memory_space<vmem>> -> memref<128xi32, #tpu.memory_space<vmem>>
          %dma_start3A_109 = arith.constant 0 : i32
          %dma_start3A_110 = arith.constant 0 : i32
          %dma_start3A_111 = tpu.memref_slice %arg16[%dma_start3A_109, %dma_start3A_110] : memref<10240x64xf32, #tpu.memory_space<vmem_shared>> -> memref<10240x64xf32, #tpu.memory_space<vmem_shared>>
          tpu.enqueue_indirect_dma source(%arg14 : memref<128x64xf32, #tpu.memory_space<vmem>>) target(%dma_start3A_111 : memref<10240x64xf32, #tpu.memory_space<vmem_shared>>) offsets(%dma_start3A_108 : memref<128xi32, #tpu.memory_space<vmem>>) semaphore(%run_scoped3A : memref<!tpu.dma_semaphore, #tpu.memory_space<semaphore_mem>>) {add = true}
          %dma_wait3A_112 = arith.constant 0 : i32
          %dma_wait3A_113 = tpu.memref_slice %arg12[%add3A_76, %dma_wait3A_112] : memref<160x128xi32, #tpu.memory_space<vmem>> -> memref<1x128xi32, #tpu.memory_space<vmem>>
          %dma_wait3A_114 = tpu.memref_squeeze %dma_wait3A_113 : memref<1x128xi32, #tpu.memory_space<vmem>> -> memref<128xi32, #tpu.memory_space<vmem>>
          %dma_wait3A_115 = arith.constant 0 : i32
          %dma_wait3A_116 = arith.constant 0 : i32
          %dma_wait3A_117 = tpu.memref_slice %arg16[%dma_wait3A_115, %dma_wait3A_116] : memref<10240x64xf32, #tpu.memory_space<vmem_shared>> -> memref<10240x64xf32, #tpu.memory_space<vmem_shared>>
          tpu.wait_indirect_dma semaphore(%run_scoped3A : memref<!tpu.dma_semaphore, #tpu.memory_space<semaphore_mem>>) src(%arg14 : memref<128x64xf32, #tpu.memory_space<vmem>>) dst(%dma_wait3A_117 : memref<10240x64xf32, #tpu.memory_space<vmem_shared>>)
          tpu.yield
        }) : () -> ()
        %add3A_90 = arith.constant 2 : i32
        %add3A_91 = arith.addi %add3A_76, %add3A_90 : i32
        %lt3A = arith.constant 160 : i32
        %lt3A_92 = arith.cmpi slt, %add3A_91, %lt3A : i32
        %convert_element_type3A_93 = arith.extui %lt3A_92 : i1 to i32
        %cond3A_94 = arith.constant 0 : i32
        %cond3A_95 = arith.cmpi ne, %convert_element_type3A_93, %cond3A_94 : i32
        scf.if %cond3A_95 {
          %add3A_106 = arith.constant 2 : i32
          %add3A_107 = arith.addi %add3A_76, %add3A_106 : i32
          %dma_start3A_108 = arith.constant 0 : i32
          %dma_start3A_109 = tpu.memref_slice %arg13[%add3A_107, %dma_start3A_108] : memref<160x128xi32, #tpu.memory_space<vmem>> -> memref<1x128xi32, #tpu.memory_space<vmem>>
          %dma_start3A_110 = tpu.memref_squeeze %dma_start3A_109 : memref<1x128xi32, #tpu.memory_space<vmem>> -> memref<128xi32, #tpu.memory_space<vmem>>
          %dma_start3A_111 = arith.constant 0 : i32
          %dma_start3A_112 = arith.constant 0 : i32
          %dma_start3A_113 = tpu.memref_slice %arg5[%dma_start3A_111, %dma_start3A_112] : memref<10240x64xf32, #tpu.memory_space<hbm>> -> memref<10240x64xf32, #tpu.memory_space<hbm>>
          tpu.enqueue_indirect_dma source(%dma_start3A_113 : memref<10240x64xf32, #tpu.memory_space<hbm>>) target(%arg14 : memref<128x64xf32, #tpu.memory_space<vmem>>) offsets(%dma_start3A_110 : memref<128xi32, #tpu.memory_space<vmem>>) semaphore(%arg17 : memref<!tpu.dma_semaphore, #tpu.memory_space<semaphore_mem>>)
        } else {
        }
        %add3A_96 = arith.constant 1 : i32
        %add3A_97 = arith.addi %add3A_76, %add3A_96 : i32
        %dma_wait3A_98 = arith.constant 0 : i32
        %dma_wait3A_99 = tpu.memref_slice %arg13[%add3A_97, %dma_wait3A_98] : memref<160x128xi32, #tpu.memory_space<vmem>> -> memref<1x128xi32, #tpu.memory_space<vmem>>
        %dma_wait3A_100 = tpu.memref_squeeze %dma_wait3A_99 : memref<1x128xi32, #tpu.memory_space<vmem>> -> memref<128xi32, #tpu.memory_space<vmem>>
        %dma_wait3A_101 = arith.constant 0 : i32
        %dma_wait3A_102 = arith.constant 0 : i32
        %dma_wait3A_103 = tpu.memref_slice %arg5[%dma_wait3A_101, %dma_wait3A_102] : memref<10240x64xf32, #tpu.memory_space<hbm>> -> memref<10240x64xf32, #tpu.memory_space<hbm>>
        tpu.wait_indirect_dma semaphore(%arg18 : memref<!tpu.dma_semaphore, #tpu.memory_space<semaphore_mem>>) src(%dma_wait3A_103 : memref<10240x64xf32, #tpu.memory_space<hbm>>) dst(%arg15 : memref<128x64xf32, #tpu.memory_space<vmem>>)
        %add3A_104 = arith.constant 1 : i32
        %add3A_105 = arith.addi %add3A_76, %add3A_104 : i32
        "tpu.region"() ({
          %run_scoped3A = tpu.sem_alloc : memref<!tpu.dma_semaphore, #tpu.memory_space<semaphore_mem>>
          %dma_start3A_106 = arith.constant 0 : i32
          %dma_start3A_107 = tpu.memref_slice %arg12[%add3A_105, %dma_start3A_106] : memref<160x128xi32, #tpu.memory_space<vmem>> -> memref<1x128xi32, #tpu.memory_space<vmem>>
          %dma_start3A_108 = tpu.memref_squeeze %dma_start3A_107 : memref<1x128xi32, #tpu.memory_space<vmem>> -> memref<128xi32, #tpu.memory_space<vmem>>
          %dma_start3A_109 = arith.constant 0 : i32
          %dma_start3A_110 = arith.constant 0 : i32
          %dma_start3A_111 = tpu.memref_slice %arg16[%dma_start3A_109, %dma_start3A_110] : memref<10240x64xf32, #tpu.memory_space<vmem_shared>> -> memref<10240x64xf32, #tpu.memory_space<vmem_shared>>
          tpu.enqueue_indirect_dma source(%arg15 : memref<128x64xf32, #tpu.memory_space<vmem>>) target(%dma_start3A_111 : memref<10240x64xf32, #tpu.memory_space<vmem_shared>>) offsets(%dma_start3A_108 : memref<128xi32, #tpu.memory_space<vmem>>) semaphore(%run_scoped3A : memref<!tpu.dma_semaphore, #tpu.memory_space<semaphore_mem>>) {add = true}
          %dma_wait3A_112 = arith.constant 0 : i32
          %dma_wait3A_113 = tpu.memref_slice %arg12[%add3A_105, %dma_wait3A_112] : memref<160x128xi32, #tpu.memory_space<vmem>> -> memref<1x128xi32, #tpu.memory_space<vmem>>
          %dma_wait3A_114 = tpu.memref_squeeze %dma_wait3A_113 : memref<1x128xi32, #tpu.memory_space<vmem>> -> memref<128xi32, #tpu.memory_space<vmem>>
          %dma_wait3A_115 = arith.constant 0 : i32
          %dma_wait3A_116 = arith.constant 0 : i32
          %dma_wait3A_117 = tpu.memref_slice %arg16[%dma_wait3A_115, %dma_wait3A_116] : memref<10240x64xf32, #tpu.memory_space<vmem_shared>> -> memref<10240x64xf32, #tpu.memory_space<vmem_shared>>
          tpu.wait_indirect_dma semaphore(%run_scoped3A : memref<!tpu.dma_semaphore, #tpu.memory_space<semaphore_mem>>) src(%arg15 : memref<128x64xf32, #tpu.memory_space<vmem>>) dst(%dma_wait3A_117 : memref<10240x64xf32, #tpu.memory_space<vmem_shared>>)
          tpu.yield
        }) : () -> ()
      }
      %scan3A_72 = arith.constant 80 : i32
    } else {
    }
    %eq3A_46 = arith.constant 1 : i32
    %eq3A_47 = arith.cmpi eq, %arg0, %eq3A_46 : i32
    %convert_element_type3A_48 = arith.extui %eq3A_47 : i1 to i32
    %cond3A_49 = arith.constant 0 : i32
    %cond3A_50 = arith.cmpi ne, %convert_element_type3A_48, %cond3A_49 : i32
    scf.if %cond3A_50 {
      %dma_start3A = arith.constant 0 : i32
      %dma_start3A_62 = arith.constant 0 : i32
      %dma_start3A_63 = tpu.memref_slice %arg12[%dma_start3A, %dma_start3A_62] : memref<160x128xi32, #tpu.memory_space<vmem>> -> memref<1x128xi32, #tpu.memory_space<vmem>>
      %dma_start3A_64 = tpu.memref_squeeze %dma_start3A_63 : memref<1x128xi32, #tpu.memory_space<vmem>> -> memref<128xi32, #tpu.memory_space<vmem>>
      %dma_start3A_65 = arith.constant 0 : i32
      %dma_start3A_66 = arith.constant 0 : i32
      %dma_start3A_67 = tpu.memref_slice %arg7[%dma_start3A_65, %dma_start3A_66] : memref<10240x64xf32, #tpu.memory_space<hbm>> -> memref<10240x64xf32, #tpu.memory_space<hbm>>
      tpu.enqueue_indirect_dma source(%dma_start3A_67 : memref<10240x64xf32, #tpu.memory_space<hbm>>) target(%arg14 : memref<128x64xf32, #tpu.memory_space<vmem>>) offsets(%dma_start3A_64 : memref<128xi32, #tpu.memory_space<vmem>>) semaphore(%arg17 : memref<!tpu.dma_semaphore, #tpu.memory_space<semaphore_mem>>)
      %scan3A_68 = arith.constant 0 : i32
      %scan3A_69 = arith.constant 80 : i32
      %scan3A_70 = arith.addi %scan3A_68, %scan3A_69 : i32
      %scan3A_71 = arith.constant 1 : i32
      scf.for %scan3A_73 = %scan3A_68 to %scan3A_70 step %scan3A_71  : i32 {
        %mul3A_74 = arith.constant 2 : i32
        %mul3A_75 = arith.muli %scan3A_73, %mul3A_74 : i32
        %add3A = arith.constant 0 : i32
        %add3A_76 = arith.addi %add3A, %mul3A_75 : i32
        %add3A_77 = arith.constant 1 : i32
        %add3A_78 = arith.addi %add3A_76, %add3A_77 : i32
        %dma_start3A_79 = arith.constant 0 : i32
        %dma_start3A_80 = tpu.memref_slice %arg12[%add3A_78, %dma_start3A_79] : memref<160x128xi32, #tpu.memory_space<vmem>> -> memref<1x128xi32, #tpu.memory_space<vmem>>
        %dma_start3A_81 = tpu.memref_squeeze %dma_start3A_80 : memref<1x128xi32, #tpu.memory_space<vmem>> -> memref<128xi32, #tpu.memory_space<vmem>>
        %dma_start3A_82 = arith.constant 0 : i32
        %dma_start3A_83 = arith.constant 0 : i32
        %dma_start3A_84 = tpu.memref_slice %arg7[%dma_start3A_82, %dma_start3A_83] : memref<10240x64xf32, #tpu.memory_space<hbm>> -> memref<10240x64xf32, #tpu.memory_space<hbm>>
        tpu.enqueue_indirect_dma source(%dma_start3A_84 : memref<10240x64xf32, #tpu.memory_space<hbm>>) target(%arg15 : memref<128x64xf32, #tpu.memory_space<vmem>>) offsets(%dma_start3A_81 : memref<128xi32, #tpu.memory_space<vmem>>) semaphore(%arg18 : memref<!tpu.dma_semaphore, #tpu.memory_space<semaphore_mem>>)
        %dma_wait3A = arith.constant 0 : i32
        %dma_wait3A_85 = tpu.memref_slice %arg12[%add3A_76, %dma_wait3A] : memref<160x128xi32, #tpu.memory_space<vmem>> -> memref<1x128xi32, #tpu.memory_space<vmem>>
        %dma_wait3A_86 = tpu.memref_squeeze %dma_wait3A_85 : memref<1x128xi32, #tpu.memory_space<vmem>> -> memref<128xi32, #tpu.memory_space<vmem>>
        %dma_wait3A_87 = arith.constant 0 : i32
        %dma_wait3A_88 = arith.constant 0 : i32
        %dma_wait3A_89 = tpu.memref_slice %arg7[%dma_wait3A_87, %dma_wait3A_88] : memref<10240x64xf32, #tpu.memory_space<hbm>> -> memref<10240x64xf32, #tpu.memory_space<hbm>>
        tpu.wait_indirect_dma semaphore(%arg17 : memref<!tpu.dma_semaphore, #tpu.memory_space<semaphore_mem>>) src(%dma_wait3A_89 : memref<10240x64xf32, #tpu.memory_space<hbm>>) dst(%arg14 : memref<128x64xf32, #tpu.memory_space<vmem>>)
        "tpu.region"() ({
          %run_scoped3A = tpu.sem_alloc : memref<!tpu.dma_semaphore, #tpu.memory_space<semaphore_mem>>
          %dma_start3A_106 = arith.constant 0 : i32
          %dma_start3A_107 = tpu.memref_slice %arg13[%add3A_76, %dma_start3A_106] : memref<160x128xi32, #tpu.memory_space<vmem>> -> memref<1x128xi32, #tpu.memory_space<vmem>>
          %dma_start3A_108 = tpu.memref_squeeze %dma_start3A_107 : memref<1x128xi32, #tpu.memory_space<vmem>> -> memref<128xi32, #tpu.memory_space<vmem>>
          %dma_start3A_109 = arith.constant 0 : i32
          %dma_start3A_110 = arith.constant 0 : i32
          %dma_start3A_111 = tpu.memref_slice %arg16[%dma_start3A_109, %dma_start3A_110] : memref<10240x64xf32, #tpu.memory_space<vmem_shared>> -> memref<10240x64xf32, #tpu.memory_space<vmem_shared>>
          tpu.enqueue_indirect_dma source(%arg14 : memref<128x64xf32, #tpu.memory_space<vmem>>) target(%dma_start3A_111 : memref<10240x64xf32, #tpu.memory_space<vmem_shared>>) offsets(%dma_start3A_108 : memref<128xi32, #tpu.memory_space<vmem>>) semaphore(%run_scoped3A : memref<!tpu.dma_semaphore, #tpu.memory_space<semaphore_mem>>) {add = true}
          %dma_wait3A_112 = arith.constant 0 : i32
          %dma_wait3A_113 = tpu.memref_slice %arg13[%add3A_76, %dma_wait3A_112] : memref<160x128xi32, #tpu.memory_space<vmem>> -> memref<1x128xi32, #tpu.memory_space<vmem>>
          %dma_wait3A_114 = tpu.memref_squeeze %dma_wait3A_113 : memref<1x128xi32, #tpu.memory_space<vmem>> -> memref<128xi32, #tpu.memory_space<vmem>>
          %dma_wait3A_115 = arith.constant 0 : i32
          %dma_wait3A_116 = arith.constant 0 : i32
          %dma_wait3A_117 = tpu.memref_slice %arg16[%dma_wait3A_115, %dma_wait3A_116] : memref<10240x64xf32, #tpu.memory_space<vmem_shared>> -> memref<10240x64xf32, #tpu.memory_space<vmem_shared>>
          tpu.wait_indirect_dma semaphore(%run_scoped3A : memref<!tpu.dma_semaphore, #tpu.memory_space<semaphore_mem>>) src(%arg14 : memref<128x64xf32, #tpu.memory_space<vmem>>) dst(%dma_wait3A_117 : memref<10240x64xf32, #tpu.memory_space<vmem_shared>>)
          tpu.yield
        }) : () -> ()
        %add3A_90 = arith.constant 2 : i32
        %add3A_91 = arith.addi %add3A_76, %add3A_90 : i32
        %lt3A = arith.constant 160 : i32
        %lt3A_92 = arith.cmpi slt, %add3A_91, %lt3A : i32
        %convert_element_type3A_93 = arith.extui %lt3A_92 : i1 to i32
        %cond3A_94 = arith.constant 0 : i32
        %cond3A_95 = arith.cmpi ne, %convert_element_type3A_93, %cond3A_94 : i32
        scf.if %cond3A_95 {
          %add3A_106 = arith.constant 2 : i32
          %add3A_107 = arith.addi %add3A_76, %add3A_106 : i32
          %dma_start3A_108 = arith.constant 0 : i32
          %dma_start3A_109 = tpu.memref_slice %arg12[%add3A_107, %dma_start3A_108] : memref<160x128xi32, #tpu.memory_space<vmem>> -> memref<1x128xi32, #tpu.memory_space<vmem>>
          %dma_start3A_110 = tpu.memref_squeeze %dma_start3A_109 : memref<1x128xi32, #tpu.memory_space<vmem>> -> memref<128xi32, #tpu.memory_space<vmem>>
          %dma_start3A_111 = arith.constant 0 : i32
          %dma_start3A_112 = arith.constant 0 : i32
          %dma_start3A_113 = tpu.memref_slice %arg7[%dma_start3A_111, %dma_start3A_112] : memref<10240x64xf32, #tpu.memory_space<hbm>> -> memref<10240x64xf32, #tpu.memory_space<hbm>>
          tpu.enqueue_indirect_dma source(%dma_start3A_113 : memref<10240x64xf32, #tpu.memory_space<hbm>>) target(%arg14 : memref<128x64xf32, #tpu.memory_space<vmem>>) offsets(%dma_start3A_110 : memref<128xi32, #tpu.memory_space<vmem>>) semaphore(%arg17 : memref<!tpu.dma_semaphore, #tpu.memory_space<semaphore_mem>>)
        } else {
        }
        %add3A_96 = arith.constant 1 : i32
        %add3A_97 = arith.addi %add3A_76, %add3A_96 : i32
        %dma_wait3A_98 = arith.constant 0 : i32
        %dma_wait3A_99 = tpu.memref_slice %arg12[%add3A_97, %dma_wait3A_98] : memref<160x128xi32, #tpu.memory_space<vmem>> -> memref<1x128xi32, #tpu.memory_space<vmem>>
        %dma_wait3A_100 = tpu.memref_squeeze %dma_wait3A_99 : memref<1x128xi32, #tpu.memory_space<vmem>> -> memref<128xi32, #tpu.memory_space<vmem>>
        %dma_wait3A_101 = arith.constant 0 : i32
        %dma_wait3A_102 = arith.constant 0 : i32
        %dma_wait3A_103 = tpu.memref_slice %arg7[%dma_wait3A_101, %dma_wait3A_102] : memref<10240x64xf32, #tpu.memory_space<hbm>> -> memref<10240x64xf32, #tpu.memory_space<hbm>>
        tpu.wait_indirect_dma semaphore(%arg18 : memref<!tpu.dma_semaphore, #tpu.memory_space<semaphore_mem>>) src(%dma_wait3A_103 : memref<10240x64xf32, #tpu.memory_space<hbm>>) dst(%arg15 : memref<128x64xf32, #tpu.memory_space<vmem>>)
        %add3A_104 = arith.constant 1 : i32
        %add3A_105 = arith.addi %add3A_76, %add3A_104 : i32
        "tpu.region"() ({
          %run_scoped3A = tpu.sem_alloc : memref<!tpu.dma_semaphore, #tpu.memory_space<semaphore_mem>>
          %dma_start3A_106 = arith.constant 0 : i32
          %dma_start3A_107 = tpu.memref_slice %arg13[%add3A_105, %dma_start3A_106] : memref<160x128xi32, #tpu.memory_space<vmem>> -> memref<1x128xi32, #tpu.memory_space<vmem>>
          %dma_start3A_108 = tpu.memref_squeeze %dma_start3A_107 : memref<1x128xi32, #tpu.memory_space<vmem>> -> memref<128xi32, #tpu.memory_space<vmem>>
          %dma_start3A_109 = arith.constant 0 : i32
          %dma_start3A_110 = arith.constant 0 : i32
          %dma_start3A_111 = tpu.memref_slice %arg16[%dma_start3A_109, %dma_start3A_110] : memref<10240x64xf32, #tpu.memory_space<vmem_shared>> -> memref<10240x64xf32, #tpu.memory_space<vmem_shared>>
          tpu.enqueue_indirect_dma source(%arg15 : memref<128x64xf32, #tpu.memory_space<vmem>>) target(%dma_start3A_111 : memref<10240x64xf32, #tpu.memory_space<vmem_shared>>) offsets(%dma_start3A_108 : memref<128xi32, #tpu.memory_space<vmem>>) semaphore(%run_scoped3A : memref<!tpu.dma_semaphore, #tpu.memory_space<semaphore_mem>>) {add = true}
          %dma_wait3A_112 = arith.constant 0 : i32
          %dma_wait3A_113 = tpu.memref_slice %arg13[%add3A_105, %dma_wait3A_112] : memref<160x128xi32, #tpu.memory_space<vmem>> -> memref<1x128xi32, #tpu.memory_space<vmem>>
          %dma_wait3A_114 = tpu.memref_squeeze %dma_wait3A_113 : memref<1x128xi32, #tpu.memory_space<vmem>> -> memref<128xi32, #tpu.memory_space<vmem>>
          %dma_wait3A_115 = arith.constant 0 : i32
          %dma_wait3A_116 = arith.constant 0 : i32
          %dma_wait3A_117 = tpu.memref_slice %arg16[%dma_wait3A_115, %dma_wait3A_116] : memref<10240x64xf32, #tpu.memory_space<vmem_shared>> -> memref<10240x64xf32, #tpu.memory_space<vmem_shared>>
          tpu.wait_indirect_dma semaphore(%run_scoped3A : memref<!tpu.dma_semaphore, #tpu.memory_space<semaphore_mem>>) src(%arg15 : memref<128x64xf32, #tpu.memory_space<vmem>>) dst(%dma_wait3A_117 : memref<10240x64xf32, #tpu.memory_space<vmem_shared>>)
          tpu.yield
        }) : () -> ()
      }
      %scan3A_72 = arith.constant 80 : i32
    } else {
    }
    %barrier3A_51 = arith.constant 0 : index
    tpu.barrier barrier_id(%barrier3A_51)
    %eq3A_52 = arith.constant 0 : i32
    %eq3A_53 = arith.cmpi eq, %arg0, %eq3A_52 : i32
    %convert_element_type3A_54 = arith.extui %eq3A_53 : i1 to i32
    %cond3A_55 = arith.constant 0 : i32
    %cond3A_56 = arith.cmpi ne, %convert_element_type3A_54, %cond3A_55 : i32
    scf.if %cond3A_56 {
      %mul3A_62 = arith.constant 624 : i32
      %mul3A_63 = arith.muli %arg1, %mul3A_62 : i32
      %scan3A_64 = arith.constant 0 : i32
      %scan3A_65 = arith.constant 4 : i32
      %scan3A_66 = arith.addi %scan3A_64, %scan3A_65 : i32
      %scan3A_67 = arith.constant 1 : i32
      scf.for %scan3A_75 = %scan3A_64 to %scan3A_66 step %scan3A_67  : i32 {
        %mul3A_76 = arith.constant 1 : i32
        %mul3A_77 = arith.muli %scan3A_75, %mul3A_76 : i32
        %add3A_78 = arith.constant 0 : i32
        %add3A_79 = arith.addi %add3A_78, %mul3A_77 : i32
        %mul3A_80 = arith.constant 128 : i32
        %mul3A_81 = arith.muli %add3A_79, %mul3A_80 : i32
        %add3A_82 = arith.addi %mul3A_63, %mul3A_81 : i32
        "tpu.region"() ({
          %run_scoped3A = tpu.sem_alloc : memref<!tpu.dma_semaphore, #tpu.memory_space<semaphore_mem>>
          %dma_start3A = arith.constant 0 : i32
          %dma_start3A_83 = arith.constant 0 : i32
          %dma_start3A_84 = tpu.memref_slice %arg14[%dma_start3A, %dma_start3A_83] : memref<128x64xf32, #tpu.memory_space<vmem>> -> memref<128x64xf32, #tpu.memory_space<vmem>>
          %dma_start3A_85 = arith.constant 0 : i32
          %dma_start3A_86 = tpu.memref_slice %arg16[%add3A_82, %dma_start3A_85] : memref<10240x64xf32, #tpu.memory_space<vmem_shared>> -> memref<128x64xf32, #tpu.memory_space<vmem_shared>>
          %dma_start3A_87 = arith.constant 0 : i32
          %dma_start3A_88 = arith.constant 0 : i32
          %dma_start3A_89 = tpu.memref_slice %arg14[%dma_start3A_87, %dma_start3A_88] : memref<128x64xf32, #tpu.memory_space<vmem>> -> memref<128x64xf32, #tpu.memory_space<vmem>>
          %dma_start3A_90 = arith.constant 0 : i32
          %dma_start3A_91 = tpu.memref_slice %arg16[%add3A_82, %dma_start3A_90] : memref<10240x64xf32, #tpu.memory_space<vmem_shared>> -> memref<128x64xf32, #tpu.memory_space<vmem_shared>>
          tpu.enqueue_dma source(%dma_start3A_91 : memref<128x64xf32, #tpu.memory_space<vmem_shared>>) target(%dma_start3A_89 : memref<128x64xf32, #tpu.memory_space<vmem>>) target_semaphore(%run_scoped3A : memref<!tpu.dma_semaphore, #tpu.memory_space<semaphore_mem>>)
          %dma_wait3A = arith.constant 0 : i32
          %dma_wait3A_92 = arith.constant 0 : i32
          %dma_wait3A_93 = tpu.memref_slice %arg14[%dma_wait3A, %dma_wait3A_92] : memref<128x64xf32, #tpu.memory_space<vmem>> -> memref<128x64xf32, #tpu.memory_space<vmem>>
          %dma_wait3A_94 = arith.constant 0 : i32
          %dma_wait3A_95 = tpu.memref_slice %arg16[%add3A_82, %dma_wait3A_94] : memref<10240x64xf32, #tpu.memory_space<vmem_shared>> -> memref<128x64xf32, #tpu.memory_space<vmem_shared>>
          %dma_wait3A_96 = arith.constant 0 : i32
          %dma_wait3A_97 = arith.constant 0 : i32
          %dma_wait3A_98 = tpu.memref_slice %arg14[%dma_wait3A_96, %dma_wait3A_97] : memref<128x64xf32, #tpu.memory_space<vmem>> -> memref<128x64xf32, #tpu.memory_space<vmem>>
          %dma_wait3A_99 = arith.constant 0 : i32
          %dma_wait3A_100 = tpu.memref_slice %arg16[%add3A_82, %dma_wait3A_99] : memref<10240x64xf32, #tpu.memory_space<vmem_shared>> -> memref<128x64xf32, #tpu.memory_space<vmem_shared>>
          tpu.wait_dma2 semaphore(%run_scoped3A : memref<!tpu.dma_semaphore, #tpu.memory_space<semaphore_mem>>) src(%dma_wait3A_100 : memref<128x64xf32, #tpu.memory_space<vmem_shared>>) dst(%dma_wait3A_98 : memref<128x64xf32, #tpu.memory_space<vmem>>)
          tpu.yield
        }) : () -> ()
        "tpu.region"() ({
          %run_scoped3A = tpu.sem_alloc : memref<!tpu.dma_semaphore, #tpu.memory_space<semaphore_mem>>
          %dma_start3A = arith.constant 0 : i32
          %dma_start3A_83 = arith.constant 0 : i32
          %dma_start3A_84 = tpu.memref_slice %arg14[%dma_start3A, %dma_start3A_83] : memref<128x64xf32, #tpu.memory_space<vmem>> -> memref<128x64xf32, #tpu.memory_space<vmem>>
          %dma_start3A_85 = arith.constant 0 : i32
          %dma_start3A_86 = tpu.memref_slice %arg10[%add3A_82, %dma_start3A_85] : memref<10000x64xf32, #tpu.memory_space<hbm>> -> memref<128x64xf32, #tpu.memory_space<hbm>>
          %dma_start3A_87 = arith.constant 0 : i32
          %dma_start3A_88 = tpu.memref_slice %arg10[%add3A_82, %dma_start3A_87] : memref<10000x64xf32, #tpu.memory_space<hbm>> -> memref<128x64xf32, #tpu.memory_space<hbm>>
          %dma_start3A_89 = arith.constant 0 : i32
          %dma_start3A_90 = arith.constant 0 : i32
          %dma_start3A_91 = tpu.memref_slice %arg14[%dma_start3A_89, %dma_start3A_90] : memref<128x64xf32, #tpu.memory_space<vmem>> -> memref<128x64xf32, #tpu.memory_space<vmem>>
          tpu.enqueue_dma source(%dma_start3A_91 : memref<128x64xf32, #tpu.memory_space<vmem>>) target(%dma_start3A_88 : memref<128x64xf32, #tpu.memory_space<hbm>>) target_semaphore(%run_scoped3A : memref<!tpu.dma_semaphore, #tpu.memory_space<semaphore_mem>>)
          %dma_wait3A = arith.constant 0 : i32
          %dma_wait3A_92 = arith.constant 0 : i32
          %dma_wait3A_93 = tpu.memref_slice %arg14[%dma_wait3A, %dma_wait3A_92] : memref<128x64xf32, #tpu.memory_space<vmem>> -> memref<128x64xf32, #tpu.memory_space<vmem>>
          %dma_wait3A_94 = arith.constant 0 : i32
          %dma_wait3A_95 = tpu.memref_slice %arg10[%add3A_82, %dma_wait3A_94] : memref<10000x64xf32, #tpu.memory_space<hbm>> -> memref<128x64xf32, #tpu.memory_space<hbm>>
          %dma_wait3A_96 = arith.constant 0 : i32
          %dma_wait3A_97 = tpu.memref_slice %arg10[%add3A_82, %dma_wait3A_96] : memref<10000x64xf32, #tpu.memory_space<hbm>> -> memref<128x64xf32, #tpu.memory_space<hbm>>
          %dma_wait3A_98 = arith.constant 0 : i32
          %dma_wait3A_99 = arith.constant 0 : i32
          %dma_wait3A_100 = tpu.memref_slice %arg14[%dma_wait3A_98, %dma_wait3A_99] : memref<128x64xf32, #tpu.memory_space<vmem>> -> memref<128x64xf32, #tpu.memory_space<vmem>>
          tpu.wait_dma2 semaphore(%run_scoped3A : memref<!tpu.dma_semaphore, #tpu.memory_space<semaphore_mem>>) src(%dma_wait3A_100 : memref<128x64xf32, #tpu.memory_space<vmem>>) dst(%dma_wait3A_97 : memref<128x64xf32, #tpu.memory_space<hbm>>)
          tpu.yield
        }) : () -> ()
      }
      %scan3A_68 = arith.constant 4 : i32
      %add3A = arith.constant 512 : i32
      %add3A_69 = arith.addi %mul3A_63, %add3A : i32
      "tpu.region"() ({
        %run_scoped3A = tpu.sem_alloc : memref<!tpu.dma_semaphore, #tpu.memory_space<semaphore_mem>>
        %dma_start3A = arith.constant 0 : i32
        %dma_start3A_75 = arith.constant 0 : i32
        %dma_start3A_76 = tpu.memref_slice %arg14[%dma_start3A, %dma_start3A_75] : memref<128x64xf32, #tpu.memory_space<vmem>> -> memref<112x64xf32, #tpu.memory_space<vmem>>
        %dma_start3A_77 = arith.constant 0 : i32
        %dma_start3A_78 = tpu.memref_slice %arg16[%add3A_69, %dma_start3A_77] : memref<10240x64xf32, #tpu.memory_space<vmem_shared>> -> memref<112x64xf32, #tpu.memory_space<vmem_shared>>
        %dma_start3A_79 = arith.constant 0 : i32
        %dma_start3A_80 = arith.constant 0 : i32
        %dma_start3A_81 = tpu.memref_slice %arg14[%dma_start3A_79, %dma_start3A_80] : memref<128x64xf32, #tpu.memory_space<vmem>> -> memref<112x64xf32, #tpu.memory_space<vmem>>
        %dma_start3A_82 = arith.constant 0 : i32
        %dma_start3A_83 = tpu.memref_slice %arg16[%add3A_69, %dma_start3A_82] : memref<10240x64xf32, #tpu.memory_space<vmem_shared>> -> memref<112x64xf32, #tpu.memory_space<vmem_shared>>
        tpu.enqueue_dma source(%dma_start3A_83 : memref<112x64xf32, #tpu.memory_space<vmem_shared>>) target(%dma_start3A_81 : memref<112x64xf32, #tpu.memory_space<vmem>>) target_semaphore(%run_scoped3A : memref<!tpu.dma_semaphore, #tpu.memory_space<semaphore_mem>>)
        %dma_wait3A = arith.constant 0 : i32
        %dma_wait3A_84 = arith.constant 0 : i32
        %dma_wait3A_85 = tpu.memref_slice %arg14[%dma_wait3A, %dma_wait3A_84] : memref<128x64xf32, #tpu.memory_space<vmem>> -> memref<112x64xf32, #tpu.memory_space<vmem>>
        %dma_wait3A_86 = arith.constant 0 : i32
        %dma_wait3A_87 = tpu.memref_slice %arg16[%add3A_69, %dma_wait3A_86] : memref<10240x64xf32, #tpu.memory_space<vmem_shared>> -> memref<112x64xf32, #tpu.memory_space<vmem_shared>>
        %dma_wait3A_88 = arith.constant 0 : i32
        %dma_wait3A_89 = arith.constant 0 : i32
        %dma_wait3A_90 = tpu.memref_slice %arg14[%dma_wait3A_88, %dma_wait3A_89] : memref<128x64xf32, #tpu.memory_space<vmem>> -> memref<112x64xf32, #tpu.memory_space<vmem>>
        %dma_wait3A_91 = arith.constant 0 : i32
        %dma_wait3A_92 = tpu.memref_slice %arg16[%add3A_69, %dma_wait3A_91] : memref<10240x64xf32, #tpu.memory_space<vmem_shared>> -> memref<112x64xf32, #tpu.memory_space<vmem_shared>>
        tpu.wait_dma2 semaphore(%run_scoped3A : memref<!tpu.dma_semaphore, #tpu.memory_space<semaphore_mem>>) src(%dma_wait3A_92 : memref<112x64xf32, #tpu.memory_space<vmem_shared>>) dst(%dma_wait3A_90 : memref<112x64xf32, #tpu.memory_space<vmem>>)
        tpu.yield
      }) : () -> ()
      "tpu.region"() ({
        %run_scoped3A = tpu.sem_alloc : memref<!tpu.dma_semaphore, #tpu.memory_space<semaphore_mem>>
        %dma_start3A = arith.constant 0 : i32
        %dma_start3A_75 = arith.constant 0 : i32
        %dma_start3A_76 = tpu.memref_slice %arg14[%dma_start3A, %dma_start3A_75] : memref<128x64xf32, #tpu.memory_space<vmem>> -> memref<112x64xf32, #tpu.memory_space<vmem>>
        %dma_start3A_77 = arith.constant 0 : i32
        %dma_start3A_78 = tpu.memref_slice %arg10[%add3A_69, %dma_start3A_77] : memref<10000x64xf32, #tpu.memory_space<hbm>> -> memref<112x64xf32, #tpu.memory_space<hbm>>
        %dma_start3A_79 = arith.constant 0 : i32
        %dma_start3A_80 = tpu.memref_slice %arg10[%add3A_69, %dma_start3A_79] : memref<10000x64xf32, #tpu.memory_space<hbm>> -> memref<112x64xf32, #tpu.memory_space<hbm>>
        %dma_start3A_81 = arith.constant 0 : i32
        %dma_start3A_82 = arith.constant 0 : i32
        %dma_start3A_83 = tpu.memref_slice %arg14[%dma_start3A_81, %dma_start3A_82] : memref<128x64xf32, #tpu.memory_space<vmem>> -> memref<112x64xf32, #tpu.memory_space<vmem>>
        tpu.enqueue_dma source(%dma_start3A_83 : memref<112x64xf32, #tpu.memory_space<vmem>>) target(%dma_start3A_80 : memref<112x64xf32, #tpu.memory_space<hbm>>) target_semaphore(%run_scoped3A : memref<!tpu.dma_semaphore, #tpu.memory_space<semaphore_mem>>)
        %dma_wait3A = arith.constant 0 : i32
        %dma_wait3A_84 = arith.constant 0 : i32
        %dma_wait3A_85 = tpu.memref_slice %arg14[%dma_wait3A, %dma_wait3A_84] : memref<128x64xf32, #tpu.memory_space<vmem>> -> memref<112x64xf32, #tpu.memory_space<vmem>>
        %dma_wait3A_86 = arith.constant 0 : i32
        %dma_wait3A_87 = tpu.memref_slice %arg10[%add3A_69, %dma_wait3A_86] : memref<10000x64xf32, #tpu.memory_space<hbm>> -> memref<112x64xf32, #tpu.memory_space<hbm>>
        %dma_wait3A_88 = arith.constant 0 : i32
        %dma_wait3A_89 = tpu.memref_slice %arg10[%add3A_69, %dma_wait3A_88] : memref<10000x64xf32, #tpu.memory_space<hbm>> -> memref<112x64xf32, #tpu.memory_space<hbm>>
        %dma_wait3A_90 = arith.constant 0 : i32
        %dma_wait3A_91 = arith.constant 0 : i32
        %dma_wait3A_92 = tpu.memref_slice %arg14[%dma_wait3A_90, %dma_wait3A_91] : memref<128x64xf32, #tpu.memory_space<vmem>> -> memref<112x64xf32, #tpu.memory_space<vmem>>
        tpu.wait_dma2 semaphore(%run_scoped3A : memref<!tpu.dma_semaphore, #tpu.memory_space<semaphore_mem>>) src(%dma_wait3A_92 : memref<112x64xf32, #tpu.memory_space<vmem>>) dst(%dma_wait3A_89 : memref<112x64xf32, #tpu.memory_space<hbm>>)
        tpu.yield
      }) : () -> ()
      %eq3A_70 = arith.constant 15 : i32
      %eq3A_71 = arith.cmpi eq, %arg1, %eq3A_70 : i32
      %convert_element_type3A_72 = arith.extui %eq3A_71 : i1 to i32
      %cond3A_73 = arith.constant 0 : i32
      %cond3A_74 = arith.cmpi ne, %convert_element_type3A_72, %cond3A_73 : i32
      scf.if %cond3A_74 {
        "tpu.region"() ({
          %run_scoped3A = tpu.sem_alloc : memref<!tpu.dma_semaphore, #tpu.memory_space<semaphore_mem>>
          %dma_start3A = arith.constant 0 : i32
          %dma_start3A_75 = arith.constant 0 : i32
          %dma_start3A_76 = tpu.memref_slice %arg14[%dma_start3A, %dma_start3A_75] : memref<128x64xf32, #tpu.memory_space<vmem>> -> memref<16x64xf32, #tpu.memory_space<vmem>>
          %dma_start3A_77 = arith.constant 9984 : i32
          %dma_start3A_78 = arith.constant 0 : i32
          %dma_start3A_79 = tpu.memref_slice %arg16[%dma_start3A_77, %dma_start3A_78] : memref<10240x64xf32, #tpu.memory_space<vmem_shared>> -> memref<16x64xf32, #tpu.memory_space<vmem_shared>>
          %dma_start3A_80 = arith.constant 0 : i32
          %dma_start3A_81 = arith.constant 0 : i32
          %dma_start3A_82 = tpu.memref_slice %arg14[%dma_start3A_80, %dma_start3A_81] : memref<128x64xf32, #tpu.memory_space<vmem>> -> memref<16x64xf32, #tpu.memory_space<vmem>>
          %dma_start3A_83 = arith.constant 9984 : i32
          %dma_start3A_84 = arith.constant 0 : i32
          %dma_start3A_85 = tpu.memref_slice %arg16[%dma_start3A_83, %dma_start3A_84] : memref<10240x64xf32, #tpu.memory_space<vmem_shared>> -> memref<16x64xf32, #tpu.memory_space<vmem_shared>>
          tpu.enqueue_dma source(%dma_start3A_85 : memref<16x64xf32, #tpu.memory_space<vmem_shared>>) target(%dma_start3A_82 : memref<16x64xf32, #tpu.memory_space<vmem>>) target_semaphore(%run_scoped3A : memref<!tpu.dma_semaphore, #tpu.memory_space<semaphore_mem>>)
          %dma_wait3A = arith.constant 0 : i32
          %dma_wait3A_86 = arith.constant 0 : i32
          %dma_wait3A_87 = tpu.memref_slice %arg14[%dma_wait3A, %dma_wait3A_86] : memref<128x64xf32, #tpu.memory_space<vmem>> -> memref<16x64xf32, #tpu.memory_space<vmem>>
          %dma_wait3A_88 = arith.constant 9984 : i32
          %dma_wait3A_89 = arith.constant 0 : i32
          %dma_wait3A_90 = tpu.memref_slice %arg16[%dma_wait3A_88, %dma_wait3A_89] : memref<10240x64xf32, #tpu.memory_space<vmem_shared>> -> memref<16x64xf32, #tpu.memory_space<vmem_shared>>
          %dma_wait3A_91 = arith.constant 0 : i32
          %dma_wait3A_92 = arith.constant 0 : i32
          %dma_wait3A_93 = tpu.memref_slice %arg14[%dma_wait3A_91, %dma_wait3A_92] : memref<128x64xf32, #tpu.memory_space<vmem>> -> memref<16x64xf32, #tpu.memory_space<vmem>>
          %dma_wait3A_94 = arith.constant 9984 : i32
          %dma_wait3A_95 = arith.constant 0 : i32
          %dma_wait3A_96 = tpu.memref_slice %arg16[%dma_wait3A_94, %dma_wait3A_95] : memref<10240x64xf32, #tpu.memory_space<vmem_shared>> -> memref<16x64xf32, #tpu.memory_space<vmem_shared>>
          tpu.wait_dma2 semaphore(%run_scoped3A : memref<!tpu.dma_semaphore, #tpu.memory_space<semaphore_mem>>) src(%dma_wait3A_96 : memref<16x64xf32, #tpu.memory_space<vmem_shared>>) dst(%dma_wait3A_93 : memref<16x64xf32, #tpu.memory_space<vmem>>)
          tpu.yield
        }) : () -> ()
        "tpu.region"() ({
          %run_scoped3A = tpu.sem_alloc : memref<!tpu.dma_semaphore, #tpu.memory_space<semaphore_mem>>
          %dma_start3A = arith.constant 0 : i32
          %dma_start3A_75 = arith.constant 0 : i32
          %dma_start3A_76 = tpu.memref_slice %arg14[%dma_start3A, %dma_start3A_75] : memref<128x64xf32, #tpu.memory_space<vmem>> -> memref<16x64xf32, #tpu.memory_space<vmem>>
          %dma_start3A_77 = arith.constant 9984 : i32
          %dma_start3A_78 = arith.constant 0 : i32
          %dma_start3A_79 = tpu.memref_slice %arg10[%dma_start3A_77, %dma_start3A_78] : memref<10000x64xf32, #tpu.memory_space<hbm>> -> memref<16x64xf32, #tpu.memory_space<hbm>>
          %dma_start3A_80 = arith.constant 9984 : i32
          %dma_start3A_81 = arith.constant 0 : i32
          %dma_start3A_82 = tpu.memref_slice %arg10[%dma_start3A_80, %dma_start3A_81] : memref<10000x64xf32, #tpu.memory_space<hbm>> -> memref<16x64xf32, #tpu.memory_space<hbm>>
          %dma_start3A_83 = arith.constant 0 : i32
          %dma_start3A_84 = arith.constant 0 : i32
          %dma_start3A_85 = tpu.memref_slice %arg14[%dma_start3A_83, %dma_start3A_84] : memref<128x64xf32, #tpu.memory_space<vmem>> -> memref<16x64xf32, #tpu.memory_space<vmem>>
          tpu.enqueue_dma source(%dma_start3A_85 : memref<16x64xf32, #tpu.memory_space<vmem>>) target(%dma_start3A_82 : memref<16x64xf32, #tpu.memory_space<hbm>>) target_semaphore(%run_scoped3A : memref<!tpu.dma_semaphore, #tpu.memory_space<semaphore_mem>>)
          %dma_wait3A = arith.constant 0 : i32
          %dma_wait3A_86 = arith.constant 0 : i32
          %dma_wait3A_87 = tpu.memref_slice %arg14[%dma_wait3A, %dma_wait3A_86] : memref<128x64xf32, #tpu.memory_space<vmem>> -> memref<16x64xf32, #tpu.memory_space<vmem>>
          %dma_wait3A_88 = arith.constant 9984 : i32
          %dma_wait3A_89 = arith.constant 0 : i32
          %dma_wait3A_90 = tpu.memref_slice %arg10[%dma_wait3A_88, %dma_wait3A_89] : memref<10000x64xf32, #tpu.memory_space<hbm>> -> memref<16x64xf32, #tpu.memory_space<hbm>>
          %dma_wait3A_91 = arith.constant 9984 : i32
          %dma_wait3A_92 = arith.constant 0 : i32
          %dma_wait3A_93 = tpu.memref_slice %arg10[%dma_wait3A_91, %dma_wait3A_92] : memref<10000x64xf32, #tpu.memory_space<hbm>> -> memref<16x64xf32, #tpu.memory_space<hbm>>
          %dma_wait3A_94 = arith.constant 0 : i32
          %dma_wait3A_95 = arith.constant 0 : i32
          %dma_wait3A_96 = tpu.memref_slice %arg14[%dma_wait3A_94, %dma_wait3A_95] : memref<128x64xf32, #tpu.memory_space<vmem>> -> memref<16x64xf32, #tpu.memory_space<vmem>>
          tpu.wait_dma2 semaphore(%run_scoped3A : memref<!tpu.dma_semaphore, #tpu.memory_space<semaphore_mem>>) src(%dma_wait3A_96 : memref<16x64xf32, #tpu.memory_space<vmem>>) dst(%dma_wait3A_93 : memref<16x64xf32, #tpu.memory_space<hbm>>)
          tpu.yield
        }) : () -> ()
      } else {
      }
    } else {
    }
    %eq3A_57 = arith.constant 1 : i32
    %eq3A_58 = arith.cmpi eq, %arg0, %eq3A_57 : i32
    %convert_element_type3A_59 = arith.extui %eq3A_58 : i1 to i32
    %cond3A_60 = arith.constant 0 : i32
    %cond3A_61 = arith.cmpi ne, %convert_element_type3A_59, %cond3A_60 : i32
    scf.if %cond3A_61 {
      %mul3A_62 = arith.constant 624 : i32
      %mul3A_63 = arith.muli %arg1, %mul3A_62 : i32
      %scan3A_64 = arith.constant 0 : i32
      %scan3A_65 = arith.constant 4 : i32
      %scan3A_66 = arith.addi %scan3A_64, %scan3A_65 : i32
      %scan3A_67 = arith.constant 1 : i32
      scf.for %scan3A_75 = %scan3A_64 to %scan3A_66 step %scan3A_67  : i32 {
        %mul3A_76 = arith.constant 1 : i32
        %mul3A_77 = arith.muli %scan3A_75, %mul3A_76 : i32
        %add3A_78 = arith.constant 0 : i32
        %add3A_79 = arith.addi %add3A_78, %mul3A_77 : i32
        %mul3A_80 = arith.constant 128 : i32
        %mul3A_81 = arith.muli %add3A_79, %mul3A_80 : i32
        %add3A_82 = arith.addi %mul3A_63, %mul3A_81 : i32
        "tpu.region"() ({
          %run_scoped3A = tpu.sem_alloc : memref<!tpu.dma_semaphore, #tpu.memory_space<semaphore_mem>>
          %dma_start3A = arith.constant 0 : i32
          %dma_start3A_83 = arith.constant 0 : i32
          %dma_start3A_84 = tpu.memref_slice %arg14[%dma_start3A, %dma_start3A_83] : memref<128x64xf32, #tpu.memory_space<vmem>> -> memref<128x64xf32, #tpu.memory_space<vmem>>
          %dma_start3A_85 = arith.constant 0 : i32
          %dma_start3A_86 = tpu.memref_slice %arg16[%add3A_82, %dma_start3A_85] : memref<10240x64xf32, #tpu.memory_space<vmem_shared>> -> memref<128x64xf32, #tpu.memory_space<vmem_shared>>
          %dma_start3A_87 = arith.constant 0 : i32
          %dma_start3A_88 = arith.constant 0 : i32
          %dma_start3A_89 = tpu.memref_slice %arg14[%dma_start3A_87, %dma_start3A_88] : memref<128x64xf32, #tpu.memory_space<vmem>> -> memref<128x64xf32, #tpu.memory_space<vmem>>
          %dma_start3A_90 = arith.constant 0 : i32
          %dma_start3A_91 = tpu.memref_slice %arg16[%add3A_82, %dma_start3A_90] : memref<10240x64xf32, #tpu.memory_space<vmem_shared>> -> memref<128x64xf32, #tpu.memory_space<vmem_shared>>
          tpu.enqueue_dma source(%dma_start3A_91 : memref<128x64xf32, #tpu.memory_space<vmem_shared>>) target(%dma_start3A_89 : memref<128x64xf32, #tpu.memory_space<vmem>>) target_semaphore(%run_scoped3A : memref<!tpu.dma_semaphore, #tpu.memory_space<semaphore_mem>>)
          %dma_wait3A = arith.constant 0 : i32
          %dma_wait3A_92 = arith.constant 0 : i32
          %dma_wait3A_93 = tpu.memref_slice %arg14[%dma_wait3A, %dma_wait3A_92] : memref<128x64xf32, #tpu.memory_space<vmem>> -> memref<128x64xf32, #tpu.memory_space<vmem>>
          %dma_wait3A_94 = arith.constant 0 : i32
          %dma_wait3A_95 = tpu.memref_slice %arg16[%add3A_82, %dma_wait3A_94] : memref<10240x64xf32, #tpu.memory_space<vmem_shared>> -> memref<128x64xf32, #tpu.memory_space<vmem_shared>>
          %dma_wait3A_96 = arith.constant 0 : i32
          %dma_wait3A_97 = arith.constant 0 : i32
          %dma_wait3A_98 = tpu.memref_slice %arg14[%dma_wait3A_96, %dma_wait3A_97] : memref<128x64xf32, #tpu.memory_space<vmem>> -> memref<128x64xf32, #tpu.memory_space<vmem>>
          %dma_wait3A_99 = arith.constant 0 : i32
          %dma_wait3A_100 = tpu.memref_slice %arg16[%add3A_82, %dma_wait3A_99] : memref<10240x64xf32, #tpu.memory_space<vmem_shared>> -> memref<128x64xf32, #tpu.memory_space<vmem_shared>>
          tpu.wait_dma2 semaphore(%run_scoped3A : memref<!tpu.dma_semaphore, #tpu.memory_space<semaphore_mem>>) src(%dma_wait3A_100 : memref<128x64xf32, #tpu.memory_space<vmem_shared>>) dst(%dma_wait3A_98 : memref<128x64xf32, #tpu.memory_space<vmem>>)
          tpu.yield
        }) : () -> ()
        "tpu.region"() ({
          %run_scoped3A = tpu.sem_alloc : memref<!tpu.dma_semaphore, #tpu.memory_space<semaphore_mem>>
          %dma_start3A = arith.constant 0 : i32
          %dma_start3A_83 = arith.constant 0 : i32
          %dma_start3A_84 = tpu.memref_slice %arg14[%dma_start3A, %dma_start3A_83] : memref<128x64xf32, #tpu.memory_space<vmem>> -> memref<128x64xf32, #tpu.memory_space<vmem>>
          %dma_start3A_85 = arith.constant 0 : i32
          %dma_start3A_86 = tpu.memref_slice %arg11[%add3A_82, %dma_start3A_85] : memref<10000x64xf32, #tpu.memory_space<hbm>> -> memref<128x64xf32, #tpu.memory_space<hbm>>
          %dma_start3A_87 = arith.constant 0 : i32
          %dma_start3A_88 = tpu.memref_slice %arg11[%add3A_82, %dma_start3A_87] : memref<10000x64xf32, #tpu.memory_space<hbm>> -> memref<128x64xf32, #tpu.memory_space<hbm>>
          %dma_start3A_89 = arith.constant 0 : i32
          %dma_start3A_90 = arith.constant 0 : i32
          %dma_start3A_91 = tpu.memref_slice %arg14[%dma_start3A_89, %dma_start3A_90] : memref<128x64xf32, #tpu.memory_space<vmem>> -> memref<128x64xf32, #tpu.memory_space<vmem>>
          tpu.enqueue_dma source(%dma_start3A_91 : memref<128x64xf32, #tpu.memory_space<vmem>>) target(%dma_start3A_88 : memref<128x64xf32, #tpu.memory_space<hbm>>) target_semaphore(%run_scoped3A : memref<!tpu.dma_semaphore, #tpu.memory_space<semaphore_mem>>)
          %dma_wait3A = arith.constant 0 : i32
          %dma_wait3A_92 = arith.constant 0 : i32
          %dma_wait3A_93 = tpu.memref_slice %arg14[%dma_wait3A, %dma_wait3A_92] : memref<128x64xf32, #tpu.memory_space<vmem>> -> memref<128x64xf32, #tpu.memory_space<vmem>>
          %dma_wait3A_94 = arith.constant 0 : i32
          %dma_wait3A_95 = tpu.memref_slice %arg11[%add3A_82, %dma_wait3A_94] : memref<10000x64xf32, #tpu.memory_space<hbm>> -> memref<128x64xf32, #tpu.memory_space<hbm>>
          %dma_wait3A_96 = arith.constant 0 : i32
          %dma_wait3A_97 = tpu.memref_slice %arg11[%add3A_82, %dma_wait3A_96] : memref<10000x64xf32, #tpu.memory_space<hbm>> -> memref<128x64xf32, #tpu.memory_space<hbm>>
          %dma_wait3A_98 = arith.constant 0 : i32
          %dma_wait3A_99 = arith.constant 0 : i32
          %dma_wait3A_100 = tpu.memref_slice %arg14[%dma_wait3A_98, %dma_wait3A_99] : memref<128x64xf32, #tpu.memory_space<vmem>> -> memref<128x64xf32, #tpu.memory_space<vmem>>
          tpu.wait_dma2 semaphore(%run_scoped3A : memref<!tpu.dma_semaphore, #tpu.memory_space<semaphore_mem>>) src(%dma_wait3A_100 : memref<128x64xf32, #tpu.memory_space<vmem>>) dst(%dma_wait3A_97 : memref<128x64xf32, #tpu.memory_space<hbm>>)
          tpu.yield
        }) : () -> ()
      }
      %scan3A_68 = arith.constant 4 : i32
      %add3A = arith.constant 512 : i32
      %add3A_69 = arith.addi %mul3A_63, %add3A : i32
      "tpu.region"() ({
        %run_scoped3A = tpu.sem_alloc : memref<!tpu.dma_semaphore, #tpu.memory_space<semaphore_mem>>
        %dma_start3A = arith.constant 0 : i32
        %dma_start3A_75 = arith.constant 0 : i32
        %dma_start3A_76 = tpu.memref_slice %arg14[%dma_start3A, %dma_start3A_75] : memref<128x64xf32, #tpu.memory_space<vmem>> -> memref<112x64xf32, #tpu.memory_space<vmem>>
        %dma_start3A_77 = arith.constant 0 : i32
        %dma_start3A_78 = tpu.memref_slice %arg16[%add3A_69, %dma_start3A_77] : memref<10240x64xf32, #tpu.memory_space<vmem_shared>> -> memref<112x64xf32, #tpu.memory_space<vmem_shared>>
        %dma_start3A_79 = arith.constant 0 : i32
        %dma_start3A_80 = arith.constant 0 : i32
        %dma_start3A_81 = tpu.memref_slice %arg14[%dma_start3A_79, %dma_start3A_80] : memref<128x64xf32, #tpu.memory_space<vmem>> -> memref<112x64xf32, #tpu.memory_space<vmem>>
        %dma_start3A_82 = arith.constant 0 : i32
        %dma_start3A_83 = tpu.memref_slice %arg16[%add3A_69, %dma_start3A_82] : memref<10240x64xf32, #tpu.memory_space<vmem_shared>> -> memref<112x64xf32, #tpu.memory_space<vmem_shared>>
        tpu.enqueue_dma source(%dma_start3A_83 : memref<112x64xf32, #tpu.memory_space<vmem_shared>>) target(%dma_start3A_81 : memref<112x64xf32, #tpu.memory_space<vmem>>) target_semaphore(%run_scoped3A : memref<!tpu.dma_semaphore, #tpu.memory_space<semaphore_mem>>)
        %dma_wait3A = arith.constant 0 : i32
        %dma_wait3A_84 = arith.constant 0 : i32
        %dma_wait3A_85 = tpu.memref_slice %arg14[%dma_wait3A, %dma_wait3A_84] : memref<128x64xf32, #tpu.memory_space<vmem>> -> memref<112x64xf32, #tpu.memory_space<vmem>>
        %dma_wait3A_86 = arith.constant 0 : i32
        %dma_wait3A_87 = tpu.memref_slice %arg16[%add3A_69, %dma_wait3A_86] : memref<10240x64xf32, #tpu.memory_space<vmem_shared>> -> memref<112x64xf32, #tpu.memory_space<vmem_shared>>
        %dma_wait3A_88 = arith.constant 0 : i32
        %dma_wait3A_89 = arith.constant 0 : i32
        %dma_wait3A_90 = tpu.memref_slice %arg14[%dma_wait3A_88, %dma_wait3A_89] : memref<128x64xf32, #tpu.memory_space<vmem>> -> memref<112x64xf32, #tpu.memory_space<vmem>>
        %dma_wait3A_91 = arith.constant 0 : i32
        %dma_wait3A_92 = tpu.memref_slice %arg16[%add3A_69, %dma_wait3A_91] : memref<10240x64xf32, #tpu.memory_space<vmem_shared>> -> memref<112x64xf32, #tpu.memory_space<vmem_shared>>
        tpu.wait_dma2 semaphore(%run_scoped3A : memref<!tpu.dma_semaphore, #tpu.memory_space<semaphore_mem>>) src(%dma_wait3A_92 : memref<112x64xf32, #tpu.memory_space<vmem_shared>>) dst(%dma_wait3A_90 : memref<112x64xf32, #tpu.memory_space<vmem>>)
        tpu.yield
      }) : () -> ()
      "tpu.region"() ({
        %run_scoped3A = tpu.sem_alloc : memref<!tpu.dma_semaphore, #tpu.memory_space<semaphore_mem>>
        %dma_start3A = arith.constant 0 : i32
        %dma_start3A_75 = arith.constant 0 : i32
        %dma_start3A_76 = tpu.memref_slice %arg14[%dma_start3A, %dma_start3A_75] : memref<128x64xf32, #tpu.memory_space<vmem>> -> memref<112x64xf32, #tpu.memory_space<vmem>>
        %dma_start3A_77 = arith.constant 0 : i32
        %dma_start3A_78 = tpu.memref_slice %arg11[%add3A_69, %dma_start3A_77] : memref<10000x64xf32, #tpu.memory_space<hbm>> -> memref<112x64xf32, #tpu.memory_space<hbm>>
        %dma_start3A_79 = arith.constant 0 : i32
        %dma_start3A_80 = tpu.memref_slice %arg11[%add3A_69, %dma_start3A_79] : memref<10000x64xf32, #tpu.memory_space<hbm>> -> memref<112x64xf32, #tpu.memory_space<hbm>>
        %dma_start3A_81 = arith.constant 0 : i32
        %dma_start3A_82 = arith.constant 0 : i32
        %dma_start3A_83 = tpu.memref_slice %arg14[%dma_start3A_81, %dma_start3A_82] : memref<128x64xf32, #tpu.memory_space<vmem>> -> memref<112x64xf32, #tpu.memory_space<vmem>>
        tpu.enqueue_dma source(%dma_start3A_83 : memref<112x64xf32, #tpu.memory_space<vmem>>) target(%dma_start3A_80 : memref<112x64xf32, #tpu.memory_space<hbm>>) target_semaphore(%run_scoped3A : memref<!tpu.dma_semaphore, #tpu.memory_space<semaphore_mem>>)
        %dma_wait3A = arith.constant 0 : i32
        %dma_wait3A_84 = arith.constant 0 : i32
        %dma_wait3A_85 = tpu.memref_slice %arg14[%dma_wait3A, %dma_wait3A_84] : memref<128x64xf32, #tpu.memory_space<vmem>> -> memref<112x64xf32, #tpu.memory_space<vmem>>
        %dma_wait3A_86 = arith.constant 0 : i32
        %dma_wait3A_87 = tpu.memref_slice %arg11[%add3A_69, %dma_wait3A_86] : memref<10000x64xf32, #tpu.memory_space<hbm>> -> memref<112x64xf32, #tpu.memory_space<hbm>>
        %dma_wait3A_88 = arith.constant 0 : i32
        %dma_wait3A_89 = tpu.memref_slice %arg11[%add3A_69, %dma_wait3A_88] : memref<10000x64xf32, #tpu.memory_space<hbm>> -> memref<112x64xf32, #tpu.memory_space<hbm>>
        %dma_wait3A_90 = arith.constant 0 : i32
        %dma_wait3A_91 = arith.constant 0 : i32
        %dma_wait3A_92 = tpu.memref_slice %arg14[%dma_wait3A_90, %dma_wait3A_91] : memref<128x64xf32, #tpu.memory_space<vmem>> -> memref<112x64xf32, #tpu.memory_space<vmem>>
        tpu.wait_dma2 semaphore(%run_scoped3A : memref<!tpu.dma_semaphore, #tpu.memory_space<semaphore_mem>>) src(%dma_wait3A_92 : memref<112x64xf32, #tpu.memory_space<vmem>>) dst(%dma_wait3A_89 : memref<112x64xf32, #tpu.memory_space<hbm>>)
        tpu.yield
      }) : () -> ()
      %eq3A_70 = arith.constant 15 : i32
      %eq3A_71 = arith.cmpi eq, %arg1, %eq3A_70 : i32
      %convert_element_type3A_72 = arith.extui %eq3A_71 : i1 to i32
      %cond3A_73 = arith.constant 0 : i32
      %cond3A_74 = arith.cmpi ne, %convert_element_type3A_72, %cond3A_73 : i32
      scf.if %cond3A_74 {
        "tpu.region"() ({
          %run_scoped3A = tpu.sem_alloc : memref<!tpu.dma_semaphore, #tpu.memory_space<semaphore_mem>>
          %dma_start3A = arith.constant 0 : i32
          %dma_start3A_75 = arith.constant 0 : i32
          %dma_start3A_76 = tpu.memref_slice %arg14[%dma_start3A, %dma_start3A_75] : memref<128x64xf32, #tpu.memory_space<vmem>> -> memref<16x64xf32, #tpu.memory_space<vmem>>
          %dma_start3A_77 = arith.constant 9984 : i32
          %dma_start3A_78 = arith.constant 0 : i32
          %dma_start3A_79 = tpu.memref_slice %arg16[%dma_start3A_77, %dma_start3A_78] : memref<10240x64xf32, #tpu.memory_space<vmem_shared>> -> memref<16x64xf32, #tpu.memory_space<vmem_shared>>
          %dma_start3A_80 = arith.constant 0 : i32
          %dma_start3A_81 = arith.constant 0 : i32
          %dma_start3A_82 = tpu.memref_slice %arg14[%dma_start3A_80, %dma_start3A_81] : memref<128x64xf32, #tpu.memory_space<vmem>> -> memref<16x64xf32, #tpu.memory_space<vmem>>
          %dma_start3A_83 = arith.constant 9984 : i32
          %dma_start3A_84 = arith.constant 0 : i32
          %dma_start3A_85 = tpu.memref_slice %arg16[%dma_start3A_83, %dma_start3A_84] : memref<10240x64xf32, #tpu.memory_space<vmem_shared>> -> memref<16x64xf32, #tpu.memory_space<vmem_shared>>
          tpu.enqueue_dma source(%dma_start3A_85 : memref<16x64xf32, #tpu.memory_space<vmem_shared>>) target(%dma_start3A_82 : memref<16x64xf32, #tpu.memory_space<vmem>>) target_semaphore(%run_scoped3A : memref<!tpu.dma_semaphore, #tpu.memory_space<semaphore_mem>>)
          %dma_wait3A = arith.constant 0 : i32
          %dma_wait3A_86 = arith.constant 0 : i32
          %dma_wait3A_87 = tpu.memref_slice %arg14[%dma_wait3A, %dma_wait3A_86] : memref<128x64xf32, #tpu.memory_space<vmem>> -> memref<16x64xf32, #tpu.memory_space<vmem>>
          %dma_wait3A_88 = arith.constant 9984 : i32
          %dma_wait3A_89 = arith.constant 0 : i32
          %dma_wait3A_90 = tpu.memref_slice %arg16[%dma_wait3A_88, %dma_wait3A_89] : memref<10240x64xf32, #tpu.memory_space<vmem_shared>> -> memref<16x64xf32, #tpu.memory_space<vmem_shared>>
          %dma_wait3A_91 = arith.constant 0 : i32
          %dma_wait3A_92 = arith.constant 0 : i32
          %dma_wait3A_93 = tpu.memref_slice %arg14[%dma_wait3A_91, %dma_wait3A_92] : memref<128x64xf32, #tpu.memory_space<vmem>> -> memref<16x64xf32, #tpu.memory_space<vmem>>
          %dma_wait3A_94 = arith.constant 9984 : i32
          %dma_wait3A_95 = arith.constant 0 : i32
          %dma_wait3A_96 = tpu.memref_slice %arg16[%dma_wait3A_94, %dma_wait3A_95] : memref<10240x64xf32, #tpu.memory_space<vmem_shared>> -> memref<16x64xf32, #tpu.memory_space<vmem_shared>>
          tpu.wait_dma2 semaphore(%run_scoped3A : memref<!tpu.dma_semaphore, #tpu.memory_space<semaphore_mem>>) src(%dma_wait3A_96 : memref<16x64xf32, #tpu.memory_space<vmem_shared>>) dst(%dma_wait3A_93 : memref<16x64xf32, #tpu.memory_space<vmem>>)
          tpu.yield
        }) : () -> ()
        "tpu.region"() ({
          %run_scoped3A = tpu.sem_alloc : memref<!tpu.dma_semaphore, #tpu.memory_space<semaphore_mem>>
          %dma_start3A = arith.constant 0 : i32
          %dma_start3A_75 = arith.constant 0 : i32
          %dma_start3A_76 = tpu.memref_slice %arg14[%dma_start3A, %dma_start3A_75] : memref<128x64xf32, #tpu.memory_space<vmem>> -> memref<16x64xf32, #tpu.memory_space<vmem>>
          %dma_start3A_77 = arith.constant 9984 : i32
          %dma_start3A_78 = arith.constant 0 : i32
          %dma_start3A_79 = tpu.memref_slice %arg11[%dma_start3A_77, %dma_start3A_78] : memref<10000x64xf32, #tpu.memory_space<hbm>> -> memref<16x64xf32, #tpu.memory_space<hbm>>
          %dma_start3A_80 = arith.constant 9984 : i32
          %dma_start3A_81 = arith.constant 0 : i32
          %dma_start3A_82 = tpu.memref_slice %arg11[%dma_start3A_80, %dma_start3A_81] : memref<10000x64xf32, #tpu.memory_space<hbm>> -> memref<16x64xf32, #tpu.memory_space<hbm>>
          %dma_start3A_83 = arith.constant 0 : i32
          %dma_start3A_84 = arith.constant 0 : i32
          %dma_start3A_85 = tpu.memref_slice %arg14[%dma_start3A_83, %dma_start3A_84] : memref<128x64xf32, #tpu.memory_space<vmem>> -> memref<16x64xf32, #tpu.memory_space<vmem>>
          tpu.enqueue_dma source(%dma_start3A_85 : memref<16x64xf32, #tpu.memory_space<vmem>>) target(%dma_start3A_82 : memref<16x64xf32, #tpu.memory_space<hbm>>) target_semaphore(%run_scoped3A : memref<!tpu.dma_semaphore, #tpu.memory_space<semaphore_mem>>)
          %dma_wait3A = arith.constant 0 : i32
          %dma_wait3A_86 = arith.constant 0 : i32
          %dma_wait3A_87 = tpu.memref_slice %arg14[%dma_wait3A, %dma_wait3A_86] : memref<128x64xf32, #tpu.memory_space<vmem>> -> memref<16x64xf32, #tpu.memory_space<vmem>>
          %dma_wait3A_88 = arith.constant 9984 : i32
          %dma_wait3A_89 = arith.constant 0 : i32
          %dma_wait3A_90 = tpu.memref_slice %arg11[%dma_wait3A_88, %dma_wait3A_89] : memref<10000x64xf32, #tpu.memory_space<hbm>> -> memref<16x64xf32, #tpu.memory_space<hbm>>
          %dma_wait3A_91 = arith.constant 9984 : i32
          %dma_wait3A_92 = arith.constant 0 : i32
          %dma_wait3A_93 = tpu.memref_slice %arg11[%dma_wait3A_91, %dma_wait3A_92] : memref<10000x64xf32, #tpu.memory_space<hbm>> -> memref<16x64xf32, #tpu.memory_space<hbm>>
          %dma_wait3A_94 = arith.constant 0 : i32
          %dma_wait3A_95 = arith.constant 0 : i32
          %dma_wait3A_96 = tpu.memref_slice %arg14[%dma_wait3A_94, %dma_wait3A_95] : memref<128x64xf32, #tpu.memory_space<vmem>> -> memref<16x64xf32, #tpu.memory_space<vmem>>
          tpu.wait_dma2 semaphore(%run_scoped3A : memref<!tpu.dma_semaphore, #tpu.memory_space<semaphore_mem>>) src(%dma_wait3A_96 : memref<16x64xf32, #tpu.memory_space<vmem>>) dst(%dma_wait3A_93 : memref<16x64xf32, #tpu.memory_space<hbm>>)
          tpu.yield
        }) : () -> ()
      } else {
      }
    } else {
    }
    return
  }
}

module attributes {stable_mosaic.version = 14 : i64} {
  func.func @body(%arg0: i32, %arg1: memref<2000x128xf32, #tpu.memory_space<vmem>>, %arg2: memref<128x128xf32, #tpu.memory_space<vmem>>, %arg3: memref<128x128xf32, #tpu.memory_space<vmem>>, %arg4: memref<2000x16xf32, #tpu.memory_space<vmem>>, %arg5: memref<2000x16xf32, #tpu.memory_space<vmem>>, %arg6: memref<1000x128xf32, #tpu.memory_space<vmem>>, %arg7: memref<1000x128xf32, #tpu.memory_space<vmem>>, %arg8: memref<1000x128xf32, #tpu.memory_space<vmem>>, %arg9: memref<1000x128xf32, #tpu.memory_space<vmem>>) attributes {dimension_semantics = [#tpu.dimension_semantics<arbitrary>], iteration_bounds = array<i64: 5>, scalar_prefetch = 0 : i64, scratch_operands = 0 : i64, tpu.core_type = #tpu.core_type<tc>, window_params = [{transform_indices = @transform_0, window_bounds = array<i64: 2000, 128>}, {pipeline_mode = #tpu.pipeline_mode<synchronous>, transform_indices = @transform_1, window_bounds = array<i64: 128, 128>}, {pipeline_mode = #tpu.pipeline_mode<synchronous>, transform_indices = @transform_2, window_bounds = array<i64: 128, 128>}, {transform_indices = @transform_3, window_bounds = array<i64: 2000, 16>}, {transform_indices = @transform_4, window_bounds = array<i64: 2000, 16>}, {transform_indices = @transform_5, window_bounds = array<i64: 1000, 128>}, {transform_indices = @transform_6, window_bounds = array<i64: 1000, 128>}, {transform_indices = @transform_7, window_bounds = array<i64: 1000, 128>}, {transform_indices = @transform_8, window_bounds = array<i64: 1000, 128>}]} {
    %get3A = arith.constant 0 : index
    %get3A_0 = arith.constant 0 : index
    %get3A_1 = vector.load %arg1[%get3A, %get3A_0] : memref<2000x128xf32, #tpu.memory_space<vmem>>, vector<2000x128xf32>
    %get3A_2 = arith.constant 0 : index
    %get3A_3 = arith.constant 0 : index
    %get3A_4 = vector.load %arg4[%get3A_2, %get3A_3] : memref<2000x16xf32, #tpu.memory_space<vmem>>, vector<2000x1xf32>
    %gt3A = arith.constant 0.000000e+00 : f32
    %gt3A_5 = vector.broadcast %gt3A : f32 to vector<2000x1xf32>
    %gt3A_6 = arith.cmpf ogt, %get3A_4, %gt3A_5 : vector<2000x1xf32>
    %max3A = arith.constant 9.99999996E-13 : f32
    %max3A_7 = vector.broadcast %max3A : f32 to vector<2000x1xf32>
    %max3A_8 = arith.maximumf %get3A_4, %max3A_7 : vector<2000x1xf32>
    %rsqrt3A = math.rsqrt %max3A_8 : vector<2000x1xf32>
    %jit3A = arith.constant 0.000000e+00 : f32
    %broadcast_in_dim3A = vector.broadcast %jit3A : f32 to vector<2000x1xf32>
    %select_n3A = arith.select %gt3A_6, %rsqrt3A, %broadcast_in_dim3A : vector<2000x1xi1>, vector<2000x1xf32>
    %get3A_9 = arith.constant 0 : index
    %get3A_10 = arith.constant 0 : index
    %get3A_11 = vector.load %arg5[%get3A_9, %get3A_10] : memref<2000x16xf32, #tpu.memory_space<vmem>>, vector<2000x1xf32>
    %gt3A_12 = arith.constant 0.000000e+00 : f32
    %gt3A_13 = vector.broadcast %gt3A_12 : f32 to vector<2000x1xf32>
    %gt3A_14 = arith.cmpf ogt, %get3A_11, %gt3A_13 : vector<2000x1xf32>
    %max3A_15 = arith.constant 9.99999996E-13 : f32
    %max3A_16 = vector.broadcast %max3A_15 : f32 to vector<2000x1xf32>
    %max3A_17 = arith.maximumf %get3A_11, %max3A_16 : vector<2000x1xf32>
    %rsqrt3A_18 = math.rsqrt %max3A_17 : vector<2000x1xf32>
    %jit3A_19 = arith.constant 0.000000e+00 : f32
    %broadcast_in_dim3A_20 = vector.broadcast %jit3A_19 : f32 to vector<2000x1xf32>
    %select_n3A_21 = arith.select %gt3A_14, %rsqrt3A_18, %broadcast_in_dim3A_20 : vector<2000x1xi1>, vector<2000x1xf32>
    %mul3A = arith.constant 5.000000e-01 : f32
    %mul3A_22 = vector.broadcast %mul3A : f32 to vector<2000x1xf32>
    %mul3A_23 = arith.mulf %mul3A_22, %select_n3A : vector<2000x1xf32>
    %get3A_24 = arith.constant 0 : index
    %get3A_25 = arith.constant 0 : index
    %get3A_26 = vector.load %arg2[%get3A_24, %get3A_25] : memref<128x128xf32, #tpu.memory_space<vmem>>, vector<128x128xf32>
    %dot_general3A = arith.constant dense<0.000000e+00> : vector<2000x128xf32>
    %dot_general3A_27 = tpu.matmul %get3A_1, %get3A_26, %dot_general3A {dimension_numbers = #tpu.dot_dimension_numbers<[1], [1], [0], [0], [0, 0, 1, 0], [], []>, transpose_lhs_hint = false} : vector<2000x128xf32>, vector<128x128xf32>, vector<2000x128xf32> -> vector<2000x128xf32>
    %mul3A_28 = vector.broadcast %mul3A_23 : vector<2000x1xf32> to vector<2000x128xf32>
    %mul3A_29 = arith.mulf %mul3A_28, %dot_general3A_27 : vector<2000x128xf32>
    %mul3A_30 = arith.constant 5.000000e-01 : f32
    %mul3A_31 = vector.broadcast %mul3A_30 : f32 to vector<2000x1xf32>
    %mul3A_32 = arith.mulf %mul3A_31, %select_n3A_21 : vector<2000x1xf32>
    %get3A_33 = arith.constant 0 : index
    %get3A_34 = arith.constant 0 : index
    %get3A_35 = vector.load %arg3[%get3A_33, %get3A_34] : memref<128x128xf32, #tpu.memory_space<vmem>>, vector<128x128xf32>
    %dot_general3A_36 = arith.constant dense<0.000000e+00> : vector<2000x128xf32>
    %dot_general3A_37 = tpu.matmul %get3A_1, %get3A_35, %dot_general3A_36 {dimension_numbers = #tpu.dot_dimension_numbers<[1], [1], [0], [0], [0, 0, 1, 0], [], []>, transpose_lhs_hint = false} : vector<2000x128xf32>, vector<128x128xf32>, vector<2000x128xf32> -> vector<2000x128xf32>
    %mul3A_38 = vector.broadcast %mul3A_32 : vector<2000x1xf32> to vector<2000x128xf32>
    %mul3A_39 = arith.mulf %mul3A_38, %dot_general3A_37 : vector<2000x128xf32>
    %reshape3A = vector.shape_cast %mul3A_29 : vector<2000x128xf32> to vector<1000x2x128xf32>
    %reshape3A_40 = vector.shape_cast %mul3A_39 : vector<2000x128xf32> to vector<1000x2x128xf32>
    %slice3A = vector.extract_strided_slice %reshape3A {offsets = [0, 0, 0], sizes = [1000, 1, 64], strides = [1, 1, 1]} : vector<1000x2x128xf32> to vector<1000x1x64xf32>
    %squeeze3A = vector.shape_cast %slice3A : vector<1000x1x64xf32> to vector<1000x64xf32>
    %slice3A_41 = vector.extract_strided_slice %reshape3A {offsets = [0, 1, 0], sizes = [1000, 1, 64], strides = [1, 1, 1]} : vector<1000x2x128xf32> to vector<1000x1x64xf32>
    %squeeze3A_42 = vector.shape_cast %slice3A_41 : vector<1000x1x64xf32> to vector<1000x64xf32>
    %concatenate3A = tpu.concatenate %squeeze3A, %squeeze3A_42 in 1 : vector<1000x64xf32>, vector<1000x64xf32> -> vector<1000x128xf32>
    %swap3A = arith.constant 0 : index
    %swap3A_43 = arith.constant 0 : index
    %swap3A_44 = vector.load %arg6[%swap3A, %swap3A_43] : memref<1000x128xf32, #tpu.memory_space<vmem>>, vector<1000x128xf32>
    tpu.vector_store %arg6[%swap3A, %swap3A_43], %concatenate3A {strides = array<i32>} : memref<1000x128xf32, #tpu.memory_space<vmem>>, vector<1000x128xf32>,
    %slice3A_45 = vector.extract_strided_slice %reshape3A {offsets = [0, 0, 64], sizes = [1000, 1, 64], strides = [1, 1, 1]} : vector<1000x2x128xf32> to vector<1000x1x64xf32>
    %squeeze3A_46 = vector.shape_cast %slice3A_45 : vector<1000x1x64xf32> to vector<1000x64xf32>
    %slice3A_47 = vector.extract_strided_slice %reshape3A {offsets = [0, 1, 64], sizes = [1000, 1, 64], strides = [1, 1, 1]} : vector<1000x2x128xf32> to vector<1000x1x64xf32>
    %squeeze3A_48 = vector.shape_cast %slice3A_47 : vector<1000x1x64xf32> to vector<1000x64xf32>
    %concatenate3A_49 = tpu.concatenate %squeeze3A_46, %squeeze3A_48 in 1 : vector<1000x64xf32>, vector<1000x64xf32> -> vector<1000x128xf32>
    %swap3A_50 = arith.constant 0 : index
    %swap3A_51 = arith.constant 0 : index
    %swap3A_52 = vector.load %arg7[%swap3A_50, %swap3A_51] : memref<1000x128xf32, #tpu.memory_space<vmem>>, vector<1000x128xf32>
    tpu.vector_store %arg7[%swap3A_50, %swap3A_51], %concatenate3A_49 {strides = array<i32>} : memref<1000x128xf32, #tpu.memory_space<vmem>>, vector<1000x128xf32>,
    %slice3A_53 = vector.extract_strided_slice %reshape3A_40 {offsets = [0, 0, 0], sizes = [1000, 1, 64], strides = [1, 1, 1]} : vector<1000x2x128xf32> to vector<1000x1x64xf32>
    %squeeze3A_54 = vector.shape_cast %slice3A_53 : vector<1000x1x64xf32> to vector<1000x64xf32>
    %slice3A_55 = vector.extract_strided_slice %reshape3A_40 {offsets = [0, 1, 0], sizes = [1000, 1, 64], strides = [1, 1, 1]} : vector<1000x2x128xf32> to vector<1000x1x64xf32>
    %squeeze3A_56 = vector.shape_cast %slice3A_55 : vector<1000x1x64xf32> to vector<1000x64xf32>
    %concatenate3A_57 = tpu.concatenate %squeeze3A_54, %squeeze3A_56 in 1 : vector<1000x64xf32>, vector<1000x64xf32> -> vector<1000x128xf32>
    %swap3A_58 = arith.constant 0 : index
    %swap3A_59 = arith.constant 0 : index
    %swap3A_60 = vector.load %arg8[%swap3A_58, %swap3A_59] : memref<1000x128xf32, #tpu.memory_space<vmem>>, vector<1000x128xf32>
    tpu.vector_store %arg8[%swap3A_58, %swap3A_59], %concatenate3A_57 {strides = array<i32>} : memref<1000x128xf32, #tpu.memory_space<vmem>>, vector<1000x128xf32>,
    %slice3A_61 = vector.extract_strided_slice %reshape3A_40 {offsets = [0, 0, 64], sizes = [1000, 1, 64], strides = [1, 1, 1]} : vector<1000x2x128xf32> to vector<1000x1x64xf32>
    %squeeze3A_62 = vector.shape_cast %slice3A_61 : vector<1000x1x64xf32> to vector<1000x64xf32>
    %slice3A_63 = vector.extract_strided_slice %reshape3A_40 {offsets = [0, 1, 64], sizes = [1000, 1, 64], strides = [1, 1, 1]} : vector<1000x2x128xf32> to vector<1000x1x64xf32>
    %squeeze3A_64 = vector.shape_cast %slice3A_63 : vector<1000x1x64xf32> to vector<1000x64xf32>
    %concatenate3A_65 = tpu.concatenate %squeeze3A_62, %squeeze3A_64 in 1 : vector<1000x64xf32>, vector<1000x64xf32> -> vector<1000x128xf32>
    %swap3A_66 = arith.constant 0 : index
    %swap3A_67 = arith.constant 0 : index
    %swap3A_68 = vector.load %arg9[%swap3A_66, %swap3A_67] : memref<1000x128xf32, #tpu.memory_space<vmem>>, vector<1000x128xf32>
    tpu.vector_store %arg9[%swap3A_66, %swap3A_67], %concatenate3A_65 {strides = array<i32>} : memref<1000x128xf32, #tpu.memory_space<vmem>>, vector<1000x128xf32>,
    return
  }
  func.func @transform_0(%arg0: i32) -> (i32, i32) {
    %c0_i32 = arith.constant 0 : i32
    %c0_i32_0 = arith.constant 0 : i32
    return %arg0, %c0_i32 : i32, i32
  }
  func.func @transform_1(%arg0: i32) -> (i32, i32) {
    %c0_i32 = arith.constant 0 : i32
    %c0_i32_0 = arith.constant 0 : i32
    %c0_i32_1 = arith.constant 0 : i32
    return %c0_i32, %c0_i32_0 : i32, i32
  }
  func.func @transform_2(%arg0: i32) -> (i32, i32) {
    %c0_i32 = arith.constant 0 : i32
    %c0_i32_0 = arith.constant 0 : i32
    %c0_i32_1 = arith.constant 0 : i32
    return %c0_i32, %c0_i32_0 : i32, i32
  }
  func.func @transform_3(%arg0: i32) -> (i32, i32) {
    %c0_i32 = arith.constant 0 : i32
    %c0_i32_0 = arith.constant 0 : i32
    return %arg0, %c0_i32 : i32, i32
  }
  func.func @transform_4(%arg0: i32) -> (i32, i32) {
    %c0_i32 = arith.constant 0 : i32
    %c0_i32_0 = arith.constant 0 : i32
    return %arg0, %c0_i32 : i32, i32
  }
  func.func @transform_5(%arg0: i32) -> (i32, i32) {
    %c0_i32 = arith.constant 0 : i32
    %c0_i32_0 = arith.constant 0 : i32
    return %arg0, %c0_i32 : i32, i32
  }
  func.func @transform_6(%arg0: i32) -> (i32, i32) {
    %c0_i32 = arith.constant 0 : i32
    %c0_i32_0 = arith.constant 0 : i32
    return %arg0, %c0_i32 : i32, i32
  }
  func.func @transform_7(%arg0: i32) -> (i32, i32) {
    %c0_i32 = arith.constant 0 : i32
    %c0_i32_0 = arith.constant 0 : i32
    return %arg0, %c0_i32 : i32, i32
  }
  func.func @transform_8(%arg0: i32) -> (i32, i32) {
    %c0_i32 = arith.constant 0 : i32
    %c0_i32_0 = arith.constant 0 : i32
    return %arg0, %c0_i32 : i32, i32
  }
}

module attributes {stable_mosaic.version = 14 : i64} {
  func.func @body(%arg0: i32, %arg1: memref<1000x128xf32, #tpu.memory_space<vmem>>, %arg2: memref<1000x128xf32, #tpu.memory_space<vmem>>, %arg3: memref<1000x128xf32, #tpu.memory_space<vmem>>, %arg4: memref<1000x128xf32, #tpu.memory_space<vmem>>, %arg5: memref<2000x16xf32, #tpu.memory_space<vmem>>, %arg6: memref<2000x16xf32, #tpu.memory_space<vmem>>, %arg7: memref<8x128xf32, #tpu.memory_space<vmem>>, %arg8: memref<8x128xf32, #tpu.memory_space<vmem>>, %arg9: memref<2000x128xf32, #tpu.memory_space<vmem>>) attributes {dimension_semantics = [#tpu.dimension_semantics<arbitrary>], iteration_bounds = array<i64: 5>, scalar_prefetch = 0 : i64, scratch_operands = 0 : i64, tpu.core_type = #tpu.core_type<tc>, window_params = [{transform_indices = @transform_0, window_bounds = array<i64: 1000, 128>}, {transform_indices = @transform_1, window_bounds = array<i64: 1000, 128>}, {transform_indices = @transform_2, window_bounds = array<i64: 1000, 128>}, {transform_indices = @transform_3, window_bounds = array<i64: 1000, 128>}, {transform_indices = @transform_4, window_bounds = array<i64: 2000, 16>}, {transform_indices = @transform_5, window_bounds = array<i64: 2000, 16>}, {pipeline_mode = #tpu.pipeline_mode<synchronous>, transform_indices = @transform_6, window_bounds = array<i64: 8, 128>}, {pipeline_mode = #tpu.pipeline_mode<synchronous>, transform_indices = @transform_7, window_bounds = array<i64: 8, 128>}, {transform_indices = @transform_8, window_bounds = array<i64: 2000, 128>}]} {
    %get3A = arith.constant 0 : index
    %get3A_0 = arith.constant 0 : index
    %get3A_1 = vector.load %arg7[%get3A, %get3A_0] : memref<8x128xf32, #tpu.memory_space<vmem>>, vector<1x128xf32>
    %mul3A = arith.constant 5.000000e-01 : f32
    %mul3A_2 = vector.broadcast %mul3A : f32 to vector<1x128xf32>
    %mul3A_3 = arith.mulf %mul3A_2, %get3A_1 : vector<1x128xf32>
    %get3A_4 = arith.constant 0 : index
    %get3A_5 = arith.constant 0 : index
    %get3A_6 = vector.load %arg8[%get3A_4, %get3A_5] : memref<8x128xf32, #tpu.memory_space<vmem>>, vector<1x128xf32>
    %mul3A_7 = arith.constant 5.000000e-01 : f32
    %mul3A_8 = vector.broadcast %mul3A_7 : f32 to vector<1x128xf32>
    %mul3A_9 = arith.mulf %mul3A_8, %get3A_6 : vector<1x128xf32>
    %add3A = arith.addf %mul3A_3, %mul3A_9 : vector<1x128xf32>
    %get3A_10 = arith.constant 0 : index
    %get3A_11 = arith.constant 0 : index
    %get3A_12 = vector.load %arg5[%get3A_10, %get3A_11] : memref<2000x16xf32, #tpu.memory_space<vmem>>, vector<2000x1xf32>
    %gt3A = arith.constant 0.000000e+00 : f32
    %gt3A_13 = vector.broadcast %gt3A : f32 to vector<2000x1xf32>
    %gt3A_14 = arith.cmpf ogt, %get3A_12, %gt3A_13 : vector<2000x1xf32>
    %max3A = arith.constant 9.99999996E-13 : f32
    %max3A_15 = vector.broadcast %max3A : f32 to vector<2000x1xf32>
    %max3A_16 = arith.maximumf %get3A_12, %max3A_15 : vector<2000x1xf32>
    %rsqrt3A = math.rsqrt %max3A_16 : vector<2000x1xf32>
    %jit3A = arith.constant 0.000000e+00 : f32
    %broadcast_in_dim3A = vector.broadcast %jit3A : f32 to vector<2000x1xf32>
    %select_n3A = arith.select %gt3A_14, %rsqrt3A, %broadcast_in_dim3A : vector<2000x1xi1>, vector<2000x1xf32>
    %get3A_17 = arith.constant 0 : index
    %get3A_18 = arith.constant 0 : index
    %get3A_19 = vector.load %arg6[%get3A_17, %get3A_18] : memref<2000x16xf32, #tpu.memory_space<vmem>>, vector<2000x1xf32>
    %gt3A_20 = arith.constant 0.000000e+00 : f32
    %gt3A_21 = vector.broadcast %gt3A_20 : f32 to vector<2000x1xf32>
    %gt3A_22 = arith.cmpf ogt, %get3A_19, %gt3A_21 : vector<2000x1xf32>
    %max3A_23 = arith.constant 9.99999996E-13 : f32
    %max3A_24 = vector.broadcast %max3A_23 : f32 to vector<2000x1xf32>
    %max3A_25 = arith.maximumf %get3A_19, %max3A_24 : vector<2000x1xf32>
    %rsqrt3A_26 = math.rsqrt %max3A_25 : vector<2000x1xf32>
    %jit3A_27 = arith.constant 0.000000e+00 : f32
    %broadcast_in_dim3A_28 = vector.broadcast %jit3A_27 : f32 to vector<2000x1xf32>
    %select_n3A_29 = arith.select %gt3A_22, %rsqrt3A_26, %broadcast_in_dim3A_28 : vector<2000x1xi1>, vector<2000x1xf32>
    %get3A_30 = arith.constant 0 : index
    %get3A_31 = arith.constant 0 : index
    %get3A_32 = vector.load %arg1[%get3A_30, %get3A_31] : memref<1000x128xf32, #tpu.memory_space<vmem>>, vector<1000x128xf32>
    %slice3A = vector.extract_strided_slice %get3A_32 {offsets = [0, 0], sizes = [1000, 64], strides = [1, 1]} : vector<1000x128xf32> to vector<1000x64xf32>
    %slice3A_33 = vector.extract_strided_slice %get3A_32 {offsets = [0, 64], sizes = [1000, 64], strides = [1, 1]} : vector<1000x128xf32> to vector<1000x64xf32>
    %stack3A = vector.shape_cast %slice3A : vector<1000x64xf32> to vector<1000x1x64xf32>
    %stack3A_34 = vector.shape_cast %slice3A_33 : vector<1000x64xf32> to vector<1000x1x64xf32>
    %stack3A_35 = tpu.concatenate %stack3A, %stack3A_34 in 1 : vector<1000x1x64xf32>, vector<1000x1x64xf32> -> vector<1000x2x64xf32>
    %reshape3A = vector.shape_cast %stack3A_35 : vector<1000x2x64xf32> to vector<2000x64xf32>
    %get3A_36 = arith.constant 0 : index
    %get3A_37 = arith.constant 0 : index
    %get3A_38 = vector.load %arg2[%get3A_36, %get3A_37] : memref<1000x128xf32, #tpu.memory_space<vmem>>, vector<1000x128xf32>
    %slice3A_39 = vector.extract_strided_slice %get3A_38 {offsets = [0, 0], sizes = [1000, 64], strides = [1, 1]} : vector<1000x128xf32> to vector<1000x64xf32>
    %slice3A_40 = vector.extract_strided_slice %get3A_38 {offsets = [0, 64], sizes = [1000, 64], strides = [1, 1]} : vector<1000x128xf32> to vector<1000x64xf32>
    %stack3A_41 = vector.shape_cast %slice3A_39 : vector<1000x64xf32> to vector<1000x1x64xf32>
    %stack3A_42 = vector.shape_cast %slice3A_40 : vector<1000x64xf32> to vector<1000x1x64xf32>
    %stack3A_43 = tpu.concatenate %stack3A_41, %stack3A_42 in 1 : vector<1000x1x64xf32>, vector<1000x1x64xf32> -> vector<1000x2x64xf32>
    %reshape3A_44 = vector.shape_cast %stack3A_43 : vector<1000x2x64xf32> to vector<2000x64xf32>
    %concatenate3A = tpu.concatenate %reshape3A, %reshape3A_44 in 1 : vector<2000x64xf32>, vector<2000x64xf32> -> vector<2000x128xf32>
    %get3A_45 = arith.constant 0 : index
    %get3A_46 = arith.constant 0 : index
    %get3A_47 = vector.load %arg3[%get3A_45, %get3A_46] : memref<1000x128xf32, #tpu.memory_space<vmem>>, vector<1000x128xf32>
    %slice3A_48 = vector.extract_strided_slice %get3A_47 {offsets = [0, 0], sizes = [1000, 64], strides = [1, 1]} : vector<1000x128xf32> to vector<1000x64xf32>
    %slice3A_49 = vector.extract_strided_slice %get3A_47 {offsets = [0, 64], sizes = [1000, 64], strides = [1, 1]} : vector<1000x128xf32> to vector<1000x64xf32>
    %stack3A_50 = vector.shape_cast %slice3A_48 : vector<1000x64xf32> to vector<1000x1x64xf32>
    %stack3A_51 = vector.shape_cast %slice3A_49 : vector<1000x64xf32> to vector<1000x1x64xf32>
    %stack3A_52 = tpu.concatenate %stack3A_50, %stack3A_51 in 1 : vector<1000x1x64xf32>, vector<1000x1x64xf32> -> vector<1000x2x64xf32>
    %reshape3A_53 = vector.shape_cast %stack3A_52 : vector<1000x2x64xf32> to vector<2000x64xf32>
    %get3A_54 = arith.constant 0 : index
    %get3A_55 = arith.constant 0 : index
    %get3A_56 = vector.load %arg4[%get3A_54, %get3A_55] : memref<1000x128xf32, #tpu.memory_space<vmem>>, vector<1000x128xf32>
    %slice3A_57 = vector.extract_strided_slice %get3A_56 {offsets = [0, 0], sizes = [1000, 64], strides = [1, 1]} : vector<1000x128xf32> to vector<1000x64xf32>
    %slice3A_58 = vector.extract_strided_slice %get3A_56 {offsets = [0, 64], sizes = [1000, 64], strides = [1, 1]} : vector<1000x128xf32> to vector<1000x64xf32>
    %stack3A_59 = vector.shape_cast %slice3A_57 : vector<1000x64xf32> to vector<1000x1x64xf32>
    %stack3A_60 = vector.shape_cast %slice3A_58 : vector<1000x64xf32> to vector<1000x1x64xf32>
    %stack3A_61 = tpu.concatenate %stack3A_59, %stack3A_60 in 1 : vector<1000x1x64xf32>, vector<1000x1x64xf32> -> vector<1000x2x64xf32>
    %reshape3A_62 = vector.shape_cast %stack3A_61 : vector<1000x2x64xf32> to vector<2000x64xf32>
    %concatenate3A_63 = tpu.concatenate %reshape3A_53, %reshape3A_62 in 1 : vector<2000x64xf32>, vector<2000x64xf32> -> vector<2000x128xf32>
    %mul3A_64 = vector.broadcast %select_n3A : vector<2000x1xf32> to vector<2000x128xf32>
    %mul3A_65 = arith.mulf %mul3A_64, %concatenate3A : vector<2000x128xf32>
    %mul3A_66 = vector.broadcast %select_n3A_29 : vector<2000x1xf32> to vector<2000x128xf32>
    %mul3A_67 = arith.mulf %mul3A_66, %concatenate3A_63 : vector<2000x128xf32>
    %add3A_68 = arith.addf %mul3A_65, %mul3A_67 : vector<2000x128xf32>
    %add3A_69 = vector.broadcast %add3A : vector<1x128xf32> to vector<2000x128xf32>
    %add3A_70 = arith.addf %add3A_68, %add3A_69 : vector<2000x128xf32>
    %swap3A = arith.constant 0 : index
    %swap3A_71 = arith.constant 0 : index
    %swap3A_72 = vector.load %arg9[%swap3A, %swap3A_71] : memref<2000x128xf32, #tpu.memory_space<vmem>>, vector<2000x128xf32>
    tpu.vector_store %arg9[%swap3A, %swap3A_71], %add3A_70 {strides = array<i32>} : memref<2000x128xf32, #tpu.memory_space<vmem>>, vector<2000x128xf32>,
    return
  }
  func.func @transform_0(%arg0: i32) -> (i32, i32) {
    %c0_i32 = arith.constant 0 : i32
    %c0_i32_0 = arith.constant 0 : i32
    return %arg0, %c0_i32 : i32, i32
  }
  func.func @transform_1(%arg0: i32) -> (i32, i32) {
    %c0_i32 = arith.constant 0 : i32
    %c0_i32_0 = arith.constant 0 : i32
    return %arg0, %c0_i32 : i32, i32
  }
  func.func @transform_2(%arg0: i32) -> (i32, i32) {
    %c0_i32 = arith.constant 0 : i32
    %c0_i32_0 = arith.constant 0 : i32
    return %arg0, %c0_i32 : i32, i32
  }
  func.func @transform_3(%arg0: i32) -> (i32, i32) {
    %c0_i32 = arith.constant 0 : i32
    %c0_i32_0 = arith.constant 0 : i32
    return %arg0, %c0_i32 : i32, i32
  }
  func.func @transform_4(%arg0: i32) -> (i32, i32) {
    %c0_i32 = arith.constant 0 : i32
    %c0_i32_0 = arith.constant 0 : i32
    return %arg0, %c0_i32 : i32, i32
  }
  func.func @transform_5(%arg0: i32) -> (i32, i32) {
    %c0_i32 = arith.constant 0 : i32
    %c0_i32_0 = arith.constant 0 : i32
    return %arg0, %c0_i32 : i32, i32
  }
  func.func @transform_6(%arg0: i32) -> (i32, i32) {
    %c0_i32 = arith.constant 0 : i32
    %c0_i32_0 = arith.constant 0 : i32
    %c0_i32_1 = arith.constant 0 : i32
    return %c0_i32, %c0_i32_0 : i32, i32
  }
  func.func @transform_7(%arg0: i32) -> (i32, i32) {
    %c0_i32 = arith.constant 0 : i32
    %c0_i32_0 = arith.constant 0 : i32
    %c0_i32_1 = arith.constant 0 : i32
    return %c0_i32, %c0_i32_0 : i32, i32
  }
  func.func @transform_8(%arg0: i32) -> (i32, i32) {
    %c0_i32 = arith.constant 0 : i32
    %c0_i32_0 = arith.constant 0 : i32
    return %arg0, %c0_i32 : i32, i32
  }
}

</mosaic_0001>

<sc_bundles>
// kernel: kernel.6.cloned.1.call-start
scs
__scs_entry_jumppad:
0x0: {  	(pc) =	sbr.rel $0x88, $3  }
0x1: {  	(tag) =	ssettag $0x0;
	lr =	simm.s32 $0x1  }
0x2: {  	[smem:$0x3F9B] =	sst lr;
	_ =	strace $0xD0000000  }
0x3: {  	_ = 	snop  }
0x4: {  	_ = 	snop  }
0x5: {  	_ = 	snop  }
0x6: {  	_ = 	snop  }
0x7: {  	_ = 	snop  }
__scs_overlays_trampoline_lowered:
0x8: {  	[smem:$0x3FAA] =	sst s0  }
0x9: {  	[smem:$0x3FAB] =	sst s1  }
0xa: {  	[smem:$0x3FAC] =	sst s2  }
0xb: {  	[smem:$0x3FAD] =	sst s3  }
0xc: {  	[smem:$0x3FAE] =	sst s4  }
0xd: {  	[smem:$0x3FAF] =	sst s5  }
0xe: {  	[smem:$0x3FB0] =	sst s6  }
0xf: {  	[smem:$0x3FB1] =	sst s7  }
0x10: {  	[smem:$0x3FB2] =	sst s8  }
0x11: {  	[smem:$0x3FB3] =	sst s9;
	s0 =	simm.s32 @!p0 $0x0  }
0x12: {  	s1 =	sld [smem:$0x3F99];
	s0 =	simm.s32 @p0 $0x1  }
0x13: {  	[smem:$0x3FB4] =	sst s0;
	s0 =	simm.s32 @!p1 $0x0  }
0x14: {  	s2 =	sld [smem:$0x3F98];
	s0 =	simm.s32 @p1 $0x1  }
0x15: {  	[smem:$0x3FB5] =	sst s0;
	s0 =	simm.s32 @!p2 $0x0  }
0x16: {  	s3 =	sld [smem:$0x3FDB];
	s0 =	simm.s32 @p2 $0x1  }
0x17: {  	s4 =	simm.s32 $0x1BF5;
	[smem:$0x3FB7] =	sst s0  }
0x18: {  	s0 =	sld [smem:$0x3F9A];
	_ =	swait.ge [sflag:s4], $0x0  }
0x19: {  	s7 =	sld [smem:$0x3F9B]  }
0x1a: {  	s8 =	sadd.s32 $0xFFFFE003, lr  }
0x1b: {  	s9 =	sadd.s32 $0xFFFFFEF7, lr;
	s5 =	simm.s32 $0xFFFFFFFF;
	p2 =	slt.u32 s8, $0xFFFFF086  }
0x1c: {  	p1 =	slt.u32 s9, $0xF7A;
	s5 =	simm.s32 @!p2 $0x0  }
0x1d: {  	s5 =	simm.s32 @p1 $0x1;
	p0 =	seq.s32 s7, s2  }
0x1e: {  	s7 =	smul.u32 @!p0 $0xF7A, s2;
	p2 =	seq.s32 @!p0 s5, $0x0  }
0x1f: {  	s9 =	smul.u32 $0xF7A, s1;
	s8 =	simm.s32 @!p0 $0x1BF5;
	p2 =	por !p2, p0  }
0x20: {  	[sflag:s8] =	ssyncset.s32 @!p0 $0xFFFFF086;
	s6 =	sadd.s32 @!p0 s3, s7;
	s7 =	simm.s32 @!p0 $0x108  }
0x21: {  	s3 =	sadd.s32 s3, s9;
	s6 =	sadd.s32 @!p0 $0x88, s6;
	s7 =	simm.s32 @p2 $0x1082  }
0x22: {  	[simem:s7], [sflag:s8] =	dma.local @!p0 [hbm:s6], $0xF7A  }
0x23: {  	s9 =	sor.u32 $0xD0000000, s2;
	s6 =	simm.s32 $0x108;
	_ =	swait.ge @!p0 [sflag:s8], $0x0  }
0x24: {  	s3 =	sadd.s32 $0x88, s3;
	s6 =	simm.s32 @!p1 $0x1082;
	[sflag:s4] =	ssyncset.s32 $0xFFFFF086  }
0x25: {  	[simem:s6], [sflag:s4] =	dma.local [hbm:s3], $0xF7A  }
0x26: {  	[smem:$0x3F9B] =	sst s1;
	(tag) =	ssettag s2;
	_ =	strace s9  }
0x27: {  	s1 =	sld [smem:$0x3FAB]  }
0x28: {  	s2 =	sld [smem:$0x3FAC]  }
0x29: {  	s4 =	sld [smem:$0x3FAE]  }
0x2a: {  	p0 =	seq.s32 s5, $0x0;
	s5 =	sld [smem:$0x3FAF]  }
0x2b: {  	s6 =	sld [smem:$0x3FB0]  }
0x2c: {  	s7 =	sld [smem:$0x3FB1]  }
0x2d: {  	s3 =	simm.s32 $0x108;
	s8 =	sld [smem:$0x3FB2]  }
0x2e: {  	s3 =	simm.s32 @!p0 $0x1082;
	s9 =	sld [smem:$0x3FB3]  }
0x2f: {  	lr =	sadd.s32 s0, s3;
	s0 =	sld [smem:$0x3FAA]  }
0x30: {  	s3 =	sld [smem:$0x3FAD]  }
0x31: {  	[smem:$0x3FB6] =	sst s10  }
0x32: {  	s10 =	sld [smem:$0x3FB4];
	_ =	sdelay $0x3  }
0x33: {  	p0 =	seq.s32 s10, $0x1;
	s10 =	sld [smem:$0x3FB6];
	_ =	sdelay $0x3  }
0x34: {  	[smem:$0x3FB6] =	sst s10  }
0x35: {  	s10 =	sld [smem:$0x3FB5];
	_ =	sdelay $0x3  }
0x36: {  	p1 =	seq.s32 s10, $0x1;
	s10 =	sld [smem:$0x3FB6];
	_ =	sdelay $0x3  }
0x37: {  	[smem:$0x3FB6] =	sst s10  }
0x38: {  	s10 =	sld [smem:$0x3FB7]  }
0x39: {  	_ = 	snop;
	(pc) =	sbr.ind lr, $3  }
0x3a: {  	_ = 	snop  }
0x3b: {  	_ = 	snop  }
0x3c: {  	p2 =	seq.s32 s10, $0x1;
	s10 =	sld [smem:$0x3FB6]  }
0x3d: {  	_ =	shalt  }
0x3e: {  	_ =	shalt  }
0x3f: {  	_ =	shalt  }
0x40: {  	_ =	shalt  }
0x41: {  	_ =	shalt  }
0x42: {  	_ =	shalt  }
0x43: {  	_ =	shalt  }
0x44: {  	_ =	shalt  }
0x45: {  	_ =	shalt  }
0x46: {  	_ =	shalt  }
0x47: {  	_ =	shalt  }
0x48: {  	_ =	shalt  }
0x49: {  	_ =	shalt  }
0x4a: {  	_ =	shalt  }
0x4b: {  	_ =	shalt  }
0x4c: {  	_ =	shalt  }
0x4d: {  	_ =	shalt  }
0x4e: {  	_ =	shalt  }
0x4f: {  	_ =	shalt  }
0x50: {  	_ =	shalt  }
0x51: {  	_ =	shalt  }
0x52: {  	_ =	shalt  }
0x53: {  	_ =	shalt  }
0x54: {  	_ =	shalt  }
0x55: {  	_ =	shalt  }
0x56: {  	_ =	shalt  }
0x57: {  	_ =	shalt  }
0x58: {  	_ =	shalt  }
0x59: {  	_ =	shalt  }
0x5a: {  	_ =	shalt  }
0x5b: {  	_ =	shalt  }
0x5c: {  	_ =	shalt  }
0x5d: {  	_ =	shalt  }
0x5e: {  	_ =	shalt  }
0x5f: {  	_ =	shalt  }
0x60: {  	_ =	shalt  }
0x61: {  	_ =	shalt  }
0x62: {  	_ =	shalt  }
0x63: {  	_ =	shalt  }
0x64: {  	_ =	shalt  }
0x65: {  	_ =	shalt  }
0x66: {  	_ =	shalt  }
0x67: {  	_ =	shalt  }
0x68: {  	_ =	shalt  }
0x69: {  	_ =	shalt  }
0x6a: {  	_ =	shalt  }
0x6b: {  	_ =	shalt  }
0x6c: {  	_ =	shalt  }
0x6d: {  	_ =	shalt  }
0x6e: {  	_ =	shalt  }
0x6f: {  	_ =	shalt  }
0x70: {  	_ =	shalt  }
0x71: {  	_ =	shalt  }
0x72: {  	_ =	shalt  }
0x73: {  	_ =	shalt  }
0x74: {  	_ =	shalt  }
0x75: {  	_ =	shalt  }
0x76: {  	_ =	shalt  }
0x77: {  	_ =	shalt  }
0x78: {  	_ =	shalt  }
0x79: {  	_ =	shalt  }
0x7a: {  	_ =	shalt  }
0x7b: {  	_ =	shalt  }
0x7c: {  	_ =	shalt  }
0x7d: {  	_ =	shalt  }
0x7e: {  	_ =	shalt  }
0x7f: {  	_ =	shalt  }
0x80: {  	_ =	shalt  }
0x81: {  	_ =	shalt  }
0x82: {  	_ =	shalt  }
0x83: {  	_ =	shalt  }
0x84: {  	_ =	shalt  }
0x85: {  	_ =	shalt  }
0x86: {  	_ =	shalt  }
0x87: {  	_ =	shalt  }
.Lfunc_end0:
.L_simem_size_0:
called_computation_lowered:
.L_overlay_start_0:
0x88: {  	s2 =	sld [smem:$0x3FD9]  }
0x89: {  	s3 =	sld [smem:$0x3FFE];
	_ =	sdelay $0x1  }
0x8a: {  	s1 =	srdreg.scid  }
0x8b: {  	s0 =	sand.u32 $0x1, s1  }
0x8c: {  	s17 =	sshll.u32 s0, $0xA;
	s2 =	sadd.s32 s3, s2  }
0x8d: {  	s2 =	sadd.s32 s2, s17  }
0x8e: {  	[smem:$0x3FC2] =	sst s2  }
0x8f: {  	_ = 	snop  }
0x90: {  	s2 =	sld [smem:$0x3FD0];
	(tm) =	ssettm $0x1  }
0x91: {  	s18 =	sld [smem:$0x3FFB];
	_ =	sdelay $0x3  }
0x92: {  	_ =	strace s18  }
0x93: {  	s3 =	sld [smem:$0x3FFC];
	_ =	sdelay $0x3  }
0x94: {  	_ =	strace s3  }
0x95: {  	s3 =	sld [smem:$0x3FFD];
	_ =	sdelay $0x3  }
0x96: {  	_ =	strace s3  }
0x97: {  	_ =	strace $0x8FFFFFFF  }
0x98: {  	s19 =	sld [smem:$0x3FDB];
	_ =	sdelay $0x1  }
0x99: {  	s4 =	simm.s32 $_scs_section_size  }
0x9a: {  	s5 =	simm.s32 $_size__tile_overlayer_lowered;
	s6 =	simm.s32 $_tile_overlayer_lowered  }
0x9b: {  	s22 =	simm.s32 $0x1BFF;
	s21 =	sshll.u32 s6, $0x1;
	s3 =	sadd.s32 s4, s19  }
0x9c: {  	s7 =	simm.s32 $0x0;
	s20 =	sshll.u32 s5, $0x1;
	s5 =	sadd.s32 s21, s3  }
0x9d: {  	[timem:s7], [sflag:s22] =	dma.local [hbm:s5], s20  }
0x9e: {  	_ =	swait.ge [sflag:s22], s20  }
0x9f: {  	s4 =	ssub.s32 $0x0, s20;
	[sflag:s22] =	ssyncset.done $0x0  }
0xa0: {  	[sflag:s22] =	ssyncadd.s32 s4;
	_ =	sdelay $0x1  }
0xa1: {  	s23 =	simm.s32 $0x1B8B  }
0xa2: {  	_ =	swait.ge [sflag:s23], $0x1  }
0xa3: {  	[sflag:s23] =	ssyncset.done $0x0  }
0xa4: {  	s25 =	simm.s32 $0x1B8E;
	s24 =	sld [smem:$0x3FFE];
	[sflag:s23] =	ssyncadd.s32 $0xFFFFFFFF  }
0xa5: {  	s26 =	simm.s32 $execute0_lowered;
	[smem:$0x3FD2] =	sst s25  }
0xa6: {  	s5 =	sshll.u32 s26, $0x1;
	_ =	strace $0x80000046;
	[dreg:$0x1] =	wrdreg $0xFFFFFFFF  }
0xa7: {  	s28 =	simm.s32 $_size_execute0_lowered;
	s3 =	sadd.s32 s3, s5;
	[dreg:$0x0] =	wrdreg $0x0  }
0xa8: {  	s5 =	sshll.u32 s28, $0x1;
	[dreg:$0x2] =	wrdreg s3  }
0xa9: {  	[dreg:$0x3] =	wrdreg s5  }
0xaa: {  	[dreg:$0x4] =	wrdreg $0xC0  }
0xab: {  	_ =	task [dreg:s7], $0x5FFFF  }
0xac: {  	[dreg:$0x1] =	wrdreg $0xFFFFFFFF  }
0xad: {  	[dreg:$0x0] =	wrdreg $0x60  }
0xae: {  	[dreg:$0x2] =	wrdreg s24  }
0xaf: {  	[dreg:$0x3] =	wrdreg s2  }
0xb0: {  	[dreg:$0x4] =	wrdreg $0x60000  }
0xb1: {  	[dreg:$0x5] =	wrdreg $0x9  }
0xb2: {  	_ =	task.clear_ibuf [dreg:s7], $0x6FFFF;
	_ =	strace $0x90000046  }
0xb3: {  	s29 =	simm.s32 $0x9;
	_ =	strace $0x80000048  }
0xb4: {  	_ =	swait.ge [sflag:s29], $0x1  }
0xb5: {  	[sflag:s29] =	ssyncadd.s32 $0xFFFFFFFF  }
0xb6: {  	_ =	strace $0x90000048  }
0xb7: {  	_ =	sfence  }
0xb8: {  	s30 =	sld [smem:$0x0];
	_ =	sdelay $0x2  }
0xb9: {  	s31 =	sshll.u32 s1, $0xD;
	s1 =	sshrl.u32 s1, $0x2  }
0xba: {  	s3 =	sand.u32 $0x4000, s31;
	s1 =	sadd.s32 s1, s30  }
0xbb: {  	s0 =	sor.u32 s3, s0;
	s1 =	sshll.u32 s1, $0x11  }
0xbc: {  	s0 =	sor.u32 s1, s0  }
0xbd: {  	s0 =	sadd.s32 $0x8F2B, s0  }
0xbe: {  	[sflag:s0] =	ssyncadd.remote.s32 $0x1  }
0xbf: {  	_ =	sfence.sel $0xFFFF  }
0xc0: {  	[dreg:$0x0] =	wrdreg $0xFFFFFFFF;
	(pc) =	sbr.abs _section_cstart, $3  }
0xc1: {  	[dreg:$0x1] =	wrdreg $0xFFFFFFFF  }
0xc2: {  	_ =	task.clear_ibuf [dreg:s7], $0x2FFFF;
	_ =	strace $0x9FFFFFFF  }
0xc3: {  	(tm) =	ssettm $0x7FFFFFFF  }
tec
execute0_lowered:
.L_overlay_start_1:
0x0: {  	(tag) =	ssettag $0x1  }
0x1: {  	s4 =	rddreg [dreg:$0x0]  }
0x2: {  	s11 =	rddreg [dreg:$0x1]  }
0x3: {  	s1 =	rddreg [dreg:$0x2];
	s3 =	simm.s32 $0x0;
	s5 =	srdreg.scid  }
0x4: {  	s0 =	stileid.u32;
	s25 =	simm.s32 $0x100;
	s26 =	simm.s32 $0x180  }
0x5: {  	s28 =	simm.s32 $0x1;
	s29 =	simm.s32 $0x0;
	[smem:$0x7FF] =	sst s3  }
0x6: {  	s5 =	sand.u32 $0x1, s5;
	s7 =	smul.u32 $0xA000, s0;
	s10 =	sadd.s32 $0xD600, s4  }
0x7: {  	s12 =	sadd.s32 $0x3600, s4;
	s20 =	sadd.s32 $0x17600, s4;
	s13 =	smul.u32 $0xA00, s0  }
0x8: {  	s14 =	smul.u32 $0x2800, s0;
	_ =	strace $0x80000047;
	s6 =	ssub.s32 $0x2, s5  }
0x9: {  	p0 =	seq.s32 s5, $0x0;
	s8 =	sshrl.u32 s6, $0x1;
	s31 =	sshrl.u32 s7, $0x2  }
0xa: {  	s15 =	sshrl.u32 s14, $0x3;
	s16 =	sadd.s32 $0x800, s14;
	s17 =	sadd.s32 $0x1000, s14  }
0xb: {  	s21 =	sadd.s32 $0x1800, s14;
	s23 =	sadd.s32 $0x2000, s14;
	s12 =	smov.u32 @p0 s10  }
0xc: {  	s20 =	smov.u32 @p0 s11;
	s11 =	sadd.s32 s14, s1;
	s6 =	ssub.s32 s6, s8  }
0xd: {  	s4 =	sadd.s32 s31, s1;
	s18 =	sshrl.u32 s16, $0x3;
	s19 =	sshrl.u32 s17, $0x3  }
0xe: {  	s22 =	sshrl.u32 s21, $0x3;
	s24 =	sshrl.u32 s23, $0x3;
	s10 =	sadd.s32 s12, s13  }
0xf: {  	s12 =	sadd.s32 s20, s15;
	s13 =	sadd.s32 s16, s1;
	s15 =	sadd.s32 s17, s1  }
0x10: {  	s17 =	sadd.s32 s21, s1;
	s21 =	simm.s32 $0x5800;
	s5 =	smax.u32 s6, $0x1  }
0x11: {  	s6 =	sadd.s32 $0x800, s4;
	s7 =	sadd.s32 $0x1000, s4;
	s8 =	sadd.s32 $0x1800, s4  }
0x12: {  	s9 =	sadd.s32 $0x2000, s4;
	s14 =	sadd.s32 s20, s18;
	s16 =	sadd.s32 s20, s19  }
0x13: {  	s18 =	sadd.s32 s20, s22;
	s19 =	sadd.s32 s23, s1;
	s20 =	sadd.s32 s20, s24  }
0x14: {  	v0 =	vimm.f32 $1.000000000e+00;
	v1 =	vimm.f32 $0.0e+00;
	s22 =	simm.s32 $0x2;
	s23 =	simm.s32 $0x80;
	s24 =	simm.s32 $0x5000  }
.LBB2_1:
0x15: {  	s30 =	simm.s32 $0x0  }
.LBB2_2:
0x16: {  	p0 =	sne.s32 s30, $0x1FC0  }
.Ltmp0:
0x17: {  	_ = 	snop;
	(pc) =	sbr.rel @p0 .LBB2_2-.Ltmp0, $3  }
0x18: {  	_ =	sdelay $0x1  }
0x19: {  	s31 =	sshra.s32 s30, $0x2  }
0x1a: {  	s30 =	sadd.s32 $0x40, s30;
	[tilespmem:s31+$0x5000] =	vst v0  }
0x1b: {  	s30 =	simm.s32 $0x40;
	s31 =	simm.s32 $0x0  }
.LBB2_4:
0x1c: {  	p0 =	sne.s32 s30, $0x1FC0;
	[tilespmem:s31+$0x5800] =	vst v1;
	s31 =	smov.u32 s30;
	s30 =	sadd.s32 $0x40, s30  }
.Ltmp1:
0x1d: {  	(pc) =	sbr.rel @p0 .LBB2_4-.Ltmp1, $2  }
0x1e: {  	_ =	sdelay $0x2  }
0x1f: {  	s31 =	sshra.s32 s31, $0x2  }
0x20: {  	[tilespmem:s31+$0x5800] =	vst v1  }
0x21: {  	[spmem:s4] =	stream.linear.scatter [tilespmem:s21], [sflag:$0x2], $0x800, $0x38;
	[tilespmem:$0x8800] =	vst v63  }
0x22: {  	_ =	swait.ge [sflag:s22], $0x800  }
0x23: {  	[sflag:s22] =	ssyncset.done $0x0  }
0x24: {  	[sflag:s22] =	ssyncadd.s32 $0xFFFFF800  }
0x25: {  	[spmem:s6] =	stream.linear.scatter [tilespmem:s21], [sflag:$0x2], $0x800, $0x38;
	[tilespmem:$0x8800] =	vst v63  }
0x26: {  	_ =	swait.ge [sflag:s22], $0x800  }
0x27: {  	[sflag:s22] =	ssyncset.done $0x0  }
0x28: {  	[sflag:s22] =	ssyncadd.s32 $0xFFFFF800  }
0x29: {  	[spmem:s7] =	stream.linear.scatter [tilespmem:s21], [sflag:$0x2], $0x800, $0x38;
	[tilespmem:$0x8800] =	vst v63  }
0x2a: {  	_ =	swait.ge [sflag:s22], $0x800  }
0x2b: {  	[sflag:s22] =	ssyncset.done $0x0  }
0x2c: {  	[sflag:s22] =	ssyncadd.s32 $0xFFFFF800  }
0x2d: {  	[spmem:s8] =	stream.linear.scatter [tilespmem:s21], [sflag:$0x2], $0x800, $0x38;
	[tilespmem:$0x8800] =	vst v63  }
0x2e: {  	_ =	swait.ge [sflag:s22], $0x800  }
0x2f: {  	[sflag:s22] =	ssyncset.done $0x0  }
0x30: {  	[sflag:s22] =	ssyncadd.s32 $0xFFFFF800  }
0x31: {  	[spmem:s9] =	stream.linear.scatter [tilespmem:s21], [sflag:$0x2], $0x800, $0x38;
	[tilespmem:$0x8800] =	vst v63  }
0x32: {  	_ =	swait.ge [sflag:s22], $0x800  }
0x33: {  	[sflag:s22] =	ssyncset.done $0x0  }
0x34: {  	s30 =	simm.s32 $0x0;
	[sflag:s22] =	ssyncadd.s32 $0xFFFFF800  }
0x35: {  	[tilespmem:s30], [sflag:$0x2] =	stream.linear.gather [hbm4b:s10+s30], $0x5000, $0x38;
	[tilespmem:$0x8800] =	vst v63  }
0x36: {  	_ =	swait.ge [sflag:s22], $0x5000  }
0x37: {  	[sflag:s22] =	ssyncset.done $0x0  }
0x38: {  	[sflag:s22] =	ssyncadd.s32 $0xFFFFB000  }
0x39: {  	[bflag:$0x0] =	sbarrier.arrive $0xFFFF  }
0x3a: {  	[spmem:s1] =	stream.indirect.scatter.add.f32 [tilespmem:s24], [sflag:$0x1], $0x10, s30, s23, $0xb8;
	[tilespmem:$0x8800] =	vst v63  }
0x3b: {  	_ = 	snop  }
0x3c: {  	[spmem:s1] =	stream.indirect.scatter.add.f32 [tilespmem:s24], [sflag:$0x1], $0x10, s23, s23, $0xb8;
	[tilespmem:$0x8800] =	vst v63  }
0x3d: {  	_ = 	snop  }
0x3e: {  	[spmem:s1] =	stream.indirect.scatter.add.f32 [tilespmem:s24], [sflag:$0x1], $0x10, s25, s23, $0xb8;
	[tilespmem:$0x8800] =	vst v63  }
0x3f: {  	p0 =	por $0x0, $0x0  }
0x40: {  	[spmem:s1] =	stream.indirect.scatter.add.f32 [tilespmem:s24], [sflag:$0x1], $0x10, s26, s23, $0xb8;
	[tilespmem:$0x8800] =	vst v63  }
0x41: {  	s31 =	simm.s32 @!p0 $0x80;
	s0 =	simm.s32 @!p0 $0x5000;
	s30 =	simm.s32 $0x200  }
0x42: {  	[spmem:s1] =	stream.indirect.scatter.add.f32 @!p0 [tilespmem:s0], [sflag:$0x1], $0x10, s30, s31, $0xb8;
	[tilespmem:$0x8800] =	vst v63  }
0x43: {  	_ =	swait.ge [sflag:s28], $0x800  }
0x44: {  	s31 =	simm.s32 $0x1;
	[sflag:s28] =	ssyncset.done $0x0  }
.LBB2_6:
0x45: {  	s0 =	smov.u32 s31;
	s31 =	sadd.s32 $0x1, s31  }
0x46: {  	[sflag:s28] =	ssyncadd.s32 $0xFFFFF800;
	s30 =	sadd.s32 $0x80, s30;
	p1 =	sne.s32 s31, $0xA0  }
.Ltmp2:
0x47: {  	p0 =	sgt.u32 s0, $0x9B;
	(pc) =	sbr.rel @p1 .LBB2_6-.Ltmp2, $4  }
0x48: {  	s0 =	simm.s32 @!p0 $0x80;
	s2 =	simm.s32 @!p0 $0x5000  }
0x49: {  	[spmem:s1] =	stream.indirect.scatter.add.f32 @!p0 [tilespmem:s2], [sflag:$0x1], $0x10, s30, s0, $0xb8;
	[tilespmem:$0x8800] =	vst v63  }
0x4a: {  	_ =	swait.ge [sflag:s28], $0x800  }
0x4b: {  	[sflag:s28] =	ssyncset.done $0x0  }
0x4c: {  	[sflag:s28] =	ssyncadd.s32 $0xFFFFF800  }
0x4d: {  	[bflag:$0x0] =	sbarrier.arrive $0xFFFF  }
0x4e: {  	[tilespmem:s21], [sflag:$0x2] =	stream.linear.gather [spmem:s11], $0x800, $0x38;
	[tilespmem:$0x8800] =	vst v63  }
0x4f: {  	_ =	swait.ge [sflag:s22], $0x800  }
0x50: {  	[sflag:s22] =	ssyncset.done $0x0  }
0x51: {  	[sflag:s22] =	ssyncadd.s32 $0xFFFFF800  }
0x52: {  	[hbm4b:s12+s3] =	stream.linear.scatter [tilespmem:s21], [sflag:$0x2], $0x800, $0x38;
	[tilespmem:$0x8800] =	vst v63  }
0x53: {  	_ =	swait.ge [sflag:s22], $0x800  }
0x54: {  	[sflag:s22] =	ssyncset.done $0x0  }
0x55: {  	[sflag:s22] =	ssyncadd.s32 $0xFFFFF800  }
0x56: {  	[tilespmem:s21], [sflag:$0x2] =	stream.linear.gather [spmem:s13], $0x800, $0x38;
	[tilespmem:$0x8800] =	vst v63  }
0x57: {  	_ =	swait.ge [sflag:s22], $0x800  }
0x58: {  	[sflag:s22] =	ssyncset.done $0x0  }
0x59: {  	[sflag:s22] =	ssyncadd.s32 $0xFFFFF800  }
0x5a: {  	[hbm4b:s14+s3] =	stream.linear.scatter [tilespmem:s21], [sflag:$0x2], $0x800, $0x38;
	[tilespmem:$0x8800] =	vst v63  }
0x5b: {  	_ =	swait.ge [sflag:s22], $0x800  }
0x5c: {  	[sflag:s22] =	ssyncset.done $0x0  }
0x5d: {  	[sflag:s22] =	ssyncadd.s32 $0xFFFFF800  }
0x5e: {  	[tilespmem:s21], [sflag:$0x2] =	stream.linear.gather [spmem:s15], $0x800, $0x38;
	[tilespmem:$0x8800] =	vst v63  }
0x5f: {  	_ =	swait.ge [sflag:s22], $0x800  }
0x60: {  	[sflag:s22] =	ssyncset.done $0x0  }
0x61: {  	[sflag:s22] =	ssyncadd.s32 $0xFFFFF800  }
0x62: {  	[hbm4b:s16+s3] =	stream.linear.scatter [tilespmem:s21], [sflag:$0x2], $0x800, $0x38;
	[tilespmem:$0x8800] =	vst v63  }
0x63: {  	_ =	swait.ge [sflag:s22], $0x800  }
0x64: {  	[sflag:s22] =	ssyncset.done $0x0  }
0x65: {  	[sflag:s22] =	ssyncadd.s32 $0xFFFFF800  }
0x66: {  	[tilespmem:s21], [sflag:$0x2] =	stream.linear.gather [spmem:s17], $0x800, $0x38;
	[tilespmem:$0x8800] =	vst v63  }
0x67: {  	_ =	swait.ge [sflag:s22], $0x800  }
0x68: {  	[sflag:s22] =	ssyncset.done $0x0  }
0x69: {  	[sflag:s22] =	ssyncadd.s32 $0xFFFFF800  }
0x6a: {  	[hbm4b:s18+s3] =	stream.linear.scatter [tilespmem:s21], [sflag:$0x2], $0x800, $0x38;
	[tilespmem:$0x8800] =	vst v63  }
0x6b: {  	_ =	swait.ge [sflag:s22], $0x800  }
0x6c: {  	[sflag:s22] =	ssyncset.done $0x0  }
0x6d: {  	[sflag:s22] =	ssyncadd.s32 $0xFFFFF800  }
0x6e: {  	[tilespmem:s21], [sflag:$0x2] =	stream.linear.gather [spmem:s19], $0x800, $0x38;
	[tilespmem:$0x8800] =	vst v63  }
0x6f: {  	s29 =	sadd.s32 $0x1, s29;
	_ =	swait.ge [sflag:s22], $0x800  }
0x70: {  	p0 =	sne.s32 s29, s5;
	[sflag:s22] =	ssyncset.done $0x0  }
.Ltmp3:
0x71: {  	[sflag:s22] =	ssyncadd.s32 $0xFFFFF800;
	(pc) =	sbr.rel @p0 .LBB2_1-.Ltmp3, $4  }
0x72: {  	[hbm4b:s20+s3] =	stream.linear.scatter [tilespmem:s21], [sflag:$0x2], $0x800, $0x38;
	[tilespmem:$0x8800] =	vst v63  }
0x73: {  	_ =	swait.ge [sflag:s22], $0x800  }
0x74: {  	[sflag:s22] =	ssyncset.done $0x0  }
0x75: {  	[sflag:s22] =	ssyncadd.s32 $0xFFFFF800  }
0x76: {  	_ =	sfence.sel $0x180000  }
0x77: {  	[bflag:$0x0] =	sbarrier.arrive $0xFFFF  }
0x78: {  	_ =	strace $0x90000047  }
0x79: {  	s0 =	stileid.u32;
	[bflag:$0x2] =	sbarrier.arrive $0xFFFF  }
0x7a: {  	p0 =	sne.s32 s0, $0x0;
	s0 =	rddreg [dreg:$0x3]  }
0x7b: {  	s0 =	sadd.s32 @!p0 $0x100000, s0  }
0x7c: {  	[sflag:s0] =	ssyncadd.tile.s32 @!p0 $0x1;
	_ =	shalt  }
.Lfunc_end2:
_tile_overlayer_lowered:
.L_overlay_start_2:
0x7d: {  	(tag) =	ssettag $0x2  }
0x7e: {  	s0 =	rddreg [dreg:$0x0];
	s2 =	stileid.u32  }
0x7f: {  	s1 =	rddreg [dreg:$0x1];
	p0 =	sne.s32 s2, $0x0  }
0x80: {  	s3 =	rddreg [dreg:$0x2];
	[bflag:$0x3] =	sbarrier.arrive $0xFFFF;
	s2 =	simm.s32 @!p0 $0x1C02  }
0x81: {  	[timem:s3], [sflag:s2] =	dma.local @!p0 [hbm:s0], s1  }
0x82: {  	s0 =	simm.s32 @!p0 $0x2  }
0x83: {  	_ =	swait.ge @!p0 [sflag:s0], s1  }
0x84: {  	s1 =	ssub.s32 @!p0 $0x0, s1;
	[sflag:s0] =	ssyncset.done @!p0 $0x0  }
0x85: {  	[sflag:s0] =	ssyncadd.s32 @!p0 s1  }
0x86: {  	[bflag:$0x3] =	sbarrier.arrive $0xFFFF  }
0x87: {  	_ =	shalt  }

// kernel: kernel.9.cloned.1.call-start
scs
__scs_entry_jumppad:
0x0: {  	(pc) =	sbr.rel $0x88, $3  }
0x1: {  	(tag) =	ssettag $0x0;
	lr =	simm.s32 $0x1  }
0x2: {  	[smem:$0x3F9B] =	sst lr;
	_ =	strace $0xD0000000  }
0x3: {  	_ = 	snop  }
0x4: {  	_ = 	snop  }
0x5: {  	_ = 	snop  }
0x6: {  	_ = 	snop  }
0x7: {  	_ = 	snop  }
__scs_overlays_trampoline_lowered:
0x8: {  	[smem:$0x3FAA] =	sst s0  }
0x9: {  	[smem:$0x3FAB] =	sst s1  }
0xa: {  	[smem:$0x3FAC] =	sst s2  }
0xb: {  	[smem:$0x3FAD] =	sst s3  }
0xc: {  	[smem:$0x3FAE] =	sst s4  }
0xd: {  	[smem:$0x3FAF] =	sst s5  }
0xe: {  	[smem:$0x3FB0] =	sst s6  }
0xf: {  	[smem:$0x3FB1] =	sst s7  }
0x10: {  	[smem:$0x3FB2] =	sst s8  }
0x11: {  	[smem:$0x3FB3] =	sst s9;
	s0 =	simm.s32 @!p0 $0x0  }
0x12: {  	s1 =	sld [smem:$0x3F99];
	s0 =	simm.s32 @p0 $0x1  }
0x13: {  	[smem:$0x3FB4] =	sst s0;
	s0 =	simm.s32 @!p1 $0x0  }
0x14: {  	s2 =	sld [smem:$0x3F98];
	s0 =	simm.s32 @p1 $0x1  }
0x15: {  	[smem:$0x3FB5] =	sst s0;
	s0 =	simm.s32 @!p2 $0x0  }
0x16: {  	s3 =	sld [smem:$0x3FDB];
	s0 =	simm.s32 @p2 $0x1  }
0x17: {  	s4 =	simm.s32 $0x1BF5;
	[smem:$0x3FB7] =	sst s0  }
0x18: {  	s0 =	sld [smem:$0x3F9A];
	_ =	swait.ge [sflag:s4], $0x0  }
0x19: {  	s7 =	sld [smem:$0x3F9B]  }
0x1a: {  	s8 =	sadd.s32 $0xFFFFE003, lr  }
0x1b: {  	s9 =	sadd.s32 $0xFFFFFEF7, lr;
	s5 =	simm.s32 $0xFFFFFFFF;
	p2 =	slt.u32 s8, $0xFFFFF086  }
0x1c: {  	p1 =	slt.u32 s9, $0xF7A;
	s5 =	simm.s32 @!p2 $0x0  }
0x1d: {  	s5 =	simm.s32 @p1 $0x1;
	p0 =	seq.s32 s7, s2  }
0x1e: {  	s7 =	smul.u32 @!p0 $0xF7A, s2;
	p2 =	seq.s32 @!p0 s5, $0x0  }
0x1f: {  	s9 =	smul.u32 $0xF7A, s1;
	s8 =	simm.s32 @!p0 $0x1BF5;
	p2 =	por !p2, p0  }
0x20: {  	[sflag:s8] =	ssyncset.s32 @!p0 $0xFFFFF086;
	s6 =	sadd.s32 @!p0 s3, s7;
	s7 =	simm.s32 @!p0 $0x108  }
0x21: {  	s3 =	sadd.s32 s3, s9;
	s6 =	sadd.s32 @!p0 $0x88, s6;
	s7 =	simm.s32 @p2 $0x1082  }
0x22: {  	[simem:s7], [sflag:s8] =	dma.local @!p0 [hbm:s6], $0xF7A  }
0x23: {  	s9 =	sor.u32 $0xD0000000, s2;
	s6 =	simm.s32 $0x108;
	_ =	swait.ge @!p0 [sflag:s8], $0x0  }
0x24: {  	s3 =	sadd.s32 $0x88, s3;
	s6 =	simm.s32 @!p1 $0x1082;
	[sflag:s4] =	ssyncset.s32 $0xFFFFF086  }
0x25: {  	[simem:s6], [sflag:s4] =	dma.local [hbm:s3], $0xF7A  }
0x26: {  	[smem:$0x3F9B] =	sst s1;
	(tag) =	ssettag s2;
	_ =	strace s9  }
0x27: {  	s1 =	sld [smem:$0x3FAB]  }
0x28: {  	s2 =	sld [smem:$0x3FAC]  }
0x29: {  	s4 =	sld [smem:$0x3FAE]  }
0x2a: {  	p0 =	seq.s32 s5, $0x0;
	s5 =	sld [smem:$0x3FAF]  }
0x2b: {  	s6 =	sld [smem:$0x3FB0]  }
0x2c: {  	s7 =	sld [smem:$0x3FB1]  }
0x2d: {  	s3 =	simm.s32 $0x108;
	s8 =	sld [smem:$0x3FB2]  }
0x2e: {  	s3 =	simm.s32 @!p0 $0x1082;
	s9 =	sld [smem:$0x3FB3]  }
0x2f: {  	lr =	sadd.s32 s0, s3;
	s0 =	sld [smem:$0x3FAA]  }
0x30: {  	s3 =	sld [smem:$0x3FAD]  }
0x31: {  	[smem:$0x3FB6] =	sst s10  }
0x32: {  	s10 =	sld [smem:$0x3FB4];
	_ =	sdelay $0x3  }
0x33: {  	p0 =	seq.s32 s10, $0x1;
	s10 =	sld [smem:$0x3FB6];
	_ =	sdelay $0x3  }
0x34: {  	[smem:$0x3FB6] =	sst s10  }
0x35: {  	s10 =	sld [smem:$0x3FB5];
	_ =	sdelay $0x3  }
0x36: {  	p1 =	seq.s32 s10, $0x1;
	s10 =	sld [smem:$0x3FB6];
	_ =	sdelay $0x3  }
0x37: {  	[smem:$0x3FB6] =	sst s10  }
0x38: {  	s10 =	sld [smem:$0x3FB7]  }
0x39: {  	_ = 	snop;
	(pc) =	sbr.ind lr, $3  }
0x3a: {  	_ = 	snop  }
0x3b: {  	_ = 	snop  }
0x3c: {  	p2 =	seq.s32 s10, $0x1;
	s10 =	sld [smem:$0x3FB6]  }
0x3d: {  	_ =	shalt  }
0x3e: {  	_ =	shalt  }
0x3f: {  	_ =	shalt  }
0x40: {  	_ =	shalt  }
0x41: {  	_ =	shalt  }
0x42: {  	_ =	shalt  }
0x43: {  	_ =	shalt  }
0x44: {  	_ =	shalt  }
0x45: {  	_ =	shalt  }
0x46: {  	_ =	shalt  }
0x47: {  	_ =	shalt  }
0x48: {  	_ =	shalt  }
0x49: {  	_ =	shalt  }
0x4a: {  	_ =	shalt  }
0x4b: {  	_ =	shalt  }
0x4c: {  	_ =	shalt  }
0x4d: {  	_ =	shalt  }
0x4e: {  	_ =	shalt  }
0x4f: {  	_ =	shalt  }
0x50: {  	_ =	shalt  }
0x51: {  	_ =	shalt  }
0x52: {  	_ =	shalt  }
0x53: {  	_ =	shalt  }
0x54: {  	_ =	shalt  }
0x55: {  	_ =	shalt  }
0x56: {  	_ =	shalt  }
0x57: {  	_ =	shalt  }
0x58: {  	_ =	shalt  }
0x59: {  	_ =	shalt  }
0x5a: {  	_ =	shalt  }
0x5b: {  	_ =	shalt  }
0x5c: {  	_ =	shalt  }
0x5d: {  	_ =	shalt  }
0x5e: {  	_ =	shalt  }
0x5f: {  	_ =	shalt  }
0x60: {  	_ =	shalt  }
0x61: {  	_ =	shalt  }
0x62: {  	_ =	shalt  }
0x63: {  	_ =	shalt  }
0x64: {  	_ =	shalt  }
0x65: {  	_ =	shalt  }
0x66: {  	_ =	shalt  }
0x67: {  	_ =	shalt  }
0x68: {  	_ =	shalt  }
0x69: {  	_ =	shalt  }
0x6a: {  	_ =	shalt  }
0x6b: {  	_ =	shalt  }
0x6c: {  	_ =	shalt  }
0x6d: {  	_ =	shalt  }
0x6e: {  	_ =	shalt  }
0x6f: {  	_ =	shalt  }
0x70: {  	_ =	shalt  }
0x71: {  	_ =	shalt  }
0x72: {  	_ =	shalt  }
0x73: {  	_ =	shalt  }
0x74: {  	_ =	shalt  }
0x75: {  	_ =	shalt  }
0x76: {  	_ =	shalt  }
0x77: {  	_ =	shalt  }
0x78: {  	_ =	shalt  }
0x79: {  	_ =	shalt  }
0x7a: {  	_ =	shalt  }
0x7b: {  	_ =	shalt  }
0x7c: {  	_ =	shalt  }
0x7d: {  	_ =	shalt  }
0x7e: {  	_ =	shalt  }
0x7f: {  	_ =	shalt  }
0x80: {  	_ =	shalt  }
0x81: {  	_ =	shalt  }
0x82: {  	_ =	shalt  }
0x83: {  	_ =	shalt  }
0x84: {  	_ =	shalt  }
0x85: {  	_ =	shalt  }
0x86: {  	_ =	shalt  }
0x87: {  	_ =	shalt  }
.Lfunc_end0:
.L_simem_size_0:
called_computation.1_lowered:
.L_overlay_start_0:
0x88: {  	s2 =	sld [smem:$0x3FD9]  }
0x89: {  	s3 =	sld [smem:$0x3FFE];
	_ =	sdelay $0x1  }
0x8a: {  	s1 =	srdreg.scid  }
0x8b: {  	s0 =	sand.u32 $0x1, s1  }
0x8c: {  	s17 =	sshll.u32 s0, $0xA;
	s2 =	sadd.s32 s3, s2  }
0x8d: {  	s2 =	sadd.s32 s2, s17  }
0x8e: {  	[smem:$0x3FC2] =	sst s2  }
0x8f: {  	_ = 	snop  }
0x90: {  	s2 =	sld [smem:$0x3FD0];
	(tm) =	ssettm $0x1  }
0x91: {  	s18 =	sld [smem:$0x3FFB];
	_ =	sdelay $0x3  }
0x92: {  	_ =	strace s18  }
0x93: {  	s3 =	sld [smem:$0x3FFC];
	_ =	sdelay $0x3  }
0x94: {  	_ =	strace s3  }
0x95: {  	s3 =	sld [smem:$0x3FFD];
	_ =	sdelay $0x3  }
0x96: {  	_ =	strace s3  }
0x97: {  	_ =	strace $0x8FFFFFFF  }
0x98: {  	s19 =	sld [smem:$0x3FDB];
	_ =	sdelay $0x1  }
0x99: {  	s4 =	simm.s32 $_scs_section_size  }
0x9a: {  	s5 =	simm.s32 $_size__tile_overlayer_lowered;
	s6 =	simm.s32 $_tile_overlayer_lowered  }
0x9b: {  	s22 =	simm.s32 $0x1BFF;
	s21 =	sshll.u32 s6, $0x1;
	s3 =	sadd.s32 s4, s19  }
0x9c: {  	s7 =	simm.s32 $0x0;
	s20 =	sshll.u32 s5, $0x1;
	s5 =	sadd.s32 s21, s3  }
0x9d: {  	[timem:s7], [sflag:s22] =	dma.local [hbm:s5], s20  }
0x9e: {  	_ =	swait.ge [sflag:s22], s20  }
0x9f: {  	s4 =	ssub.s32 $0x0, s20;
	[sflag:s22] =	ssyncset.done $0x0  }
0xa0: {  	[sflag:s22] =	ssyncadd.s32 s4;
	_ =	sdelay $0x1  }
0xa1: {  	s23 =	simm.s32 $0x1B8B  }
0xa2: {  	_ =	swait.ge [sflag:s23], $0x1  }
0xa3: {  	[sflag:s23] =	ssyncset.done $0x0  }
0xa4: {  	s25 =	simm.s32 $0x1B8E;
	s24 =	sld [smem:$0x3FFE];
	[sflag:s23] =	ssyncadd.s32 $0xFFFFFFFF  }
0xa5: {  	s26 =	simm.s32 $execute0_lowered;
	[smem:$0x3FD2] =	sst s25  }
0xa6: {  	s5 =	sshll.u32 s26, $0x1;
	_ =	strace $0x80000049;
	[dreg:$0x1] =	wrdreg $0xFFFFFFFF  }
0xa7: {  	s28 =	simm.s32 $_size_execute0_lowered;
	s3 =	sadd.s32 s3, s5;
	[dreg:$0x0] =	wrdreg $0x0  }
0xa8: {  	s5 =	sshll.u32 s28, $0x1;
	[dreg:$0x2] =	wrdreg s3  }
0xa9: {  	[dreg:$0x3] =	wrdreg s5  }
0xaa: {  	[dreg:$0x4] =	wrdreg $0xC0  }
0xab: {  	_ =	task [dreg:s7], $0x5FFFF  }
0xac: {  	[dreg:$0x1] =	wrdreg $0xFFFFFFFF  }
0xad: {  	[dreg:$0x0] =	wrdreg $0x60  }
0xae: {  	[dreg:$0x2] =	wrdreg s24  }
0xaf: {  	[dreg:$0x3] =	wrdreg s2  }
0xb0: {  	[dreg:$0x4] =	wrdreg $0xE0000  }
0xb1: {  	[dreg:$0x5] =	wrdreg $0x9  }
0xb2: {  	_ =	task.clear_ibuf [dreg:s7], $0x6FFFF;
	_ =	strace $0x90000049  }
0xb3: {  	s29 =	simm.s32 $0x9;
	_ =	strace $0x8000004B  }
0xb4: {  	_ =	swait.ge [sflag:s29], $0x1  }
0xb5: {  	[sflag:s29] =	ssyncadd.s32 $0xFFFFFFFF  }
0xb6: {  	_ =	strace $0x9000004B  }
0xb7: {  	_ =	sfence  }
0xb8: {  	s30 =	sld [smem:$0x0];
	_ =	sdelay $0x2  }
0xb9: {  	s31 =	sshll.u32 s1, $0xD;
	s1 =	sshrl.u32 s1, $0x2  }
0xba: {  	s3 =	sand.u32 $0x4000, s31;
	s1 =	sadd.s32 s1, s30  }
0xbb: {  	s0 =	sor.u32 s3, s0;
	s1 =	sshll.u32 s1, $0x11  }
0xbc: {  	s0 =	sor.u32 s1, s0  }
0xbd: {  	s0 =	sadd.s32 $0x8F2B, s0  }
0xbe: {  	[sflag:s0] =	ssyncadd.remote.s32 $0x1  }
0xbf: {  	_ =	sfence.sel $0xFFFF  }
0xc0: {  	[dreg:$0x0] =	wrdreg $0xFFFFFFFF;
	(pc) =	sbr.abs _section_cstart, $3  }
0xc1: {  	[dreg:$0x1] =	wrdreg $0xFFFFFFFF  }
0xc2: {  	_ =	task.clear_ibuf [dreg:s7], $0x2FFFF;
	_ =	strace $0x9FFFFFFF  }
0xc3: {  	(tm) =	ssettm $0x7FFFFFFF  }
tec
execute0_lowered:
.L_overlay_start_1:
0x0: {  	(tag) =	ssettag $0x1  }
0x1: {  	s0 =	rddreg [dreg:$0x0]  }
0x2: {  	s2 =	rddreg [dreg:$0x1]  }
0x3: {  	s3 =	rddreg [dreg:$0x2];
	s12 =	stileid.u32;
	s4 =	simm.s32 $0x0  }
0x4: {  	s8 =	srdreg.scid;
	s28 =	simm.s32 $0x1;
	s29 =	simm.s32 $0x2  }
0x5: {  	s1 =	smul.u32 $0xA00, s12;
	[smem:$0x7FF] =	sst s4;
	s5 =	sadd.s32 $0x44600, s0  }
0x6: {  	s6 =	sadd.s32 $0x58600, s0;
	s7 =	sadd.s32 $0x6C600, s0;
	s13 =	sadd.s32 $0x80600, s0  }
0x7: {  	s16 =	sadd.s32 $0x94000, s0;
	s8 =	sand.u32 $0x1, s8;
	s17 =	sadd.s32 $0xA7A00, s0  }
0x8: {  	s10 =	smul.u32 $0x9C00, s12;
	_ =	strace $0x8000004A;
	[dreg:$0x5] =	wrdreg s16  }
0x9: {  	s18 =	sadd.s32 $0xBB400, s0;
	s11 =	smul.u32 $0x28000, s12;
	[dreg:$0x4] =	wrdreg s13  }
0xa: {  	s9 =	ssub.s32 $0x2, s8;
	p0 =	sne.s32 s8, $0x0;
	[dreg:$0x7] =	wrdreg s18  }
0xb: {  	[dreg:$0x6] =	wrdreg s17;
	s1 =	sadd.s32 s1, s0;
	s26 =	sshrl.u32 s9, $0x1  }
0xc: {  	s15 =	sadd.s32 $0x8000, s10;
	s19 =	sshrl.u32 s11, $0x2;
	s25 =	sadd.s32 $0x6000, s10  }
0xd: {  	s11 =	sadd.s32 $0x2000, s10;
	s0 =	ssub.s32 s9, s26;
	s14 =	sadd.s32 $0xD600, s1  }
0xe: {  	s1 =	sadd.s32 $0x3600, s1;
	s20 =	sshrl.u32 s15, $0x3;
	[dreg:$0x8] =	wrdreg s14  }
0xf: {  	s26 =	sadd.s32 $0x4000, s10;
	[dreg:$0x9] =	wrdreg s1;
	s21 =	sadd.s32 s13, s20  }
0x10: {  	s14 =	sadd.s32 s19, s3;
	s22 =	sadd.s32 s16, s20;
	[dreg:$0xa] =	wrdreg s21  }
0x11: {  	s23 =	sadd.s32 s17, s20;
	s24 =	sadd.s32 s18, s20;
	[dreg:$0xb] =	wrdreg s22  }
0x12: {  	s0 =	smax.u32 s0, $0x1;
	s19 =	sshrl.u32 s10, $0x3;
	[dreg:$0xc] =	wrdreg s23  }
0x13: {  	s9 =	sshrl.u32 s26, $0x3;
	s1 =	sshrl.u32 s25, $0x3;
	[dreg:$0xd] =	wrdreg s24  }
0x14: {  	[dreg:$0xe] =	wrdreg s0;
	s21 =	sadd.s32 s10, s3;
	s20 =	sadd.s32 s16, s19  }
0x15: {  	s24 =	sadd.s32 s25, s3;
	s25 =	sadd.s32 s13, s19;
	[dreg:$0xf] =	wrdreg s20  }
0x16: {  	s23 =	sadd.s32 s26, s3;
	s26 =	sadd.s32 s18, s19;
	[dreg:$0x10] =	wrdreg s25  }
0x17: {  	s10 =	sshrl.u32 s11, $0x3;
	s8 =	sadd.s32 s17, s19;
	[dreg:$0x11] =	wrdreg s26  }
0x18: {  	s22 =	sadd.s32 s11, s3;
	[dreg:$0x12] =	wrdreg s8;
	s11 =	sadd.s32 s16, s10  }
0x19: {  	p1 =	seq.s32 s12, $0xF;
	s19 =	sadd.s32 s13, s10;
	[dreg:$0x13] =	wrdreg s11  }
0x1a: {  	p2 =	sne.s32 s12, $0xF;
	s20 =	sadd.s32 s18, s10;
	[dreg:$0x14] =	wrdreg s19  }
0x1b: {  	s30 =	sadd.s32 $0x9C000, s3;
	s25 =	sadd.s32 s17, s10;
	[dreg:$0x15] =	wrdreg s20  }
0x1c: {  	s15 =	sadd.s32 s15, s3;
	s26 =	sadd.s32 s16, s9;
	[dreg:$0x16] =	wrdreg s25  }
0x1d: {  	s31 =	sadd.s32 $0x2000, s14;
	s8 =	sadd.s32 s13, s9;
	[dreg:$0x17] =	wrdreg s26  }
0x1e: {  	s0 =	sadd.s32 $0x4000, s14;
	s10 =	sadd.s32 s18, s9;
	[dreg:$0x18] =	wrdreg s8  }
0x1f: {  	[dreg:$0x19] =	wrdreg s10;
	s11 =	sadd.s32 s17, s9;
	s19 =	sadd.s32 s16, s1  }
0x20: {  	s20 =	sadd.s32 s13, s1;
	s25 =	sadd.s32 s18, s1;
	[dreg:$0x1a] =	wrdreg s11  }
.Ltmp0:
0x21: {  	s26 =	sadd.s32 s17, s1;
	[dreg:$0x1b] =	wrdreg s19;
	(pc) =	sbr.rel .LBB2_1-.Ltmp0, $4  }
0x22: {  	s1 =	sadd.s32 $0x6000, s14;
	s16 =	sadd.s32 $0x8000, s14;
	[dreg:$0x1c] =	wrdreg s20  }
0x23: {  	s17 =	simm.s32 $0x3;
	s8 =	simm.s32 $0x9F80;
	[dreg:$0x1d] =	wrdreg s25  }
0x24: {  	s9 =	simm.s32 $0x4F80;
	s10 =	simm.s32 $0x0;
	[dreg:$0x1e] =	wrdreg s26  }
0x25: {  	v0 =	vimm.f32 $0.0e+00;
	s19 =	simm.s32 $0xA000;
	s25 =	simm.s32 $0x80;
	s26 =	simm.s32 $0xC000  }
.LBB2_20:
0x26: {  	[tilespmem:s19], [sflag:$0x3] =	stream.linear.gather [spmem:s30], $0x400, $0x38;
	[tilespmem:$0x18000] =	vst v63  }
0x27: {  	_ =	swait.ge [sflag:s17], $0x400  }
0x28: {  	[sflag:s17] =	ssyncset.done $0x0  }
0x29: {  	s11 =	sadd.s32 $0x13800, s11;
	[sflag:s17] =	ssyncadd.s32 $0xFFFFFC00  }
0x2a: {  	[hbm4b:s11+s4] =	stream.linear.scatter [tilespmem:s19], [sflag:$0x3], $0x400, $0x38;
	[tilespmem:$0x18000] =	vst v63  }
0x2b: {  	_ =	swait.ge [sflag:s17], $0x400  }
0x2c: {  	[sflag:s17] =	ssyncset.done $0x0  }
0x2d: {  	[sflag:s17] =	ssyncadd.s32 $0xFFFFFC00  }
.LBB2_21:
0x2e: {  	s10 =	sadd.s32 $0x1, s10;
	s11 =	rddreg [dreg:$0xe]  }
0x2f: {  	p3 =	sne.s32 s10, s11  }
.Ltmp1:
0x30: {  	_ = 	snop;
	(pc) =	sbr.rel @!p3 .LBB2_22-.Ltmp1, $1  }
0x31: {  	_ =	sdelay $0x3  }
.LBB2_1:
0x32: {  	s11 =	rddreg [dreg:$0x8]  }
0x33: {  	[tilespmem:s4], [sflag:$0x3] =	stream.linear.gather [hbm4b:s11+s4], $0x5000, $0x38;
	[tilespmem:$0x18000] =	vst v63  }
0x34: {  	_ =	swait.ge [sflag:s17], $0x5000  }
0x35: {  	[sflag:s17] =	ssyncset.done $0x0  }
0x36: {  	s12 =	simm.s32 $0x5000;
	s20 =	rddreg [dreg:$0x9];
	[sflag:s17] =	ssyncadd.s32 $0xFFFFB000  }
0x37: {  	[tilespmem:s12], [sflag:$0x3] =	stream.linear.gather [hbm4b:s20+s4], $0x5000, $0x38;
	[tilespmem:$0x18000] =	vst v63  }
0x38: {  	_ =	swait.ge [sflag:s17], $0x5000  }
0x39: {  	[sflag:s17] =	ssyncset.done $0x0  }
0x3a: {  	s11 =	simm.s32 $0x0;
	s12 =	simm.s32 $0x100;
	[sflag:s17] =	ssyncadd.s32 $0xFFFFB000  }
.LBB2_2:
0x3b: {  	p3 =	sne.s32 s12, $0x7F00;
	[tilespmem:s11+$0xA030] =	vst v0;
	s13 =	smov.u32 s12;
	s12 =	sadd.s32 $0x100, s12  }
.Ltmp2:
0x3c: {  	[tilespmem:s11+$0xA020] =	vst v0;
	(pc) =	sbr.rel @p3 .LBB2_2-.Ltmp2, $3  }
0x3d: {  	[tilespmem:s11+$0xA000] =	vst v0  }
0x3e: {  	[tilespmem:s11+$0xA010] =	vst v0;
	_ =	sdelay $0x1  }
0x3f: {  	s11 =	sshra.s32 s13, $0x2  }
0x40: {  	[tilespmem:s11+$0xA030] =	vst v0  }
0x41: {  	[tilespmem:s11+$0xA020] =	vst v0  }
0x42: {  	[tilespmem:s11+$0xA000] =	vst v0  }
0x43: {  	[tilespmem:s11+$0xA010] =	vst v0  }
0x44: {  	[spmem:s14] =	stream.linear.scatter [tilespmem:s19], [sflag:$0x3], $0x2000, $0x38;
	[tilespmem:$0x18000] =	vst v63  }
0x45: {  	_ =	swait.ge [sflag:s17], $0x2000  }
0x46: {  	[sflag:s17] =	ssyncset.done $0x0  }
0x47: {  	[sflag:s17] =	ssyncadd.s32 $0xFFFFE000  }
0x48: {  	[spmem:s31] =	stream.linear.scatter [tilespmem:s19], [sflag:$0x3], $0x2000, $0x38;
	[tilespmem:$0x18000] =	vst v63  }
0x49: {  	_ =	swait.ge [sflag:s17], $0x2000  }
0x4a: {  	[sflag:s17] =	ssyncset.done $0x0  }
0x4b: {  	[sflag:s17] =	ssyncadd.s32 $0xFFFFE000  }
0x4c: {  	[spmem:s0] =	stream.linear.scatter [tilespmem:s19], [sflag:$0x3], $0x2000, $0x38;
	[tilespmem:$0x18000] =	vst v63  }
0x4d: {  	_ =	swait.ge [sflag:s17], $0x2000  }
0x4e: {  	[sflag:s17] =	ssyncset.done $0x0  }
0x4f: {  	[sflag:s17] =	ssyncadd.s32 $0xFFFFE000  }
0x50: {  	[spmem:s1] =	stream.linear.scatter [tilespmem:s19], [sflag:$0x3], $0x2000, $0x38;
	[tilespmem:$0x18000] =	vst v63  }
0x51: {  	_ =	swait.ge [sflag:s17], $0x2000  }
0x52: {  	[sflag:s17] =	ssyncset.done $0x0  }
0x53: {  	[sflag:s17] =	ssyncadd.s32 $0xFFFFE000  }
0x54: {  	[spmem:s16] =	stream.linear.scatter [tilespmem:s19], [sflag:$0x3], $0x2000, $0x38;
	[tilespmem:$0x18000] =	vst v63  }
.Ltmp3:
0x55: {  	_ =	swait.ge [sflag:s17], $0x2000;
	(pc) =	sbr.rel @p0 .LBB2_7-.Ltmp3, $3  }
0x56: {  	[sflag:s17] =	ssyncset.done $0x0  }
0x57: {  	[sflag:s17] =	ssyncadd.s32 $0xFFFFE000  }
0x58: {  	[bflag:$0x0] =	sbarrier.arrive $0xFFFF;
	_ =	sdelay $0x1  }
0x59: {  	s11 =	simm.s32 $0x5000  }
0x5a: {  	[tilespmem:s19], [sflag:$0x1] =	stream.indirect.gather [hbm4b:s2+s25], $0x40, s11, s25, $0xb8;
	[tilespmem:$0x18000] =	vst v63  }
0x5b: {  	s12 =	simm.s32 $0x5080  }
0x5c: {  	[tilespmem:s26], [sflag:$0x2] =	stream.indirect.gather [hbm4b:s2+s25], $0x40, s12, s25, $0xb8;
	[tilespmem:$0x18000] =	vst v63  }
0x5d: {  	_ =	swait.ge [sflag:s28], $0x2000  }
0x5e: {  	[sflag:s28] =	ssyncset.done $0x0  }
0x5f: {  	s13 =	simm.s32 $0x0;
	[sflag:s28] =	ssyncadd.s32 $0xFFFFE000  }
0x60: {  	[spmem:s3] =	stream.indirect.scatter.add.f32 [tilespmem:s19], [sflag:$0x3], $0x40, s13, s25, $0xb8;
	[tilespmem:$0x18000] =	vst v63  }
0x61: {  	_ =	swait.ge [sflag:s17], $0x2000  }
0x62: {  	[sflag:s17] =	ssyncset.done $0x0  }
0x63: {  	s18 =	simm.s32 $0x5100;
	[sflag:s17] =	ssyncadd.s32 $0xFFFFE000  }
0x64: {  	[tilespmem:s19], [sflag:$0x1] =	stream.indirect.gather [hbm4b:s2+s25], $0x40, s18, s25, $0xb8;
	[tilespmem:$0x18000] =	vst v63  }
0x65: {  	_ =	swait.ge [sflag:s29], $0x2000  }
0x66: {  	[sflag:s29] =	ssyncset.done $0x0  }
0x67: {  	s20 =	simm.s32 $0x80;
	[sflag:s29] =	ssyncadd.s32 $0xFFFFE000  }
0x68: {  	[spmem:s3] =	stream.indirect.scatter.add.f32 [tilespmem:s26], [sflag:$0x3], $0x40, s20, s25, $0xb8;
	[tilespmem:$0x18000] =	vst v63  }
0x69: {  	_ =	swait.ge [sflag:s17], $0x2000  }
0x6a: {  	s11 =	simm.s32 $0x100;
	s12 =	simm.s32 $0x800;
	[sflag:s17] =	ssyncset.done $0x0  }
.LBB2_5:
0x6b: {  	s13 =	sadd.s32 $0x5080, s11  }
0x6c: {  	[sflag:s17] =	ssyncadd.s32 $0xFFFFE000;
	s20 =	smov.u32 s12;
	s18 =	sadd.s32 $0x400, s12  }
0x6d: {  	[tilespmem:s26], [sflag:$0x2] =	stream.indirect.gather [hbm4b:s2+s25], $0x40, s13, s25, $0xb8;
	[tilespmem:$0x18000] =	vst v63  }
0x6e: {  	p3 =	seq.s32 s12, $0x13800;
	_ =	swait.ge [sflag:s28], $0x2000  }
0x6f: {  	[sflag:s28] =	ssyncset.done $0x0  }
0x70: {  	[sflag:s28] =	ssyncadd.s32 $0xFFFFE000  }
0x71: {  	[spmem:s3] =	stream.indirect.scatter.add.f32 [tilespmem:s19], [sflag:$0x3], $0x40, s11, s25, $0xb8;
	[tilespmem:$0x18000] =	vst v63  }
0x72: {  	_ =	swait.ge [sflag:s17], $0x2000  }
0x73: {  	[sflag:s17] =	ssyncset.done $0x0  }
0x74: {  	s12 =	sadd.s32 $0x5100, s11;
	[sflag:s17] =	ssyncadd.s32 $0xFFFFE000  }
0x75: {  	[tilespmem:s19], [sflag:$0x1] =	stream.indirect.gather [hbm4b:s2+s25], $0x40, s12, s25, $0xb8;
	[tilespmem:$0x18000] =	vst v63  }
0x76: {  	_ =	swait.ge [sflag:s29], $0x2000  }
.Ltmp4:
0x77: {  	[sflag:s29] =	ssyncset.done $0x0;
	(pc) =	sbr.rel @!p3 .LBB2_5-.Ltmp4, $4  }
0x78: {  	s11 =	sadd.s32 $0x80, s11;
	[sflag:s29] =	ssyncadd.s32 $0xFFFFE000  }
0x79: {  	[spmem:s3] =	stream.indirect.scatter.add.f32 [tilespmem:s26], [sflag:$0x3], $0x40, s11, s25, $0xb8;
	[tilespmem:$0x18000] =	vst v63  }
0x7a: {  	_ =	swait.ge [sflag:s17], $0x2000  }
0x7b: {  	s12 =	smov.u32 s18;
	s11 =	sshra.s32 s20, $0x2;
	[sflag:s17] =	ssyncset.done $0x0  }
0x7c: {  	s12 =	sadd.s32 $0x5080, s11;
	[sflag:s17] =	ssyncadd.s32 $0xFFFFE000  }
0x7d: {  	[tilespmem:s26], [sflag:$0x2] =	stream.indirect.gather [hbm4b:s2+s25], $0x40, s12, s25, $0xb8;
	[tilespmem:$0x18000] =	vst v63  }
0x7e: {  	_ =	swait.ge [sflag:s28], $0x2000  }
0x7f: {  	[sflag:s28] =	ssyncset.done $0x0  }
0x80: {  	[sflag:s28] =	ssyncadd.s32 $0xFFFFE000  }
0x81: {  	[spmem:s3] =	stream.indirect.scatter.add.f32 [tilespmem:s19], [sflag:$0x3], $0x40, s11, s25, $0xb8;
	[tilespmem:$0x18000] =	vst v63  }
0x82: {  	_ =	swait.ge [sflag:s17], $0x2000  }
0x83: {  	[sflag:s17] =	ssyncset.done $0x0  }
0x84: {  	s20 =	sadd.s32 $0x5100, s11;
	[sflag:s17] =	ssyncadd.s32 $0xFFFFE000  }
0x85: {  	[tilespmem:s19], [sflag:$0x1] =	stream.indirect.gather [hbm4b:s2+s25], $0x40, s20, s25, $0xb8;
	[tilespmem:$0x18000] =	vst v63  }
0x86: {  	_ =	swait.ge [sflag:s29], $0x2000  }
0x87: {  	[sflag:s29] =	ssyncset.done $0x0  }
0x88: {  	s13 =	sadd.s32 $0x80, s11;
	[sflag:s29] =	ssyncadd.s32 $0xFFFFE000  }
0x89: {  	[spmem:s3] =	stream.indirect.scatter.add.f32 [tilespmem:s26], [sflag:$0x3], $0x40, s13, s25, $0xb8;
	[tilespmem:$0x18000] =	vst v63  }
0x8a: {  	_ =	swait.ge [sflag:s17], $0x2000  }
0x8b: {  	[sflag:s17] =	ssyncset.done $0x0  }
0x8c: {  	[sflag:s17] =	ssyncadd.s32 $0xFFFFE000  }
0x8d: {  	[tilespmem:s26], [sflag:$0x2] =	stream.indirect.gather [hbm4b:s2+s25], $0x40, s8, s25, $0xb8;
	[tilespmem:$0x18000] =	vst v63  }
0x8e: {  	_ =	swait.ge [sflag:s28], $0x2000  }
0x8f: {  	[sflag:s28] =	ssyncset.done $0x0  }
0x90: {  	s18 =	simm.s32 $0x4F00;
	[sflag:s28] =	ssyncadd.s32 $0xFFFFE000  }
0x91: {  	[spmem:s3] =	stream.indirect.scatter.add.f32 [tilespmem:s19], [sflag:$0x3], $0x40, s18, s25, $0xb8;
	[tilespmem:$0x18000] =	vst v63  }
0x92: {  	_ =	swait.ge [sflag:s17], $0x2000  }
0x93: {  	[sflag:s17] =	ssyncset.done $0x0  }
0x94: {  	[sflag:s17] =	ssyncadd.s32 $0xFFFFE000  }
0x95: {  	_ =	swait.ge [sflag:s29], $0x2000  }
0x96: {  	[sflag:s29] =	ssyncset.done $0x0  }
0x97: {  	[sflag:s29] =	ssyncadd.s32 $0xFFFFE000  }
0x98: {  	[spmem:s3] =	stream.indirect.scatter.add.f32 [tilespmem:s26], [sflag:$0x3], $0x40, s9, s25, $0xb8;
	[tilespmem:$0x18000] =	vst v63  }
0x99: {  	_ =	swait.ge [sflag:s17], $0x2000  }
0x9a: {  	[sflag:s17] =	ssyncset.done $0x0  }
0x9b: {  	[sflag:s17] =	ssyncadd.s32 $0xFFFFE000  }
0x9c: {  	[bflag:$0x0] =	sbarrier.arrive $0xFFFF  }
0x9d: {  	[tilespmem:s19], [sflag:$0x3] =	stream.linear.gather [spmem:s21], $0x2000, $0x38;
	[tilespmem:$0x18000] =	vst v63  }
0x9e: {  	_ =	swait.ge [sflag:s17], $0x2000  }
0x9f: {  	[sflag:s17] =	ssyncset.done $0x0  }
0xa0: {  	s20 =	rddreg [dreg:$0x10];
	[sflag:s17] =	ssyncadd.s32 $0xFFFFE000  }
0xa1: {  	[hbm4b:s20+s4] =	stream.linear.scatter [tilespmem:s19], [sflag:$0x3], $0x2000, $0x38;
	[tilespmem:$0x18000] =	vst v63  }
0xa2: {  	_ =	swait.ge [sflag:s17], $0x2000  }
0xa3: {  	[sflag:s17] =	ssyncset.done $0x0  }
0xa4: {  	[sflag:s17] =	ssyncadd.s32 $0xFFFFE000  }
0xa5: {  	[tilespmem:s19], [sflag:$0x3] =	stream.linear.gather [spmem:s22], $0x2000, $0x38;
	[tilespmem:$0x18000] =	vst v63  }
0xa6: {  	_ =	swait.ge [sflag:s17], $0x2000  }
0xa7: {  	[sflag:s17] =	ssyncset.done $0x0  }
0xa8: {  	s12 =	rddreg [dreg:$0x14];
	[sflag:s17] =	ssyncadd.s32 $0xFFFFE000  }
0xa9: {  	[hbm4b:s12+s4] =	stream.linear.scatter [tilespmem:s19], [sflag:$0x3], $0x2000, $0x38;
	[tilespmem:$0x18000] =	vst v63  }
0xaa: {  	_ =	swait.ge [sflag:s17], $0x2000  }
0xab: {  	[sflag:s17] =	ssyncset.done $0x0  }
0xac: {  	[sflag:s17] =	ssyncadd.s32 $0xFFFFE000  }
0xad: {  	[tilespmem:s19], [sflag:$0x3] =	stream.linear.gather [spmem:s23], $0x2000, $0x38;
	[tilespmem:$0x18000] =	vst v63  }
0xae: {  	_ =	swait.ge [sflag:s17], $0x2000  }
0xaf: {  	[sflag:s17] =	ssyncset.done $0x0  }
0xb0: {  	s13 =	rddreg [dreg:$0x18];
	[sflag:s17] =	ssyncadd.s32 $0xFFFFE000  }
0xb1: {  	[hbm4b:s13+s4] =	stream.linear.scatter [tilespmem:s19], [sflag:$0x3], $0x2000, $0x38;
	[tilespmem:$0x18000] =	vst v63  }
0xb2: {  	_ =	swait.ge [sflag:s17], $0x2000  }
0xb3: {  	[sflag:s17] =	ssyncset.done $0x0  }
0xb4: {  	[sflag:s17] =	ssyncadd.s32 $0xFFFFE000  }
0xb5: {  	[tilespmem:s19], [sflag:$0x3] =	stream.linear.gather [spmem:s24], $0x2000, $0x38;
	[tilespmem:$0x18000] =	vst v63  }
0xb6: {  	_ =	swait.ge [sflag:s17], $0x2000  }
0xb7: {  	[sflag:s17] =	ssyncset.done $0x0  }
0xb8: {  	s18 =	rddreg [dreg:$0x1c];
	[sflag:s17] =	ssyncadd.s32 $0xFFFFE000  }
0xb9: {  	[hbm4b:s18+s4] =	stream.linear.scatter [tilespmem:s19], [sflag:$0x3], $0x2000, $0x38;
	[tilespmem:$0x18000] =	vst v63  }
0xba: {  	_ =	swait.ge [sflag:s17], $0x2000  }
0xbb: {  	[sflag:s17] =	ssyncset.done $0x0  }
0xbc: {  	[sflag:s17] =	ssyncadd.s32 $0xFFFFE000  }
0xbd: {  	[tilespmem:s19], [sflag:$0x3] =	stream.linear.gather [spmem:s15], $0x1C00, $0x38;
	[tilespmem:$0x18000] =	vst v63  }
0xbe: {  	_ =	swait.ge [sflag:s17], $0x1C00  }
0xbf: {  	[sflag:s17] =	ssyncset.done $0x0  }
.Ltmp5:
0xc0: {  	s20 =	rddreg [dreg:$0xa];
	[sflag:s17] =	ssyncadd.s32 $0xFFFFE400;
	(pc) =	sbr.rel @!p1 .LBB2_11-.Ltmp5, $4  }
0xc1: {  	[hbm4b:s20+s4] =	stream.linear.scatter [tilespmem:s19], [sflag:$0x3], $0x1C00, $0x38;
	[tilespmem:$0x18000] =	vst v63  }
0xc2: {  	_ =	swait.ge [sflag:s17], $0x1C00  }
0xc3: {  	[sflag:s17] =	ssyncset.done $0x0  }
0xc4: {  	s11 =	rddreg [dreg:$0x4];
	[sflag:s17] =	ssyncadd.s32 $0xFFFFE400  }
.LBB2_10:
0xc5: {  	[tilespmem:s19], [sflag:$0x3] =	stream.linear.gather [spmem:s30], $0x400, $0x38;
	[tilespmem:$0x18000] =	vst v63  }
0xc6: {  	_ =	swait.ge [sflag:s17], $0x400  }
0xc7: {  	[sflag:s17] =	ssyncset.done $0x0  }
0xc8: {  	s11 =	sadd.s32 $0x13800, s11;
	[sflag:s17] =	ssyncadd.s32 $0xFFFFFC00  }
0xc9: {  	[hbm4b:s11+s4] =	stream.linear.scatter [tilespmem:s19], [sflag:$0x3], $0x400, $0x38;
	[tilespmem:$0x18000] =	vst v63  }
0xca: {  	_ =	swait.ge [sflag:s17], $0x400  }
0xcb: {  	[sflag:s17] =	ssyncset.done $0x0  }
0xcc: {  	[sflag:s17] =	ssyncadd.s32 $0xFFFFFC00  }
.LBB2_11:
0xcd: {  	s12 =	simm.s32 $0x100;
	s11 =	simm.s32 $0x0  }
.LBB2_12:
0xce: {  	p3 =	sne.s32 s12, $0x7F00;
	[tilespmem:s11+$0xA030] =	vst v0;
	s13 =	smov.u32 s12;
	s12 =	sadd.s32 $0x100, s12  }
.Ltmp6:
0xcf: {  	[tilespmem:s11+$0xA020] =	vst v0;
	(pc) =	sbr.rel @p3 .LBB2_12-.Ltmp6, $3  }
0xd0: {  	[tilespmem:s11+$0xA000] =	vst v0  }
0xd1: {  	[tilespmem:s11+$0xA010] =	vst v0;
	_ =	sdelay $0x1  }
0xd2: {  	s11 =	sshra.s32 s13, $0x2  }
0xd3: {  	[tilespmem:s11+$0xA030] =	vst v0  }
0xd4: {  	[tilespmem:s11+$0xA020] =	vst v0  }
0xd5: {  	[tilespmem:s11+$0xA000] =	vst v0  }
0xd6: {  	[tilespmem:s11+$0xA010] =	vst v0  }
0xd7: {  	[spmem:s14] =	stream.linear.scatter [tilespmem:s19], [sflag:$0x3], $0x2000, $0x38;
	[tilespmem:$0x18000] =	vst v63  }
0xd8: {  	_ =	swait.ge [sflag:s17], $0x2000  }
0xd9: {  	[sflag:s17] =	ssyncset.done $0x0  }
0xda: {  	[sflag:s17] =	ssyncadd.s32 $0xFFFFE000  }
0xdb: {  	[spmem:s31] =	stream.linear.scatter [tilespmem:s19], [sflag:$0x3], $0x2000, $0x38;
	[tilespmem:$0x18000] =	vst v63  }
0xdc: {  	_ =	swait.ge [sflag:s17], $0x2000  }
0xdd: {  	[sflag:s17] =	ssyncset.done $0x0  }
0xde: {  	[sflag:s17] =	ssyncadd.s32 $0xFFFFE000  }
0xdf: {  	[spmem:s0] =	stream.linear.scatter [tilespmem:s19], [sflag:$0x3], $0x2000, $0x38;
	[tilespmem:$0x18000] =	vst v63  }
0xe0: {  	_ =	swait.ge [sflag:s17], $0x2000  }
0xe1: {  	[sflag:s17] =	ssyncset.done $0x0  }
0xe2: {  	[sflag:s17] =	ssyncadd.s32 $0xFFFFE000  }
0xe3: {  	[spmem:s1] =	stream.linear.scatter [tilespmem:s19], [sflag:$0x3], $0x2000, $0x38;
	[tilespmem:$0x18000] =	vst v63  }
0xe4: {  	_ =	swait.ge [sflag:s17], $0x2000  }
0xe5: {  	[sflag:s17] =	ssyncset.done $0x0  }
0xe6: {  	[sflag:s17] =	ssyncadd.s32 $0xFFFFE000  }
0xe7: {  	[spmem:s16] =	stream.linear.scatter [tilespmem:s19], [sflag:$0x3], $0x2000, $0x38;
	[tilespmem:$0x18000] =	vst v63  }
.Ltmp7:
0xe8: {  	_ =	swait.ge [sflag:s17], $0x2000;
	(pc) =	sbr.rel @p0 .LBB2_17-.Ltmp7, $3  }
0xe9: {  	[sflag:s17] =	ssyncset.done $0x0  }
0xea: {  	[sflag:s17] =	ssyncadd.s32 $0xFFFFE000  }
0xeb: {  	[bflag:$0x0] =	sbarrier.arrive $0xFFFF;
	_ =	sdelay $0x1  }
0xec: {  	s11 =	simm.s32 $0x5000  }
0xed: {  	[tilespmem:s19], [sflag:$0x1] =	stream.indirect.gather [hbm4b:s5+s25], $0x40, s11, s25, $0xb8;
	[tilespmem:$0x18000] =	vst v63  }
0xee: {  	s12 =	simm.s32 $0x5080  }
0xef: {  	[tilespmem:s26], [sflag:$0x2] =	stream.indirect.gather [hbm4b:s5+s25], $0x40, s12, s25, $0xb8;
	[tilespmem:$0x18000] =	vst v63  }
0xf0: {  	_ =	swait.ge [sflag:s28], $0x2000  }
0xf1: {  	[sflag:s28] =	ssyncset.done $0x0  }
0xf2: {  	s13 =	simm.s32 $0x0;
	[sflag:s28] =	ssyncadd.s32 $0xFFFFE000  }
0xf3: {  	[spmem:s3] =	stream.indirect.scatter.add.f32 [tilespmem:s19], [sflag:$0x3], $0x40, s13, s25, $0xb8;
	[tilespmem:$0x18000] =	vst v63  }
0xf4: {  	_ =	swait.ge [sflag:s17], $0x2000  }
0xf5: {  	[sflag:s17] =	ssyncset.done $0x0  }
0xf6: {  	s18 =	simm.s32 $0x5100;
	[sflag:s17] =	ssyncadd.s32 $0xFFFFE000  }
0xf7: {  	[tilespmem:s19], [sflag:$0x1] =	stream.indirect.gather [hbm4b:s5+s25], $0x40, s18, s25, $0xb8;
	[tilespmem:$0x18000] =	vst v63  }
0xf8: {  	_ =	swait.ge [sflag:s29], $0x2000  }
0xf9: {  	[sflag:s29] =	ssyncset.done $0x0  }
0xfa: {  	s20 =	simm.s32 $0x80;
	[sflag:s29] =	ssyncadd.s32 $0xFFFFE000  }
0xfb: {  	[spmem:s3] =	stream.indirect.scatter.add.f32 [tilespmem:s26], [sflag:$0x3], $0x40, s20, s25, $0xb8;
	[tilespmem:$0x18000] =	vst v63  }
0xfc: {  	_ =	swait.ge [sflag:s17], $0x2000  }
0xfd: {  	s11 =	simm.s32 $0x100;
	s12 =	simm.s32 $0x800;
	[sflag:s17] =	ssyncset.done $0x0  }
.LBB2_15:
0xfe: {  	s13 =	sadd.s32 $0x5080, s11  }
0xff: {  	[sflag:s17] =	ssyncadd.s32 $0xFFFFE000;
	s18 =	smov.u32 s12;
	s20 =	sadd.s32 $0x400, s12  }
0x100: {  	[tilespmem:s26], [sflag:$0x2] =	stream.indirect.gather [hbm4b:s5+s25], $0x40, s13, s25, $0xb8;
	[tilespmem:$0x18000] =	vst v63  }
0x101: {  	p3 =	seq.s32 s12, $0x13800;
	_ =	swait.ge [sflag:s28], $0x2000  }
0x102: {  	[sflag:s28] =	ssyncset.done $0x0  }
0x103: {  	[sflag:s28] =	ssyncadd.s32 $0xFFFFE000  }
0x104: {  	[spmem:s3] =	stream.indirect.scatter.add.f32 [tilespmem:s19], [sflag:$0x3], $0x40, s11, s25, $0xb8;
	[tilespmem:$0x18000] =	vst v63  }
0x105: {  	_ =	swait.ge [sflag:s17], $0x2000  }
0x106: {  	[sflag:s17] =	ssyncset.done $0x0  }
0x107: {  	s12 =	sadd.s32 $0x5100, s11;
	[sflag:s17] =	ssyncadd.s32 $0xFFFFE000  }
0x108: {  	[tilespmem:s19], [sflag:$0x1] =	stream.indirect.gather [hbm4b:s5+s25], $0x40, s12, s25, $0xb8;
	[tilespmem:$0x18000] =	vst v63  }
0x109: {  	_ =	swait.ge [sflag:s29], $0x2000  }
.Ltmp8:
0x10a: {  	[sflag:s29] =	ssyncset.done $0x0;
	(pc) =	sbr.rel @!p3 .LBB2_15-.Ltmp8, $4  }
0x10b: {  	s11 =	sadd.s32 $0x80, s11;
	[sflag:s29] =	ssyncadd.s32 $0xFFFFE000  }
0x10c: {  	[spmem:s3] =	stream.indirect.scatter.add.f32 [tilespmem:s26], [sflag:$0x3], $0x40, s11, s25, $0xb8;
	[tilespmem:$0x18000] =	vst v63  }
0x10d: {  	_ =	swait.ge [sflag:s17], $0x2000  }
0x10e: {  	s12 =	smov.u32 s20;
	s11 =	sshra.s32 s18, $0x2;
	[sflag:s17] =	ssyncset.done $0x0  }
0x10f: {  	s12 =	sadd.s32 $0x5080, s11;
	[sflag:s17] =	ssyncadd.s32 $0xFFFFE000  }
0x110: {  	[tilespmem:s26], [sflag:$0x2] =	stream.indirect.gather [hbm4b:s5+s25], $0x40, s12, s25, $0xb8;
	[tilespmem:$0x18000] =	vst v63  }
0x111: {  	_ =	swait.ge [sflag:s28], $0x2000  }
0x112: {  	[sflag:s28] =	ssyncset.done $0x0  }
0x113: {  	[sflag:s28] =	ssyncadd.s32 $0xFFFFE000  }
0x114: {  	[spmem:s3] =	stream.indirect.scatter.add.f32 [tilespmem:s19], [sflag:$0x3], $0x40, s11, s25, $0xb8;
	[tilespmem:$0x18000] =	vst v63  }
0x115: {  	_ =	swait.ge [sflag:s17], $0x2000  }
0x116: {  	[sflag:s17] =	ssyncset.done $0x0  }
0x117: {  	s20 =	sadd.s32 $0x5100, s11;
	[sflag:s17] =	ssyncadd.s32 $0xFFFFE000  }
0x118: {  	[tilespmem:s19], [sflag:$0x1] =	stream.indirect.gather [hbm4b:s5+s25], $0x40, s20, s25, $0xb8;
	[tilespmem:$0x18000] =	vst v63  }
0x119: {  	_ =	swait.ge [sflag:s29], $0x2000  }
0x11a: {  	[sflag:s29] =	ssyncset.done $0x0  }
0x11b: {  	s13 =	sadd.s32 $0x80, s11;
	[sflag:s29] =	ssyncadd.s32 $0xFFFFE000  }
0x11c: {  	[spmem:s3] =	stream.indirect.scatter.add.f32 [tilespmem:s26], [sflag:$0x3], $0x40, s13, s25, $0xb8;
	[tilespmem:$0x18000] =	vst v63  }
0x11d: {  	_ =	swait.ge [sflag:s17], $0x2000  }
0x11e: {  	[sflag:s17] =	ssyncset.done $0x0  }
0x11f: {  	[sflag:s17] =	ssyncadd.s32 $0xFFFFE000  }
0x120: {  	[tilespmem:s26], [sflag:$0x2] =	stream.indirect.gather [hbm4b:s5+s25], $0x40, s8, s25, $0xb8;
	[tilespmem:$0x18000] =	vst v63  }
0x121: {  	_ =	swait.ge [sflag:s28], $0x2000  }
0x122: {  	[sflag:s28] =	ssyncset.done $0x0  }
0x123: {  	s18 =	simm.s32 $0x4F00;
	[sflag:s28] =	ssyncadd.s32 $0xFFFFE000  }
0x124: {  	[spmem:s3] =	stream.indirect.scatter.add.f32 [tilespmem:s19], [sflag:$0x3], $0x40, s18, s25, $0xb8;
	[tilespmem:$0x18000] =	vst v63  }
0x125: {  	_ =	swait.ge [sflag:s17], $0x2000  }
0x126: {  	[sflag:s17] =	ssyncset.done $0x0  }
0x127: {  	[sflag:s17] =	ssyncadd.s32 $0xFFFFE000  }
0x128: {  	_ =	swait.ge [sflag:s29], $0x2000  }
0x129: {  	[sflag:s29] =	ssyncset.done $0x0  }
0x12a: {  	[sflag:s29] =	ssyncadd.s32 $0xFFFFE000  }
0x12b: {  	[spmem:s3] =	stream.indirect.scatter.add.f32 [tilespmem:s26], [sflag:$0x3], $0x40, s9, s25, $0xb8;
	[tilespmem:$0x18000] =	vst v63  }
0x12c: {  	_ =	swait.ge [sflag:s17], $0x2000  }
0x12d: {  	[sflag:s17] =	ssyncset.done $0x0  }
0x12e: {  	[sflag:s17] =	ssyncadd.s32 $0xFFFFE000  }
0x12f: {  	[bflag:$0x0] =	sbarrier.arrive $0xFFFF  }
0x130: {  	[tilespmem:s19], [sflag:$0x3] =	stream.linear.gather [spmem:s21], $0x2000, $0x38;
	[tilespmem:$0x18000] =	vst v63  }
0x131: {  	_ =	swait.ge [sflag:s17], $0x2000  }
0x132: {  	[sflag:s17] =	ssyncset.done $0x0  }
0x133: {  	s20 =	rddreg [dreg:$0x12];
	[sflag:s17] =	ssyncadd.s32 $0xFFFFE000  }
0x134: {  	[hbm4b:s20+s4] =	stream.linear.scatter [tilespmem:s19], [sflag:$0x3], $0x2000, $0x38;
	[tilespmem:$0x18000] =	vst v63  }
0x135: {  	_ =	swait.ge [sflag:s17], $0x2000  }
0x136: {  	[sflag:s17] =	ssyncset.done $0x0  }
0x137: {  	[sflag:s17] =	ssyncadd.s32 $0xFFFFE000  }
0x138: {  	[tilespmem:s19], [sflag:$0x3] =	stream.linear.gather [spmem:s22], $0x2000, $0x38;
	[tilespmem:$0x18000] =	vst v63  }
0x139: {  	_ =	swait.ge [sflag:s17], $0x2000  }
0x13a: {  	[sflag:s17] =	ssyncset.done $0x0  }
0x13b: {  	s12 =	rddreg [dreg:$0x16];
	[sflag:s17] =	ssyncadd.s32 $0xFFFFE000  }
0x13c: {  	[hbm4b:s12+s4] =	stream.linear.scatter [tilespmem:s19], [sflag:$0x3], $0x2000, $0x38;
	[tilespmem:$0x18000] =	vst v63  }
0x13d: {  	_ =	swait.ge [sflag:s17], $0x2000  }
0x13e: {  	[sflag:s17] =	ssyncset.done $0x0  }
0x13f: {  	[sflag:s17] =	ssyncadd.s32 $0xFFFFE000  }
0x140: {  	[tilespmem:s19], [sflag:$0x3] =	stream.linear.gather [spmem:s23], $0x2000, $0x38;
	[tilespmem:$0x18000] =	vst v63  }
0x141: {  	_ =	swait.ge [sflag:s17], $0x2000  }
0x142: {  	[sflag:s17] =	ssyncset.done $0x0  }
0x143: {  	s13 =	rddreg [dreg:$0x1a];
	[sflag:s17] =	ssyncadd.s32 $0xFFFFE000  }
0x144: {  	[hbm4b:s13+s4] =	stream.linear.scatter [tilespmem:s19], [sflag:$0x3], $0x2000, $0x38;
	[tilespmem:$0x18000] =	vst v63  }
0x145: {  	_ =	swait.ge [sflag:s17], $0x2000  }
0x146: {  	[sflag:s17] =	ssyncset.done $0x0  }
0x147: {  	[sflag:s17] =	ssyncadd.s32 $0xFFFFE000  }
0x148: {  	[tilespmem:s19], [sflag:$0x3] =	stream.linear.gather [spmem:s24], $0x2000, $0x38;
	[tilespmem:$0x18000] =	vst v63  }
0x149: {  	_ =	swait.ge [sflag:s17], $0x2000  }
0x14a: {  	[sflag:s17] =	ssyncset.done $0x0  }
0x14b: {  	s18 =	rddreg [dreg:$0x1e];
	[sflag:s17] =	ssyncadd.s32 $0xFFFFE000  }
0x14c: {  	[hbm4b:s18+s4] =	stream.linear.scatter [tilespmem:s19], [sflag:$0x3], $0x2000, $0x38;
	[tilespmem:$0x18000] =	vst v63  }
0x14d: {  	_ =	swait.ge [sflag:s17], $0x2000  }
0x14e: {  	[sflag:s17] =	ssyncset.done $0x0  }
0x14f: {  	[sflag:s17] =	ssyncadd.s32 $0xFFFFE000  }
0x150: {  	[tilespmem:s19], [sflag:$0x3] =	stream.linear.gather [spmem:s15], $0x1C00, $0x38;
	[tilespmem:$0x18000] =	vst v63  }
0x151: {  	_ =	swait.ge [sflag:s17], $0x1C00  }
0x152: {  	[sflag:s17] =	ssyncset.done $0x0  }
0x153: {  	s20 =	rddreg [dreg:$0xc];
	[sflag:s17] =	ssyncadd.s32 $0xFFFFE400  }
0x154: {  	[hbm4b:s20+s4] =	stream.linear.scatter [tilespmem:s19], [sflag:$0x3], $0x1C00, $0x38;
	[tilespmem:$0x18000] =	vst v63  }
.Ltmp9:
0x155: {  	_ = 	snop;
	(pc) =	sbr.rel @p1 .LBB2_20-.Ltmp9, $4  }
.Ltmp10:
0x156: {  	_ = 	snop;
	(pc) =	sbr.rel @!p1 .LBB2_21-.Ltmp10, $4  }
0x157: {  	_ =	swait.ge [sflag:s17], $0x1C00  }
0x158: {  	[sflag:s17] =	ssyncset.done $0x0  }
0x159: {  	s11 =	rddreg [dreg:$0x6];
	[sflag:s17] =	ssyncadd.s32 $0xFFFFE400  }
0x15a: {  	_ = 	snop  }
.LBB2_7:
0x15b: {  	s11 =	simm.s32 $0x0  }
0x15c: {  	[tilespmem:s19], [sflag:$0x1] =	stream.indirect.gather [hbm4b:s6+s25], $0x40, s11, s25, $0xb8;
	[tilespmem:$0x18000] =	vst v63  }
0x15d: {  	s12 =	simm.s32 $0x80  }
0x15e: {  	[tilespmem:s26], [sflag:$0x2] =	stream.indirect.gather [hbm4b:s6+s25], $0x40, s12, s25, $0xb8;
	[tilespmem:$0x18000] =	vst v63  }
0x15f: {  	_ =	swait.ge [sflag:s28], $0x2000  }
0x160: {  	[sflag:s28] =	ssyncset.done $0x0  }
0x161: {  	s13 =	simm.s32 $0x5000;
	[sflag:s28] =	ssyncadd.s32 $0xFFFFE000  }
0x162: {  	[spmem:s3] =	stream.indirect.scatter.add.f32 [tilespmem:s19], [sflag:$0x3], $0x40, s13, s25, $0xb8;
	[tilespmem:$0x18000] =	vst v63  }
0x163: {  	_ =	swait.ge [sflag:s17], $0x2000  }
0x164: {  	[sflag:s17] =	ssyncset.done $0x0  }
0x165: {  	s18 =	simm.s32 $0x100;
	[sflag:s17] =	ssyncadd.s32 $0xFFFFE000  }
0x166: {  	[tilespmem:s19], [sflag:$0x1] =	stream.indirect.gather [hbm4b:s6+s25], $0x40, s18, s25, $0xb8;
	[tilespmem:$0x18000] =	vst v63  }
0x167: {  	_ =	swait.ge [sflag:s29], $0x2000  }
0x168: {  	[sflag:s29] =	ssyncset.done $0x0  }
0x169: {  	s20 =	simm.s32 $0x5080;
	[sflag:s29] =	ssyncadd.s32 $0xFFFFE000  }
0x16a: {  	[spmem:s3] =	stream.indirect.scatter.add.f32 [tilespmem:s26], [sflag:$0x3], $0x40, s20, s25, $0xb8;
	[tilespmem:$0x18000] =	vst v63  }
0x16b: {  	_ =	swait.ge [sflag:s17], $0x2000  }
0x16c: {  	s11 =	simm.s32 $0x100;
	s12 =	simm.s32 $0x800;
	[sflag:s17] =	ssyncset.done $0x0  }
.LBB2_8:
0x16d: {  	s13 =	sadd.s32 $0x80, s11  }
0x16e: {  	[sflag:s17] =	ssyncadd.s32 $0xFFFFE000;
	s18 =	smov.u32 s12;
	s20 =	sadd.s32 $0x400, s12  }
0x16f: {  	[tilespmem:s26], [sflag:$0x2] =	stream.indirect.gather [hbm4b:s6+s25], $0x40, s13, s25, $0xb8;
	[tilespmem:$0x18000] =	vst v63  }
0x170: {  	p3 =	seq.s32 s12, $0x13800;
	_ =	swait.ge [sflag:s28], $0x2000  }
0x171: {  	[sflag:s28] =	ssyncset.done $0x0  }
0x172: {  	s12 =	sadd.s32 $0x5000, s11;
	[sflag:s28] =	ssyncadd.s32 $0xFFFFE000  }
0x173: {  	[spmem:s3] =	stream.indirect.scatter.add.f32 [tilespmem:s19], [sflag:$0x3], $0x40, s12, s25, $0xb8;
	[tilespmem:$0x18000] =	vst v63  }
0x174: {  	_ =	swait.ge [sflag:s17], $0x2000  }
0x175: {  	[sflag:s17] =	ssyncset.done $0x0  }
0x176: {  	s12 =	sadd.s32 $0x100, s11;
	[sflag:s17] =	ssyncadd.s32 $0xFFFFE000  }
0x177: {  	[tilespmem:s19], [sflag:$0x1] =	stream.indirect.gather [hbm4b:s6+s25], $0x40, s12, s25, $0xb8;
	[tilespmem:$0x18000] =	vst v63  }
0x178: {  	_ =	swait.ge [sflag:s29], $0x2000  }
.Ltmp11:
0x179: {  	[sflag:s29] =	ssyncset.done $0x0;
	(pc) =	sbr.rel @!p3 .LBB2_8-.Ltmp11, $4  }
0x17a: {  	s11 =	sadd.s32 $0x5080, s11;
	[sflag:s29] =	ssyncadd.s32 $0xFFFFE000  }
0x17b: {  	[spmem:s3] =	stream.indirect.scatter.add.f32 [tilespmem:s26], [sflag:$0x3], $0x40, s11, s25, $0xb8;
	[tilespmem:$0x18000] =	vst v63  }
0x17c: {  	_ =	swait.ge [sflag:s17], $0x2000  }
0x17d: {  	s12 =	smov.u32 s20;
	s11 =	sshra.s32 s18, $0x2;
	[sflag:s17] =	ssyncset.done $0x0  }
0x17e: {  	s12 =	sadd.s32 $0x80, s11;
	[sflag:s17] =	ssyncadd.s32 $0xFFFFE000  }
0x17f: {  	[tilespmem:s26], [sflag:$0x2] =	stream.indirect.gather [hbm4b:s6+s25], $0x40, s12, s25, $0xb8;
	[tilespmem:$0x18000] =	vst v63  }
0x180: {  	_ =	swait.ge [sflag:s28], $0x2000  }
0x181: {  	[sflag:s28] =	ssyncset.done $0x0  }
0x182: {  	s18 =	sadd.s32 $0x5000, s11;
	[sflag:s28] =	ssyncadd.s32 $0xFFFFE000  }
0x183: {  	[spmem:s3] =	stream.indirect.scatter.add.f32 [tilespmem:s19], [sflag:$0x3], $0x40, s18, s25, $0xb8;
	[tilespmem:$0x18000] =	vst v63  }
0x184: {  	_ =	swait.ge [sflag:s17], $0x2000  }
0x185: {  	[sflag:s17] =	ssyncset.done $0x0  }
0x186: {  	s20 =	sadd.s32 $0x100, s11;
	[sflag:s17] =	ssyncadd.s32 $0xFFFFE000  }
0x187: {  	[tilespmem:s19], [sflag:$0x1] =	stream.indirect.gather [hbm4b:s6+s25], $0x40, s20, s25, $0xb8;
	[tilespmem:$0x18000] =	vst v63  }
0x188: {  	_ =	swait.ge [sflag:s29], $0x2000  }
0x189: {  	[sflag:s29] =	ssyncset.done $0x0  }
0x18a: {  	s13 =	sadd.s32 $0x5080, s11;
	[sflag:s29] =	ssyncadd.s32 $0xFFFFE000  }
0x18b: {  	[spmem:s3] =	stream.indirect.scatter.add.f32 [tilespmem:s26], [sflag:$0x3], $0x40, s13, s25, $0xb8;
	[tilespmem:$0x18000] =	vst v63  }
0x18c: {  	_ =	swait.ge [sflag:s17], $0x2000  }
0x18d: {  	[sflag:s17] =	ssyncset.done $0x0  }
0x18e: {  	[sflag:s17] =	ssyncadd.s32 $0xFFFFE000  }
0x18f: {  	[tilespmem:s26], [sflag:$0x2] =	stream.indirect.gather [hbm4b:s6+s25], $0x40, s9, s25, $0xb8;
	[tilespmem:$0x18000] =	vst v63  }
0x190: {  	_ =	swait.ge [sflag:s28], $0x2000  }
0x191: {  	[sflag:s28] =	ssyncset.done $0x0  }
0x192: {  	s18 =	simm.s32 $0x9F00;
	[sflag:s28] =	ssyncadd.s32 $0xFFFFE000  }
0x193: {  	[spmem:s3] =	stream.indirect.scatter.add.f32 [tilespmem:s19], [sflag:$0x3], $0x40, s18, s25, $0xb8;
	[tilespmem:$0x18000] =	vst v63  }
0x194: {  	_ =	swait.ge [sflag:s17], $0x2000  }
0x195: {  	[sflag:s17] =	ssyncset.done $0x0  }
0x196: {  	[sflag:s17] =	ssyncadd.s32 $0xFFFFE000  }
0x197: {  	_ =	swait.ge [sflag:s29], $0x2000  }
0x198: {  	[sflag:s29] =	ssyncset.done $0x0  }
0x199: {  	[sflag:s29] =	ssyncadd.s32 $0xFFFFE000  }
0x19a: {  	[spmem:s3] =	stream.indirect.scatter.add.f32 [tilespmem:s26], [sflag:$0x3], $0x40, s8, s25, $0xb8;
	[tilespmem:$0x18000] =	vst v63  }
0x19b: {  	_ =	swait.ge [sflag:s17], $0x2000  }
0x19c: {  	[sflag:s17] =	ssyncset.done $0x0  }
0x19d: {  	[sflag:s17] =	ssyncadd.s32 $0xFFFFE000  }
0x19e: {  	[bflag:$0x0] =	sbarrier.arrive $0xFFFF  }
0x19f: {  	[tilespmem:s19], [sflag:$0x3] =	stream.linear.gather [spmem:s21], $0x2000, $0x38;
	[tilespmem:$0x18000] =	vst v63  }
0x1a0: {  	_ =	swait.ge [sflag:s17], $0x2000  }
0x1a1: {  	[sflag:s17] =	ssyncset.done $0x0  }
0x1a2: {  	s20 =	rddreg [dreg:$0xf];
	[sflag:s17] =	ssyncadd.s32 $0xFFFFE000  }
0x1a3: {  	[hbm4b:s20+s4] =	stream.linear.scatter [tilespmem:s19], [sflag:$0x3], $0x2000, $0x38;
	[tilespmem:$0x18000] =	vst v63  }
0x1a4: {  	_ =	swait.ge [sflag:s17], $0x2000  }
0x1a5: {  	[sflag:s17] =	ssyncset.done $0x0  }
0x1a6: {  	[sflag:s17] =	ssyncadd.s32 $0xFFFFE000  }
0x1a7: {  	[tilespmem:s19], [sflag:$0x3] =	stream.linear.gather [spmem:s22], $0x2000, $0x38;
	[tilespmem:$0x18000] =	vst v63  }
0x1a8: {  	_ =	swait.ge [sflag:s17], $0x2000  }
0x1a9: {  	[sflag:s17] =	ssyncset.done $0x0  }
0x1aa: {  	s12 =	rddreg [dreg:$0x13];
	[sflag:s17] =	ssyncadd.s32 $0xFFFFE000  }
0x1ab: {  	[hbm4b:s12+s4] =	stream.linear.scatter [tilespmem:s19], [sflag:$0x3], $0x2000, $0x38;
	[tilespmem:$0x18000] =	vst v63  }
0x1ac: {  	_ =	swait.ge [sflag:s17], $0x2000  }
0x1ad: {  	[sflag:s17] =	ssyncset.done $0x0  }
0x1ae: {  	[sflag:s17] =	ssyncadd.s32 $0xFFFFE000  }
0x1af: {  	[tilespmem:s19], [sflag:$0x3] =	stream.linear.gather [spmem:s23], $0x2000, $0x38;
	[tilespmem:$0x18000] =	vst v63  }
0x1b0: {  	_ =	swait.ge [sflag:s17], $0x2000  }
0x1b1: {  	[sflag:s17] =	ssyncset.done $0x0  }
0x1b2: {  	s13 =	rddreg [dreg:$0x17];
	[sflag:s17] =	ssyncadd.s32 $0xFFFFE000  }
0x1b3: {  	[hbm4b:s13+s4] =	stream.linear.scatter [tilespmem:s19], [sflag:$0x3], $0x2000, $0x38;
	[tilespmem:$0x18000] =	vst v63  }
0x1b4: {  	_ =	swait.ge [sflag:s17], $0x2000  }
0x1b5: {  	[sflag:s17] =	ssyncset.done $0x0  }
0x1b6: {  	[sflag:s17] =	ssyncadd.s32 $0xFFFFE000  }
0x1b7: {  	[tilespmem:s19], [sflag:$0x3] =	stream.linear.gather [spmem:s24], $0x2000, $0x38;
	[tilespmem:$0x18000] =	vst v63  }
0x1b8: {  	_ =	swait.ge [sflag:s17], $0x2000  }
0x1b9: {  	[sflag:s17] =	ssyncset.done $0x0  }
0x1ba: {  	s18 =	rddreg [dreg:$0x1b];
	[sflag:s17] =	ssyncadd.s32 $0xFFFFE000  }
0x1bb: {  	[hbm4b:s18+s4] =	stream.linear.scatter [tilespmem:s19], [sflag:$0x3], $0x2000, $0x38;
	[tilespmem:$0x18000] =	vst v63  }
0x1bc: {  	_ =	swait.ge [sflag:s17], $0x2000  }
0x1bd: {  	[sflag:s17] =	ssyncset.done $0x0  }
0x1be: {  	[sflag:s17] =	ssyncadd.s32 $0xFFFFE000  }
0x1bf: {  	[tilespmem:s19], [sflag:$0x3] =	stream.linear.gather [spmem:s15], $0x1C00, $0x38;
	[tilespmem:$0x18000] =	vst v63  }
0x1c0: {  	_ =	swait.ge [sflag:s17], $0x1C00  }
0x1c1: {  	[sflag:s17] =	ssyncset.done $0x0  }
0x1c2: {  	s20 =	rddreg [dreg:$0xb];
	[sflag:s17] =	ssyncadd.s32 $0xFFFFE400  }
0x1c3: {  	[hbm4b:s20+s4] =	stream.linear.scatter [tilespmem:s19], [sflag:$0x3], $0x1C00, $0x38;
	[tilespmem:$0x18000] =	vst v63  }
.Ltmp12:
0x1c4: {  	_ = 	snop;
	(pc) =	sbr.rel @p2 .LBB2_11-.Ltmp12, $4  }
.Ltmp13:
0x1c5: {  	_ = 	snop;
	(pc) =	sbr.rel @!p2 .LBB2_10-.Ltmp13, $4  }
0x1c6: {  	_ =	swait.ge [sflag:s17], $0x1C00  }
0x1c7: {  	[sflag:s17] =	ssyncset.done $0x0  }
0x1c8: {  	s11 =	rddreg [dreg:$0x5];
	[sflag:s17] =	ssyncadd.s32 $0xFFFFE400  }
0x1c9: {  	_ = 	snop  }
.LBB2_17:
0x1ca: {  	s11 =	simm.s32 $0x0  }
0x1cb: {  	[tilespmem:s19], [sflag:$0x1] =	stream.indirect.gather [hbm4b:s7+s25], $0x40, s11, s25, $0xb8;
	[tilespmem:$0x18000] =	vst v63  }
0x1cc: {  	s12 =	simm.s32 $0x80  }
0x1cd: {  	[tilespmem:s26], [sflag:$0x2] =	stream.indirect.gather [hbm4b:s7+s25], $0x40, s12, s25, $0xb8;
	[tilespmem:$0x18000] =	vst v63  }
0x1ce: {  	_ =	swait.ge [sflag:s28], $0x2000  }
0x1cf: {  	[sflag:s28] =	ssyncset.done $0x0  }
0x1d0: {  	s13 =	simm.s32 $0x5000;
	[sflag:s28] =	ssyncadd.s32 $0xFFFFE000  }
0x1d1: {  	[spmem:s3] =	stream.indirect.scatter.add.f32 [tilespmem:s19], [sflag:$0x3], $0x40, s13, s25, $0xb8;
	[tilespmem:$0x18000] =	vst v63  }
0x1d2: {  	_ =	swait.ge [sflag:s17], $0x2000  }
0x1d3: {  	[sflag:s17] =	ssyncset.done $0x0  }
0x1d4: {  	s18 =	simm.s32 $0x100;
	[sflag:s17] =	ssyncadd.s32 $0xFFFFE000  }
0x1d5: {  	[tilespmem:s19], [sflag:$0x1] =	stream.indirect.gather [hbm4b:s7+s25], $0x40, s18, s25, $0xb8;
	[tilespmem:$0x18000] =	vst v63  }
0x1d6: {  	_ =	swait.ge [sflag:s29], $0x2000  }
0x1d7: {  	[sflag:s29] =	ssyncset.done $0x0  }
0x1d8: {  	s20 =	simm.s32 $0x5080;
	[sflag:s29] =	ssyncadd.s32 $0xFFFFE000  }
0x1d9: {  	[spmem:s3] =	stream.indirect.scatter.add.f32 [tilespmem:s26], [sflag:$0x3], $0x40, s20, s25, $0xb8;
	[tilespmem:$0x18000] =	vst v63  }
0x1da: {  	_ =	swait.ge [sflag:s17], $0x2000  }
0x1db: {  	s11 =	simm.s32 $0x100;
	s12 =	simm.s32 $0x800;
	[sflag:s17] =	ssyncset.done $0x0  }
.LBB2_18:
0x1dc: {  	s13 =	sadd.s32 $0x80, s11  }
0x1dd: {  	[sflag:s17] =	ssyncadd.s32 $0xFFFFE000;
	s18 =	smov.u32 s12;
	s20 =	sadd.s32 $0x400, s12  }
0x1de: {  	[tilespmem:s26], [sflag:$0x2] =	stream.indirect.gather [hbm4b:s7+s25], $0x40, s13, s25, $0xb8;
	[tilespmem:$0x18000] =	vst v63  }
0x1df: {  	p3 =	seq.s32 s12, $0x13800;
	_ =	swait.ge [sflag:s28], $0x2000  }
0x1e0: {  	[sflag:s28] =	ssyncset.done $0x0  }
0x1e1: {  	s12 =	sadd.s32 $0x5000, s11;
	[sflag:s28] =	ssyncadd.s32 $0xFFFFE000  }
0x1e2: {  	[spmem:s3] =	stream.indirect.scatter.add.f32 [tilespmem:s19], [sflag:$0x3], $0x40, s12, s25, $0xb8;
	[tilespmem:$0x18000] =	vst v63  }
0x1e3: {  	_ =	swait.ge [sflag:s17], $0x2000  }
0x1e4: {  	[sflag:s17] =	ssyncset.done $0x0  }
0x1e5: {  	s12 =	sadd.s32 $0x100, s11;
	[sflag:s17] =	ssyncadd.s32 $0xFFFFE000  }
0x1e6: {  	[tilespmem:s19], [sflag:$0x1] =	stream.indirect.gather [hbm4b:s7+s25], $0x40, s12, s25, $0xb8;
	[tilespmem:$0x18000] =	vst v63  }
0x1e7: {  	_ =	swait.ge [sflag:s29], $0x2000  }
.Ltmp14:
0x1e8: {  	[sflag:s29] =	ssyncset.done $0x0;
	(pc) =	sbr.rel @!p3 .LBB2_18-.Ltmp14, $4  }
0x1e9: {  	s11 =	sadd.s32 $0x5080, s11;
	[sflag:s29] =	ssyncadd.s32 $0xFFFFE000  }
0x1ea: {  	[spmem:s3] =	stream.indirect.scatter.add.f32 [tilespmem:s26], [sflag:$0x3], $0x40, s11, s25, $0xb8;
	[tilespmem:$0x18000] =	vst v63  }
0x1eb: {  	_ =	swait.ge [sflag:s17], $0x2000  }
0x1ec: {  	s12 =	smov.u32 s20;
	s11 =	sshra.s32 s18, $0x2;
	[sflag:s17] =	ssyncset.done $0x0  }
0x1ed: {  	s12 =	sadd.s32 $0x80, s11;
	[sflag:s17] =	ssyncadd.s32 $0xFFFFE000  }
0x1ee: {  	[tilespmem:s26], [sflag:$0x2] =	stream.indirect.gather [hbm4b:s7+s25], $0x40, s12, s25, $0xb8;
	[tilespmem:$0x18000] =	vst v63  }
0x1ef: {  	_ =	swait.ge [sflag:s28], $0x2000  }
0x1f0: {  	[sflag:s28] =	ssyncset.done $0x0  }
0x1f1: {  	s18 =	sadd.s32 $0x5000, s11;
	[sflag:s28] =	ssyncadd.s32 $0xFFFFE000  }
0x1f2: {  	[spmem:s3] =	stream.indirect.scatter.add.f32 [tilespmem:s19], [sflag:$0x3], $0x40, s18, s25, $0xb8;
	[tilespmem:$0x18000] =	vst v63  }
0x1f3: {  	_ =	swait.ge [sflag:s17], $0x2000  }
0x1f4: {  	[sflag:s17] =	ssyncset.done $0x0  }
0x1f5: {  	s20 =	sadd.s32 $0x100, s11;
	[sflag:s17] =	ssyncadd.s32 $0xFFFFE000  }
0x1f6: {  	[tilespmem:s19], [sflag:$0x1] =	stream.indirect.gather [hbm4b:s7+s25], $0x40, s20, s25, $0xb8;
	[tilespmem:$0x18000] =	vst v63  }
0x1f7: {  	_ =	swait.ge [sflag:s29], $0x2000  }
0x1f8: {  	[sflag:s29] =	ssyncset.done $0x0  }
0x1f9: {  	s13 =	sadd.s32 $0x5080, s11;
	[sflag:s29] =	ssyncadd.s32 $0xFFFFE000  }
0x1fa: {  	[spmem:s3] =	stream.indirect.scatter.add.f32 [tilespmem:s26], [sflag:$0x3], $0x40, s13, s25, $0xb8;
	[tilespmem:$0x18000] =	vst v63  }
0x1fb: {  	_ =	swait.ge [sflag:s17], $0x2000  }
0x1fc: {  	[sflag:s17] =	ssyncset.done $0x0  }
0x1fd: {  	[sflag:s17] =	ssyncadd.s32 $0xFFFFE000  }
0x1fe: {  	[tilespmem:s26], [sflag:$0x2] =	stream.indirect.gather [hbm4b:s7+s25], $0x40, s9, s25, $0xb8;
	[tilespmem:$0x18000] =	vst v63  }
0x1ff: {  	_ =	swait.ge [sflag:s28], $0x2000  }
0x200: {  	[sflag:s28] =	ssyncset.done $0x0  }
0x201: {  	s18 =	simm.s32 $0x9F00;
	[sflag:s28] =	ssyncadd.s32 $0xFFFFE000  }
0x202: {  	[spmem:s3] =	stream.indirect.scatter.add.f32 [tilespmem:s19], [sflag:$0x3], $0x40, s18, s25, $0xb8;
	[tilespmem:$0x18000] =	vst v63  }
0x203: {  	_ =	swait.ge [sflag:s17], $0x2000  }
0x204: {  	[sflag:s17] =	ssyncset.done $0x0  }
0x205: {  	[sflag:s17] =	ssyncadd.s32 $0xFFFFE000  }
0x206: {  	_ =	swait.ge [sflag:s29], $0x2000  }
0x207: {  	[sflag:s29] =	ssyncset.done $0x0  }
0x208: {  	[sflag:s29] =	ssyncadd.s32 $0xFFFFE000  }
0x209: {  	[spmem:s3] =	stream.indirect.scatter.add.f32 [tilespmem:s26], [sflag:$0x3], $0x40, s8, s25, $0xb8;
	[tilespmem:$0x18000] =	vst v63  }
0x20a: {  	_ =	swait.ge [sflag:s17], $0x2000  }
0x20b: {  	[sflag:s17] =	ssyncset.done $0x0  }
0x20c: {  	[sflag:s17] =	ssyncadd.s32 $0xFFFFE000  }
0x20d: {  	[bflag:$0x0] =	sbarrier.arrive $0xFFFF  }
0x20e: {  	[tilespmem:s19], [sflag:$0x3] =	stream.linear.gather [spmem:s21], $0x2000, $0x38;
	[tilespmem:$0x18000] =	vst v63  }
0x20f: {  	_ =	swait.ge [sflag:s17], $0x2000  }
0x210: {  	[sflag:s17] =	ssyncset.done $0x0  }
0x211: {  	s20 =	rddreg [dreg:$0x11];
	[sflag:s17] =	ssyncadd.s32 $0xFFFFE000  }
0x212: {  	[hbm4b:s20+s4] =	stream.linear.scatter [tilespmem:s19], [sflag:$0x3], $0x2000, $0x38;
	[tilespmem:$0x18000] =	vst v63  }
0x213: {  	_ =	swait.ge [sflag:s17], $0x2000  }
0x214: {  	[sflag:s17] =	ssyncset.done $0x0  }
0x215: {  	[sflag:s17] =	ssyncadd.s32 $0xFFFFE000  }
0x216: {  	[tilespmem:s19], [sflag:$0x3] =	stream.linear.gather [spmem:s22], $0x2000, $0x38;
	[tilespmem:$0x18000] =	vst v63  }
0x217: {  	_ =	swait.ge [sflag:s17], $0x2000  }
0x218: {  	[sflag:s17] =	ssyncset.done $0x0  }
0x219: {  	s12 =	rddreg [dreg:$0x15];
	[sflag:s17] =	ssyncadd.s32 $0xFFFFE000  }
0x21a: {  	[hbm4b:s12+s4] =	stream.linear.scatter [tilespmem:s19], [sflag:$0x3], $0x2000, $0x38;
	[tilespmem:$0x18000] =	vst v63  }
0x21b: {  	_ =	swait.ge [sflag:s17], $0x2000  }
0x21c: {  	[sflag:s17] =	ssyncset.done $0x0  }
0x21d: {  	[sflag:s17] =	ssyncadd.s32 $0xFFFFE000  }
0x21e: {  	[tilespmem:s19], [sflag:$0x3] =	stream.linear.gather [spmem:s23], $0x2000, $0x38;
	[tilespmem:$0x18000] =	vst v63  }
0x21f: {  	_ =	swait.ge [sflag:s17], $0x2000  }
0x220: {  	[sflag:s17] =	ssyncset.done $0x0  }
0x221: {  	s13 =	rddreg [dreg:$0x19];
	[sflag:s17] =	ssyncadd.s32 $0xFFFFE000  }
0x222: {  	[hbm4b:s13+s4] =	stream.linear.scatter [tilespmem:s19], [sflag:$0x3], $0x2000, $0x38;
	[tilespmem:$0x18000] =	vst v63  }
0x223: {  	_ =	swait.ge [sflag:s17], $0x2000  }
0x224: {  	[sflag:s17] =	ssyncset.done $0x0  }
0x225: {  	[sflag:s17] =	ssyncadd.s32 $0xFFFFE000  }
0x226: {  	[tilespmem:s19], [sflag:$0x3] =	stream.linear.gather [spmem:s24], $0x2000, $0x38;
	[tilespmem:$0x18000] =	vst v63  }
0x227: {  	_ =	swait.ge [sflag:s17], $0x2000  }
0x228: {  	[sflag:s17] =	ssyncset.done $0x0  }
0x229: {  	s18 =	rddreg [dreg:$0x1d];
	[sflag:s17] =	ssyncadd.s32 $0xFFFFE000  }
0x22a: {  	[hbm4b:s18+s4] =	stream.linear.scatter [tilespmem:s19], [sflag:$0x3], $0x2000, $0x38;
	[tilespmem:$0x18000] =	vst v63  }
0x22b: {  	_ =	swait.ge [sflag:s17], $0x2000  }
0x22c: {  	[sflag:s17] =	ssyncset.done $0x0  }
0x22d: {  	[sflag:s17] =	ssyncadd.s32 $0xFFFFE000  }
0x22e: {  	[tilespmem:s19], [sflag:$0x3] =	stream.linear.gather [spmem:s15], $0x1C00, $0x38;
	[tilespmem:$0x18000] =	vst v63  }
0x22f: {  	_ =	swait.ge [sflag:s17], $0x1C00  }
0x230: {  	[sflag:s17] =	ssyncset.done $0x0  }
0x231: {  	s20 =	rddreg [dreg:$0xd];
	[sflag:s17] =	ssyncadd.s32 $0xFFFFE400  }
0x232: {  	[hbm4b:s20+s4] =	stream.linear.scatter [tilespmem:s19], [sflag:$0x3], $0x1C00, $0x38;
	[tilespmem:$0x18000] =	vst v63  }
.Ltmp15:
0x233: {  	_ = 	snop;
	(pc) =	sbr.rel @p2 .LBB2_21-.Ltmp15, $4  }
.Ltmp16:
0x234: {  	_ = 	snop;
	(pc) =	sbr.rel @!p2 .LBB2_20-.Ltmp16, $4  }
0x235: {  	_ =	swait.ge [sflag:s17], $0x1C00  }
0x236: {  	[sflag:s17] =	ssyncset.done $0x0  }
0x237: {  	s11 =	rddreg [dreg:$0x7];
	[sflag:s17] =	ssyncadd.s32 $0xFFFFE400  }
0x238: {  	_ = 	snop  }
.LBB2_22:
0x239: {  	_ =	sfence.sel $0x180000  }
0x23a: {  	[bflag:$0x0] =	sbarrier.arrive $0xFFFF  }
0x23b: {  	_ =	strace $0x9000004A  }
0x23c: {  	s0 =	stileid.u32;
	[bflag:$0x2] =	sbarrier.arrive $0xFFFF  }
0x23d: {  	p0 =	sne.s32 s0, $0x0;
	s0 =	rddreg [dreg:$0x3]  }
0x23e: {  	s0 =	sadd.s32 @!p0 $0x100000, s0  }
0x23f: {  	[sflag:s0] =	ssyncadd.tile.s32 @!p0 $0x1;
	_ =	shalt  }
.Lfunc_end2:
_tile_overlayer_lowered:
.L_overlay_start_2:
0x240: {  	(tag) =	ssettag $0x2  }
0x241: {  	s0 =	rddreg [dreg:$0x0];
	s2 =	stileid.u32  }
0x242: {  	s1 =	rddreg [dreg:$0x1];
	p0 =	sne.s32 s2, $0x0  }
0x243: {  	s3 =	rddreg [dreg:$0x2];
	[bflag:$0x3] =	sbarrier.arrive $0xFFFF;
	s2 =	simm.s32 @!p0 $0x1C03  }
0x244: {  	[timem:s3], [sflag:s2] =	dma.local @!p0 [hbm:s0], s1  }
0x245: {  	s0 =	simm.s32 @!p0 $0x3  }
0x246: {  	_ =	swait.ge @!p0 [sflag:s0], s1  }
0x247: {  	s1 =	ssub.s32 @!p0 $0x0, s1;
	[sflag:s0] =	ssyncset.done @!p0 $0x0  }
0x248: {  	[sflag:s0] =	ssyncadd.s32 @!p0 s1  }
0x249: {  	[bflag:$0x3] =	sbarrier.arrive $0xFFFF  }
0x24a: {  	_ =	shalt  }

</sc_bundles>
